<compile_context>
chip_gen: v7x
topology: tpu7x:2x2x1
jax: 0.10.2.dev20260603
libtpu: 0.0.44.dev20260713+nightly
codegen_flags: <defaults>
</compile_context>

<pallas_src>
import functools

import jax
import jax.numpy as jnp
from jax import lax
from jax.experimental import pallas as pl
from jax.experimental.pallas import tpu as pltpu
from jax.experimental.pallas import tpu_sc as plsc

L = 16


def _mesh_info():
    info = plsc.get_sparse_core_info()
    return info.num_cores, info.num_subcores


def _hist_body(nbins, rows_per_tile, nc, ns, src_hbm, dst_hbm, out_hbm,
               sidx_v, didx_v, hs_v, hd_v, tmp_v, red_v, stage_sh, sem):
    c = lax.axis_index("c")
    s = lax.axis_index("s")
    wid = s * nc + c
    bpt = nbins // ns

    def zero(i, _):
        z = jnp.zeros((L,), jnp.float32)
        hs_v[pl.ds(i * L, L)] = z
        hd_v[pl.ds(i * L, L)] = z
        return 0

    lax.fori_loop(0, nbins // L, zero, 0)

    pltpu.sync_copy(src_hbm.at[pl.ds(wid * rows_per_tile, rows_per_tile)],
                    sidx_v)
    pltpu.sync_copy(dst_hbm.at[pl.ds(wid * rows_per_tile, rows_per_tile)],
                    didx_v)
    ones = jnp.ones((L,), jnp.float32)

    def row(r, _):
        for g in range(128 // L):
            sl = pl.ds(g * L, L)
            plsc.addupdate_scatter(hs_v, [sidx_v[r, sl]], ones)
            plsc.addupdate_scatter(hd_v, [didx_v[r, sl]], ones)
        return 0

    lax.fori_loop(0, rows_per_tile, row, 0)

    pltpu.sync_copy(hs_v, stage_sh.at[s, 0])
    pltpu.sync_copy(hd_v, stage_sh.at[s, 1])
    plsc.subcore_barrier()
    for k in range(2):
        cp = pltpu.async_copy(stage_sh.at[:, k, pl.ds(s * bpt, bpt)],
                              tmp_v, sem)
        cp.wait()

        def red(i, _):
            sl = pl.ds(i * L, L)
            v = tmp_v[0, sl]
            for t in range(1, ns):
                v = v + tmp_v[t, sl]
            red_v[sl] = v
            return 0

        lax.fori_loop(0, bpt // L, red, 0)
        pltpu.sync_copy(red_v, out_hbm.at[c, k, pl.ds(s * bpt, bpt)])


def _agg_body(nbins, sup, rows_per_tile, nc, ns, half,
              h_hbm, src_hbm, dst_hbm, acc_hbm,
              si0, si1, di0, di1, b0, b1, b2, b3, fbuf0, fbuf1,
              acc_sh, s0, s1, s2, s3, ss0, ss1):
    c = lax.axis_index("c")
    s = lax.axis_index("s")
    bins_per_tile = nbins // ns
    slabs = bins_per_tile // 128
    hl = half // L
    groups = sup // L

    off = c * nbins
    brows = 4
    nchunks = rows_per_tile
    ngroups = nchunks // brows
    bufs = (b0, b1, b2, b3)
    sems = (s0, s1, s2, s3)

    def load_block(bi, si, di):
        r0 = s * rows_per_tile + bi * brows
        pltpu.sync_copy(src_hbm.at[pl.ds(r0, brows)], si)
        pltpu.sync_copy(dst_hbm.at[pl.ds(r0, brows)], di)

        def fix(r, _):
            for g in range(groups):
                sl = pl.ds(g * L, L)
                si[r, sl] = si[r, sl] + off
            return 0

        lax.fori_loop(0, brows, fix, 0)

    fbufs = (fbuf0, fbuf1)
    ssems = (ss0, ss1)

    def zslab(k, _):
        fbuf0[k // hl, pl.ds((k % hl) * L, L)] = jnp.zeros((L,),
                                                           jnp.float32)
        return 0

    lax.fori_loop(0, 128 * half // L, zslab, 0)

    for b in range(slabs):
        pltpu.sync_copy(fbuf0.at[pl.ds(0, 128)],
                        acc_sh.at[pl.ds(s * bins_per_tile + b * 128, 128)])
    plsc.subcore_barrier()

    def fire(ci, j, si):
        pltpu.async_copy(h_hbm.at[si.at[ci % brows]], bufs[j], sems[j])

    def drain(j):
        pltpu.make_async_copy(h_hbm.at[pl.ds(0, sup)], bufs[j],
                              sems[j]).wait()

    mask = jnp.int32(-65536)

    def expand(j, p):
        buf = bufs[j]
        fb = fbufs[p]

        def ex(r, _):
            for g in range(half // 32):
                x = buf[r, pl.ds(g * L, L)]
                lo = plsc.bitcast(lax.shift_left(x, 16), jnp.float32)
                hi = plsc.bitcast(lax.bitwise_and(x, mask), jnp.float32)
                fb[r, pl.ds(g * 32, L)] = lo
                fb[r, pl.ds(g * 32 + L, L)] = hi
            return 0

        lax.fori_loop(0, sup, ex, 0)

    def scat_fire(ci, p, di):
        pltpu.async_copy(fbufs[p], acc_sh.at[di.at[ci % brows]], ssems[p],
                         add=True)

    def scat_drain(p):
        pltpu.make_async_copy(fbufs[p], acc_sh.at[pl.ds(0, sup)],
                              ssems[p]).wait()

    load_block(0, si0, di0)
    fire(0, 0, si0)
    fire(1, 1, si0)
    fire(2, 2, si0)

    def body(it2, _):
        for p in range(2):
            it = 2 * it2 + p
            base = brows * it
            sip, dip = (si0, di0) if p == 0 else (si1, di1)
            siq, diq = (si1, di1) if p == 0 else (si0, di0)

            drain(0)
            fire(base + 3, 3, sip)

            @pl.when(base >= 2)
            def _():
                scat_drain(0)

            expand(0, 0)
            scat_fire(base, 0, dip)

            @pl.when(it + 1 < ngroups)
            def _():
                load_block(it + 1, siq, diq)

            for j in range(1, brows):
                drain(j)

                @pl.when(base + 3 + j < nchunks)
                def _(j=j):
                    fire(base + 3 + j, j - 1, siq)

                @pl.when(base + j >= 2)
                def _(j=j):
                    scat_drain(j % 2)

                expand(j, j % 2)
                scat_fire(base + j, j % 2, dip)
        return 0

    lax.fori_loop(0, ngroups // 2, body, 0)
    scat_drain(0)
    scat_drain(1)

    plsc.subcore_barrier()

    for b in range(slabs):
        r0 = s * bins_per_tile + b * 128
        pltpu.sync_copy(acc_sh.at[pl.ds(r0, 128)],
                        acc_hbm.at[c, pl.ds(r0, 128)])


def _pack_bf16(part):
    n, half = part.shape
    mask = jnp.int32(-65536)
    bits = lax.bitcast_convert_type(part, jnp.int32)
    words = []
    for g in range(half // 32):
        va = bits[:, g * 32:g * 32 + 16]
        vb = bits[:, g * 32 + 16:g * 32 + 32]
        words.append(lax.shift_right_logical(va, 16) | (vb & mask))
    return jnp.concatenate(words, axis=1)


def _prep_body(nc, hist_ref, feat_ref, hsplit_ref):
    deg = hist_ref[:, 0:1] + hist_ref[:, 1:2] + 1.0
    rs = lax.rsqrt(deg)
    h = feat_ref[...] * rs
    half = h.shape[1] // nc
    for i in range(nc):
        hsplit_ref[i] = _pack_bf16(h[:, i * half:(i + 1) * half])


def _unpack_bf16(packed):
    n, hw = packed.shape
    mask = jnp.int32(-65536)
    parts = []
    for g in range(hw // 16):
        w = packed[:, g * 16:(g + 1) * 16]
        parts.append(lax.bitcast_convert_type(lax.shift_left(w, 16),
                                              jnp.float32))
        parts.append(lax.bitcast_convert_type(w & mask, jnp.float32))
    return jnp.concatenate(parts, axis=1)


def _final_body(nc, acc_ref, hsplit_ref, dh_ref, out_ref):
    deg_in = dh_ref[:, 0:1] + dh_ref[:, 1:2] + 1.0
    rin = lax.rsqrt(deg_in)
    parts = [acc_ref[i] + _unpack_bf16(hsplit_ref[i]) for i in range(nc)]
    out_ref[...] = jnp.concatenate(parts, axis=1) * rin


@jax.jit
def kernel(features, edge_index):
    n, d = features.shape
    e = edge_index.shape[1]
    nc, ns = _mesh_info()
    nw = nc * ns
    half = d // nc
    sup = 256

    nbins = ((n + 128 * ns) // (128 * ns)) * (128 * ns)
    nsup = -(-e // sup)
    rows_per_tile = -(-nsup // (ns * 8)) * 8
    nsup_p = rows_per_tile * ns
    epad = nsup_p * sup - e

    src = edge_index[0].astype(jnp.int32)
    dst = edge_index[1].astype(jnp.int32)
    sent = jnp.full((epad,), n, jnp.int32)
    src_f = jnp.concatenate([src, sent])
    dst_f = jnp.concatenate([dst, sent])
    erows_p = nsup_p * sup // 128
    src2d = src_f.reshape(erows_p, 128)
    dst2d = dst_f.reshape(erows_p, 128)
    srcs = src_f.reshape(nsup_p, sup)
    dsts = dst_f.reshape(nsup_p, sup)

    mesh = plsc.VectorSubcoreMesh(core_axis_name="c", subcore_axis_name="s")
    sc_params = pltpu.CompilerParams(needs_layout_passes=False,
                                     use_tc_tiling_on_sc=False)

    hout = pl.kernel(
        functools.partial(_hist_body, nbins, erows_p // nw, nc, ns),
        out_type=jax.ShapeDtypeStruct((nc, 2, nbins), jnp.float32),
        mesh=mesh,
        scratch_types=[
            pltpu.VMEM((erows_p // nw, 128), jnp.int32),
            pltpu.VMEM((erows_p // nw, 128), jnp.int32),
            pltpu.VMEM((nbins,), jnp.float32),
            pltpu.VMEM((nbins,), jnp.float32),
            pltpu.VMEM((ns, nbins // ns), jnp.float32),
            pltpu.VMEM((nbins // ns,), jnp.float32),
            pltpu.VMEM_SHARED((ns, 2, nbins), jnp.float32),
            pltpu.SemaphoreType.DMA,
        ],
        compiler_params=sc_params,
    )(src2d, dst2d)
    hist_t = jnp.transpose(hout[:, 0])
    dh_t = jnp.transpose(hout[:, 1])
    feat_p = jnp.pad(features, ((0, nbins - n), (0, 0)))
    hw = half // 2
    bs = 1024

    hsplit3 = pl.pallas_call(
        functools.partial(_prep_body, nc),
        grid=(nbins // bs,),
        in_specs=[
            pl.BlockSpec((bs, 2), lambda i: (i, 0)),
            pl.BlockSpec((bs, d), lambda i: (i, 0)),
        ],
        out_specs=pl.BlockSpec((nc, bs, hw), lambda i: (0, i, 0)),
        out_shape=jax.ShapeDtypeStruct((nc, nbins, hw), jnp.int32),
    )(hist_t, feat_p)
    hsplit = hsplit3.reshape(nc * nbins, hw)

    acc = pl.kernel(
        functools.partial(_agg_body, nbins, sup, rows_per_tile, nc, ns,
                          half),
        out_type=jax.ShapeDtypeStruct((nc, nbins, half), jnp.float32),
        mesh=mesh,
        scratch_types=[
            pltpu.VMEM((4, sup), jnp.int32),
            pltpu.VMEM((4, sup), jnp.int32),
            pltpu.VMEM((4, sup), jnp.int32),
            pltpu.VMEM((4, sup), jnp.int32),
            pltpu.VMEM((sup, half // 2), jnp.int32),
            pltpu.VMEM((sup, half // 2), jnp.int32),
            pltpu.VMEM((sup, half // 2), jnp.int32),
            pltpu.VMEM((sup, half // 2), jnp.int32),
            pltpu.VMEM((sup, half), jnp.float32),
            pltpu.VMEM((sup, half), jnp.float32),
            pltpu.VMEM_SHARED((nbins, half), jnp.float32),
            pltpu.SemaphoreType.DMA,
            pltpu.SemaphoreType.DMA,
            pltpu.SemaphoreType.DMA,
            pltpu.SemaphoreType.DMA,
            pltpu.SemaphoreType.DMA,
            pltpu.SemaphoreType.DMA,
        ],
        compiler_params=sc_params,
    )(hsplit, srcs, dsts)

    bs2 = 1000 if n % 1000 == 0 else n
    out = pl.pallas_call(
        functools.partial(_final_body, nc),
        grid=(n // bs2,),
        in_specs=[
            pl.BlockSpec((nc, bs2, half), lambda i: (0, i, 0)),
            pl.BlockSpec((nc, bs2, hw), lambda i: (0, i, 0)),
            pl.BlockSpec((bs2, 2), lambda i: (i, 0)),
        ],
        out_specs=pl.BlockSpec((bs2, d), lambda i: (i, 0)),
        out_shape=jax.ShapeDtypeStruct((n, d), jnp.float32),
    )(acc, hsplit3, dh_t)

    return out

# --- scband reference (transcript-rebuilt; emitter-appended) ---
"""Pipeline reference for scband-light-conv-661424963755 (READ-ONLY COPY).

The authoritative reference and input builder live on the scoring server;
editing this copy changes nothing except your own understanding.
"""

import jax, jax.numpy as jnp
import numpy as np

N = 10000
E = 320000
D = 128


def setup_inputs(seed: int = 0) -> dict:
    key = jax.random.key(seed)
    k1, k2 = jax.random.split(key)
    features = jax.random.normal(k1, (N, D), dtype=jnp.float32)
    edge_index = jax.random.randint(k2, (2, E), 0, N).astype(jnp.int64)
    return {"features": features, "edge_index": edge_index}


def reference(features, edge_index):
    # LightConv with norm='both' on graph with self-loops added (dgl.add_self_loop)
    n = features.shape[0]
    loop = jnp.arange(n, dtype=edge_index.dtype)
    src = jnp.concatenate([edge_index[0], loop])
    dst = jnp.concatenate([edge_index[1], loop])
    # out-degree normalization (left side of 'both')
    deg_out = jnp.zeros((n,), dtype=features.dtype).at[src].add(1.0)
    deg_out = jnp.clip(deg_out, 1.0, None)
    h = features * (deg_out ** -0.5)[:, None]
    # copy_src message + sum reduce == scatter-add of gathered src features to dst
    msg = jnp.take(h, src, axis=0)
    out = jnp.zeros_like(features).at[dst].add(msg)
    # in-degree normalization (right side of 'both')
    deg_in = jnp.zeros((n,), dtype=features.dtype).at[dst].add(1.0)
    deg_in = jnp.clip(deg_in, 1.0, None)
    out = out * (deg_in ** -0.5)[:, None]
    return out

if __name__ == "__main__":
    import jax
    _d = setup_inputs()
    print(jax.jit(kernel)(*tuple(_d.values())))

</pallas_src>

<mosaic_0001>
#map = affine_map<(d0, d1) -> (0, 0)>
#map1 = affine_map<(d0, d1) -> (0, 0, 0)>
module attributes {stable_mosaic.version = 14 : i64} {
  func.func @_hist_body(%arg0: i32, %arg1: i32, %arg2: memref<2560x128xi32, #tpu.memory_space<hbm>>, %arg3: memref<2560x128xi32, #tpu.memory_space<hbm>>, %arg4: memref<2x2x10240xf32, #tpu.memory_space<hbm>>, %arg5: memref<80x128xi32, #tpu.memory_space<vmem>>, %arg6: memref<80x128xi32, #tpu.memory_space<vmem>>, %arg7: memref<10240xf32, #tpu.memory_space<vmem>>, %arg8: memref<10240xf32, #tpu.memory_space<vmem>>, %arg9: memref<16x640xf32, #tpu.memory_space<vmem>>, %arg10: memref<640xf32, #tpu.memory_space<vmem>>, %arg11: memref<16x2x10240xf32, #tpu.memory_space<vmem_shared>>, %arg12: memref<!tpu.dma_semaphore, #tpu.memory_space<semaphore_mem>>) attributes {dimension_semantics = [#tpu.dimension_semantics<core_parallel>, #tpu.dimension_semantics<subcore_parallel>], iteration_bounds = array<i64: 2, 16>, scalar_prefetch = 0 : i64, scratch_operands = 8 : i64, tpu.core_type = #tpu.core_type<sc_vector_subcore>, window_params = [{transform_indices = #map}, {transform_indices = #map}, {transform_indices = #map1}]} {
    %mul3A = arith.constant 2 : i32
    %mul3A_0 = arith.muli %arg1, %mul3A : i32
    %add3A = arith.addi %mul3A_0, %arg0 : i32
    %scan3A = arith.constant 0 : i32
    %scan3A_1 = arith.constant 0 : i32
    %scan3A_2 = arith.constant 640 : i32
    %scan3A_3 = arith.addi %scan3A_1, %scan3A_2 : i32
    %scan3A_4 = arith.constant 1 : i32
    %scan3A_5 = scf.for %scan3A_70 = %scan3A_1 to %scan3A_3 step %scan3A_4 iter_args(%scan3A_71 = %scan3A) -> (i32)  : i32 {
      %broadcast_in_dim3A_72 = arith.constant 0.000000e+00 : f32
      %broadcast_in_dim3A_73 = vector.broadcast %broadcast_in_dim3A_72 : f32 to vector<16xf32>
      %mul3A_74 = arith.constant 16 : i32
      %mul3A_75 = arith.muli %scan3A_70, %mul3A_74 : i32
      %swap3A = arith.index_cast %mul3A_75 : i32 to index
      %swap3A_76 = tpu.vector_load %arg7[%swap3A] {strides = array<i32>} : memref<10240xf32, #tpu.memory_space<vmem>>, vector<16xf32>,
      tpu.vector_store %arg7[%swap3A], %broadcast_in_dim3A_73 {strides = array<i32>} : memref<10240xf32, #tpu.memory_space<vmem>>, vector<16xf32>,
      %mul3A_77 = arith.constant 16 : i32
      %mul3A_78 = arith.muli %scan3A_70, %mul3A_77 : i32
      %swap3A_79 = arith.index_cast %mul3A_78 : i32 to index
      %swap3A_80 = tpu.vector_load %arg8[%swap3A_79] {strides = array<i32>} : memref<10240xf32, #tpu.memory_space<vmem>>, vector<16xf32>,
      tpu.vector_store %arg8[%swap3A_79], %broadcast_in_dim3A_73 {strides = array<i32>} : memref<10240xf32, #tpu.memory_space<vmem>>, vector<16xf32>,
      %scan3A_81 = arith.constant 0 : i32
      scf.yield %scan3A_81 : i32
    }
    %scan3A_6 = arith.constant 640 : i32
    %mul3A_7 = arith.constant 80 : i32
    %mul3A_8 = arith.muli %add3A, %mul3A_7 : i32
    "tpu.region"() ({
      %run_scoped3A_70 = tpu.sem_alloc : memref<!tpu.dma_semaphore, #tpu.memory_space<semaphore_mem>>
      %dma_start3A_71 = arith.constant 0 : i32
      %dma_start3A_72 = tpu.memref_slice %arg2[%mul3A_8, %dma_start3A_71] : memref<2560x128xi32, #tpu.memory_space<hbm>> -> memref<80x128xi32, #tpu.memory_space<hbm>>
      %dma_start3A_73 = arith.constant 0 : i32
      %dma_start3A_74 = tpu.memref_slice %arg2[%mul3A_8, %dma_start3A_73] : memref<2560x128xi32, #tpu.memory_space<hbm>> -> memref<80x128xi32, #tpu.memory_space<hbm>>
      tpu.enqueue_dma source(%dma_start3A_74 : memref<80x128xi32, #tpu.memory_space<hbm>>) target(%arg5 : memref<80x128xi32, #tpu.memory_space<vmem>>) target_semaphore(%run_scoped3A_70 : memref<!tpu.dma_semaphore, #tpu.memory_space<semaphore_mem>>)
      %dma_wait3A_75 = arith.constant 0 : i32
      %dma_wait3A_76 = tpu.memref_slice %arg2[%mul3A_8, %dma_wait3A_75] : memref<2560x128xi32, #tpu.memory_space<hbm>> -> memref<80x128xi32, #tpu.memory_space<hbm>>
      %dma_wait3A_77 = arith.constant 0 : i32
      %dma_wait3A_78 = tpu.memref_slice %arg2[%mul3A_8, %dma_wait3A_77] : memref<2560x128xi32, #tpu.memory_space<hbm>> -> memref<80x128xi32, #tpu.memory_space<hbm>>
      tpu.wait_dma2 semaphore(%run_scoped3A_70 : memref<!tpu.dma_semaphore, #tpu.memory_space<semaphore_mem>>) src(%dma_wait3A_78 : memref<80x128xi32, #tpu.memory_space<hbm>>) dst(%arg5 : memref<80x128xi32, #tpu.memory_space<vmem>>)
      tpu.yield
    }) : () -> ()
    %mul3A_9 = arith.constant 80 : i32
    %mul3A_10 = arith.muli %add3A, %mul3A_9 : i32
    "tpu.region"() ({
      %run_scoped3A_70 = tpu.sem_alloc : memref<!tpu.dma_semaphore, #tpu.memory_space<semaphore_mem>>
      %dma_start3A_71 = arith.constant 0 : i32
      %dma_start3A_72 = tpu.memref_slice %arg3[%mul3A_10, %dma_start3A_71] : memref<2560x128xi32, #tpu.memory_space<hbm>> -> memref<80x128xi32, #tpu.memory_space<hbm>>
      %dma_start3A_73 = arith.constant 0 : i32
      %dma_start3A_74 = tpu.memref_slice %arg3[%mul3A_10, %dma_start3A_73] : memref<2560x128xi32, #tpu.memory_space<hbm>> -> memref<80x128xi32, #tpu.memory_space<hbm>>
      tpu.enqueue_dma source(%dma_start3A_74 : memref<80x128xi32, #tpu.memory_space<hbm>>) target(%arg6 : memref<80x128xi32, #tpu.memory_space<vmem>>) target_semaphore(%run_scoped3A_70 : memref<!tpu.dma_semaphore, #tpu.memory_space<semaphore_mem>>)
      %dma_wait3A_75 = arith.constant 0 : i32
      %dma_wait3A_76 = tpu.memref_slice %arg3[%mul3A_10, %dma_wait3A_75] : memref<2560x128xi32, #tpu.memory_space<hbm>> -> memref<80x128xi32, #tpu.memory_space<hbm>>
      %dma_wait3A_77 = arith.constant 0 : i32
      %dma_wait3A_78 = tpu.memref_slice %arg3[%mul3A_10, %dma_wait3A_77] : memref<2560x128xi32, #tpu.memory_space<hbm>> -> memref<80x128xi32, #tpu.memory_space<hbm>>
      tpu.wait_dma2 semaphore(%run_scoped3A_70 : memref<!tpu.dma_semaphore, #tpu.memory_space<semaphore_mem>>) src(%dma_wait3A_78 : memref<80x128xi32, #tpu.memory_space<hbm>>) dst(%arg6 : memref<80x128xi32, #tpu.memory_space<vmem>>)
      tpu.yield
    }) : () -> ()
    %broadcast_in_dim3A = arith.constant 1.000000e+00 : f32
    %broadcast_in_dim3A_11 = vector.broadcast %broadcast_in_dim3A : f32 to vector<16xf32>
    %scan3A_12 = arith.constant 0 : i32
    %scan3A_13 = arith.constant 0 : i32
    %scan3A_14 = arith.constant 80 : i32
    %scan3A_15 = arith.addi %scan3A_13, %scan3A_14 : i32
    %scan3A_16 = arith.constant 1 : i32
    %scan3A_17 = scf.for %scan3A_70 = %scan3A_13 to %scan3A_15 step %scan3A_16 iter_args(%scan3A_71 = %scan3A_12) -> (i32)  : i32 {
      %get3A = arith.index_cast %scan3A_70 : i32 to index
      %get3A_72 = arith.constant 0 : index
      %get3A_73 = tpu.vector_load %arg5[%get3A, %get3A_72] {strides = array<i32>} : memref<80x128xi32, #tpu.memory_space<vmem>>, vector<16xi32>,
      tpu.vector_store_idx %arg7[%get3A_73], %broadcast_in_dim3A_11 {add = true} : memref<10240xf32, #tpu.memory_space<vmem>>[vector<16xi32>], vector<16xf32>,
      %get3A_74 = arith.index_cast %scan3A_70 : i32 to index
      %get3A_75 = arith.constant 0 : index
      %get3A_76 = tpu.vector_load %arg6[%get3A_74, %get3A_75] {strides = array<i32>} : memref<80x128xi32, #tpu.memory_space<vmem>>, vector<16xi32>,
      tpu.vector_store_idx %arg8[%get3A_76], %broadcast_in_dim3A_11 {add = true} : memref<10240xf32, #tpu.memory_space<vmem>>[vector<16xi32>], vector<16xf32>,
      %get3A_77 = arith.index_cast %scan3A_70 : i32 to index
      %get3A_78 = arith.constant 16 : index
      %get3A_79 = tpu.vector_load %arg5[%get3A_77, %get3A_78] {strides = array<i32>} : memref<80x128xi32, #tpu.memory_space<vmem>>, vector<16xi32>,
      tpu.vector_store_idx %arg7[%get3A_79], %broadcast_in_dim3A_11 {add = true} : memref<10240xf32, #tpu.memory_space<vmem>>[vector<16xi32>], vector<16xf32>,
      %get3A_80 = arith.index_cast %scan3A_70 : i32 to index
      %get3A_81 = arith.constant 16 : index
      %get3A_82 = tpu.vector_load %arg6[%get3A_80, %get3A_81] {strides = array<i32>} : memref<80x128xi32, #tpu.memory_space<vmem>>, vector<16xi32>,
      tpu.vector_store_idx %arg8[%get3A_82], %broadcast_in_dim3A_11 {add = true} : memref<10240xf32, #tpu.memory_space<vmem>>[vector<16xi32>], vector<16xf32>,
      %get3A_83 = arith.index_cast %scan3A_70 : i32 to index
      %get3A_84 = arith.constant 32 : index
      %get3A_85 = tpu.vector_load %arg5[%get3A_83, %get3A_84] {strides = array<i32>} : memref<80x128xi32, #tpu.memory_space<vmem>>, vector<16xi32>,
      tpu.vector_store_idx %arg7[%get3A_85], %broadcast_in_dim3A_11 {add = true} : memref<10240xf32, #tpu.memory_space<vmem>>[vector<16xi32>], vector<16xf32>,
      %get3A_86 = arith.index_cast %scan3A_70 : i32 to index
      %get3A_87 = arith.constant 32 : index
      %get3A_88 = tpu.vector_load %arg6[%get3A_86, %get3A_87] {strides = array<i32>} : memref<80x128xi32, #tpu.memory_space<vmem>>, vector<16xi32>,
      tpu.vector_store_idx %arg8[%get3A_88], %broadcast_in_dim3A_11 {add = true} : memref<10240xf32, #tpu.memory_space<vmem>>[vector<16xi32>], vector<16xf32>,
      %get3A_89 = arith.index_cast %scan3A_70 : i32 to index
      %get3A_90 = arith.constant 48 : index
      %get3A_91 = tpu.vector_load %arg5[%get3A_89, %get3A_90] {strides = array<i32>} : memref<80x128xi32, #tpu.memory_space<vmem>>, vector<16xi32>,
      tpu.vector_store_idx %arg7[%get3A_91], %broadcast_in_dim3A_11 {add = true} : memref<10240xf32, #tpu.memory_space<vmem>>[vector<16xi32>], vector<16xf32>,
      %get3A_92 = arith.index_cast %scan3A_70 : i32 to index
      %get3A_93 = arith.constant 48 : index
      %get3A_94 = tpu.vector_load %arg6[%get3A_92, %get3A_93] {strides = array<i32>} : memref<80x128xi32, #tpu.memory_space<vmem>>, vector<16xi32>,
      tpu.vector_store_idx %arg8[%get3A_94], %broadcast_in_dim3A_11 {add = true} : memref<10240xf32, #tpu.memory_space<vmem>>[vector<16xi32>], vector<16xf32>,
      %get3A_95 = arith.index_cast %scan3A_70 : i32 to index
      %get3A_96 = arith.constant 64 : index
      %get3A_97 = tpu.vector_load %arg5[%get3A_95, %get3A_96] {strides = array<i32>} : memref<80x128xi32, #tpu.memory_space<vmem>>, vector<16xi32>,
      tpu.vector_store_idx %arg7[%get3A_97], %broadcast_in_dim3A_11 {add = true} : memref<10240xf32, #tpu.memory_space<vmem>>[vector<16xi32>], vector<16xf32>,
      %get3A_98 = arith.index_cast %scan3A_70 : i32 to index
      %get3A_99 = arith.constant 64 : index
      %get3A_100 = tpu.vector_load %arg6[%get3A_98, %get3A_99] {strides = array<i32>} : memref<80x128xi32, #tpu.memory_space<vmem>>, vector<16xi32>,
      tpu.vector_store_idx %arg8[%get3A_100], %broadcast_in_dim3A_11 {add = true} : memref<10240xf32, #tpu.memory_space<vmem>>[vector<16xi32>], vector<16xf32>,
      %get3A_101 = arith.index_cast %scan3A_70 : i32 to index
      %get3A_102 = arith.constant 80 : index
      %get3A_103 = tpu.vector_load %arg5[%get3A_101, %get3A_102] {strides = array<i32>} : memref<80x128xi32, #tpu.memory_space<vmem>>, vector<16xi32>,
      tpu.vector_store_idx %arg7[%get3A_103], %broadcast_in_dim3A_11 {add = true} : memref<10240xf32, #tpu.memory_space<vmem>>[vector<16xi32>], vector<16xf32>,
      %get3A_104 = arith.index_cast %scan3A_70 : i32 to index
      %get3A_105 = arith.constant 80 : index
      %get3A_106 = tpu.vector_load %arg6[%get3A_104, %get3A_105] {strides = array<i32>} : memref<80x128xi32, #tpu.memory_space<vmem>>, vector<16xi32>,
      tpu.vector_store_idx %arg8[%get3A_106], %broadcast_in_dim3A_11 {add = true} : memref<10240xf32, #tpu.memory_space<vmem>>[vector<16xi32>], vector<16xf32>,
      %get3A_107 = arith.index_cast %scan3A_70 : i32 to index
      %get3A_108 = arith.constant 96 : index
      %get3A_109 = tpu.vector_load %arg5[%get3A_107, %get3A_108] {strides = array<i32>} : memref<80x128xi32, #tpu.memory_space<vmem>>, vector<16xi32>,
      tpu.vector_store_idx %arg7[%get3A_109], %broadcast_in_dim3A_11 {add = true} : memref<10240xf32, #tpu.memory_space<vmem>>[vector<16xi32>], vector<16xf32>,
      %get3A_110 = arith.index_cast %scan3A_70 : i32 to index
      %get3A_111 = arith.constant 96 : index
      %get3A_112 = tpu.vector_load %arg6[%get3A_110, %get3A_111] {strides = array<i32>} : memref<80x128xi32, #tpu.memory_space<vmem>>, vector<16xi32>,
      tpu.vector_store_idx %arg8[%get3A_112], %broadcast_in_dim3A_11 {add = true} : memref<10240xf32, #tpu.memory_space<vmem>>[vector<16xi32>], vector<16xf32>,
      %get3A_113 = arith.index_cast %scan3A_70 : i32 to index
      %get3A_114 = arith.constant 112 : index
      %get3A_115 = tpu.vector_load %arg5[%get3A_113, %get3A_114] {strides = array<i32>} : memref<80x128xi32, #tpu.memory_space<vmem>>, vector<16xi32>,
      tpu.vector_store_idx %arg7[%get3A_115], %broadcast_in_dim3A_11 {add = true} : memref<10240xf32, #tpu.memory_space<vmem>>[vector<16xi32>], vector<16xf32>,
      %get3A_116 = arith.index_cast %scan3A_70 : i32 to index
      %get3A_117 = arith.constant 112 : index
      %get3A_118 = tpu.vector_load %arg6[%get3A_116, %get3A_117] {strides = array<i32>} : memref<80x128xi32, #tpu.memory_space<vmem>>, vector<16xi32>,
      tpu.vector_store_idx %arg8[%get3A_118], %broadcast_in_dim3A_11 {add = true} : memref<10240xf32, #tpu.memory_space<vmem>>[vector<16xi32>], vector<16xf32>,
      %scan3A_119 = arith.constant 0 : i32
      scf.yield %scan3A_119 : i32
    }
    %scan3A_18 = arith.constant 80 : i32
    %run_scoped3A = arith.constant 0 : i32
    "tpu.region"() ({
      %run_scoped3A_70 = tpu.sem_alloc : memref<!tpu.dma_semaphore, #tpu.memory_space<semaphore_mem>>
      %dma_start3A_71 = arith.constant 0 : i32
      %dma_start3A_72 = tpu.memref_slice %arg11[%arg1, %run_scoped3A, %dma_start3A_71] : memref<16x2x10240xf32, #tpu.memory_space<vmem_shared>> -> memref<1x1x10240xf32, #tpu.memory_space<vmem_shared>>
      %dma_start3A_73 = tpu.memref_squeeze %dma_start3A_72 : memref<1x1x10240xf32, #tpu.memory_space<vmem_shared>> -> memref<10240xf32, #tpu.memory_space<vmem_shared>>
      %dma_start3A_74 = arith.constant 0 : i32
      %dma_start3A_75 = tpu.memref_slice %arg11[%arg1, %run_scoped3A, %dma_start3A_74] : memref<16x2x10240xf32, #tpu.memory_space<vmem_shared>> -> memref<1x1x10240xf32, #tpu.memory_space<vmem_shared>>
      %dma_start3A_76 = tpu.memref_squeeze %dma_start3A_75 : memref<1x1x10240xf32, #tpu.memory_space<vmem_shared>> -> memref<10240xf32, #tpu.memory_space<vmem_shared>>
      tpu.enqueue_dma source(%arg7 : memref<10240xf32, #tpu.memory_space<vmem>>) target(%dma_start3A_76 : memref<10240xf32, #tpu.memory_space<vmem_shared>>) target_semaphore(%run_scoped3A_70 : memref<!tpu.dma_semaphore, #tpu.memory_space<semaphore_mem>>)
      %dma_wait3A_77 = arith.constant 0 : i32
      %dma_wait3A_78 = tpu.memref_slice %arg11[%arg1, %run_scoped3A, %dma_wait3A_77] : memref<16x2x10240xf32, #tpu.memory_space<vmem_shared>> -> memref<1x1x10240xf32, #tpu.memory_space<vmem_shared>>
      %dma_wait3A_79 = tpu.memref_squeeze %dma_wait3A_78 : memref<1x1x10240xf32, #tpu.memory_space<vmem_shared>> -> memref<10240xf32, #tpu.memory_space<vmem_shared>>
      %dma_wait3A_80 = arith.constant 0 : i32
      %dma_wait3A_81 = tpu.memref_slice %arg11[%arg1, %run_scoped3A, %dma_wait3A_80] : memref<16x2x10240xf32, #tpu.memory_space<vmem_shared>> -> memref<1x1x10240xf32, #tpu.memory_space<vmem_shared>>
      %dma_wait3A_82 = tpu.memref_squeeze %dma_wait3A_81 : memref<1x1x10240xf32, #tpu.memory_space<vmem_shared>> -> memref<10240xf32, #tpu.memory_space<vmem_shared>>
      tpu.wait_dma2 semaphore(%run_scoped3A_70 : memref<!tpu.dma_semaphore, #tpu.memory_space<semaphore_mem>>) src(%arg7 : memref<10240xf32, #tpu.memory_space<vmem>>) dst(%dma_wait3A_82 : memref<10240xf32, #tpu.memory_space<vmem_shared>>)
      tpu.yield
    }) : () -> ()
    %run_scoped3A_19 = arith.constant 1 : i32
    "tpu.region"() ({
      %run_scoped3A_70 = tpu.sem_alloc : memref<!tpu.dma_semaphore, #tpu.memory_space<semaphore_mem>>
      %dma_start3A_71 = arith.constant 0 : i32
      %dma_start3A_72 = tpu.memref_slice %arg11[%arg1, %run_scoped3A_19, %dma_start3A_71] : memref<16x2x10240xf32, #tpu.memory_space<vmem_shared>> -> memref<1x1x10240xf32, #tpu.memory_space<vmem_shared>>
      %dma_start3A_73 = tpu.memref_squeeze %dma_start3A_72 : memref<1x1x10240xf32, #tpu.memory_space<vmem_shared>> -> memref<10240xf32, #tpu.memory_space<vmem_shared>>
      %dma_start3A_74 = arith.constant 0 : i32
      %dma_start3A_75 = tpu.memref_slice %arg11[%arg1, %run_scoped3A_19, %dma_start3A_74] : memref<16x2x10240xf32, #tpu.memory_space<vmem_shared>> -> memref<1x1x10240xf32, #tpu.memory_space<vmem_shared>>
      %dma_start3A_76 = tpu.memref_squeeze %dma_start3A_75 : memref<1x1x10240xf32, #tpu.memory_space<vmem_shared>> -> memref<10240xf32, #tpu.memory_space<vmem_shared>>
      tpu.enqueue_dma source(%arg8 : memref<10240xf32, #tpu.memory_space<vmem>>) target(%dma_start3A_76 : memref<10240xf32, #tpu.memory_space<vmem_shared>>) target_semaphore(%run_scoped3A_70 : memref<!tpu.dma_semaphore, #tpu.memory_space<semaphore_mem>>)
      %dma_wait3A_77 = arith.constant 0 : i32
      %dma_wait3A_78 = tpu.memref_slice %arg11[%arg1, %run_scoped3A_19, %dma_wait3A_77] : memref<16x2x10240xf32, #tpu.memory_space<vmem_shared>> -> memref<1x1x10240xf32, #tpu.memory_space<vmem_shared>>
      %dma_wait3A_79 = tpu.memref_squeeze %dma_wait3A_78 : memref<1x1x10240xf32, #tpu.memory_space<vmem_shared>> -> memref<10240xf32, #tpu.memory_space<vmem_shared>>
      %dma_wait3A_80 = arith.constant 0 : i32
      %dma_wait3A_81 = tpu.memref_slice %arg11[%arg1, %run_scoped3A_19, %dma_wait3A_80] : memref<16x2x10240xf32, #tpu.memory_space<vmem_shared>> -> memref<1x1x10240xf32, #tpu.memory_space<vmem_shared>>
      %dma_wait3A_82 = tpu.memref_squeeze %dma_wait3A_81 : memref<1x1x10240xf32, #tpu.memory_space<vmem_shared>> -> memref<10240xf32, #tpu.memory_space<vmem_shared>>
      tpu.wait_dma2 semaphore(%run_scoped3A_70 : memref<!tpu.dma_semaphore, #tpu.memory_space<semaphore_mem>>) src(%arg8 : memref<10240xf32, #tpu.memory_space<vmem>>) dst(%dma_wait3A_82 : memref<10240xf32, #tpu.memory_space<vmem_shared>>)
      tpu.yield
    }) : () -> ()
    %barrier3A = arith.constant 0 : index
    tpu.barrier barrier_id(%barrier3A)
    %mul3A_20 = arith.constant 640 : i32
    %mul3A_21 = arith.muli %arg1, %mul3A_20 : i32
    %dma_start3A = arith.constant 0 : i32
    %dma_start3A_22 = arith.constant 0 : i32
    %dma_start3A_23 = tpu.memref_slice %arg11[%dma_start3A_22, %dma_start3A, %mul3A_21] : memref<16x2x10240xf32, #tpu.memory_space<vmem_shared>> -> memref<16x1x640xf32, #tpu.memory_space<vmem_shared>>
    %dma_start3A_24 = tpu.memref_squeeze %dma_start3A_23 : memref<16x1x640xf32, #tpu.memory_space<vmem_shared>> -> memref<16x640xf32, #tpu.memory_space<vmem_shared>>
    %dma_start3A_25 = arith.constant 0 : i32
    %dma_start3A_26 = tpu.memref_slice %arg11[%dma_start3A_25, %dma_start3A, %mul3A_21] : memref<16x2x10240xf32, #tpu.memory_space<vmem_shared>> -> memref<16x1x640xf32, #tpu.memory_space<vmem_shared>>
    %dma_start3A_27 = tpu.memref_squeeze %dma_start3A_26 : memref<16x1x640xf32, #tpu.memory_space<vmem_shared>> -> memref<16x640xf32, #tpu.memory_space<vmem_shared>>
    tpu.enqueue_dma source(%dma_start3A_27 : memref<16x640xf32, #tpu.memory_space<vmem_shared>>) target(%arg9 : memref<16x640xf32, #tpu.memory_space<vmem>>) target_semaphore(%arg12 : memref<!tpu.dma_semaphore, #tpu.memory_space<semaphore_mem>>)
    %dma_wait3A = arith.constant 0 : i32
    %dma_wait3A_28 = arith.constant 0 : i32
    %dma_wait3A_29 = tpu.memref_slice %arg11[%dma_wait3A_28, %dma_wait3A, %mul3A_21] : memref<16x2x10240xf32, #tpu.memory_space<vmem_shared>> -> memref<16x1x640xf32, #tpu.memory_space<vmem_shared>>
    %dma_wait3A_30 = tpu.memref_squeeze %dma_wait3A_29 : memref<16x1x640xf32, #tpu.memory_space<vmem_shared>> -> memref<16x640xf32, #tpu.memory_space<vmem_shared>>
    %dma_wait3A_31 = arith.constant 0 : i32
    %dma_wait3A_32 = tpu.memref_slice %arg11[%dma_wait3A_31, %dma_wait3A, %mul3A_21] : memref<16x2x10240xf32, #tpu.memory_space<vmem_shared>> -> memref<16x1x640xf32, #tpu.memory_space<vmem_shared>>
    %dma_wait3A_33 = tpu.memref_squeeze %dma_wait3A_32 : memref<16x1x640xf32, #tpu.memory_space<vmem_shared>> -> memref<16x640xf32, #tpu.memory_space<vmem_shared>>
    tpu.wait_dma2 semaphore(%arg12 : memref<!tpu.dma_semaphore, #tpu.memory_space<semaphore_mem>>) src(%dma_wait3A_33 : memref<16x640xf32, #tpu.memory_space<vmem_shared>>) dst(%arg9 : memref<16x640xf32, #tpu.memory_space<vmem>>)
    %scan3A_34 = arith.constant 0 : i32
    %scan3A_35 = arith.constant 0 : i32
    %scan3A_36 = arith.constant 40 : i32
    %scan3A_37 = arith.addi %scan3A_35, %scan3A_36 : i32
    %scan3A_38 = arith.constant 1 : i32
    %scan3A_39 = scf.for %scan3A_70 = %scan3A_35 to %scan3A_37 step %scan3A_38 iter_args(%scan3A_71 = %scan3A_34) -> (i32)  : i32 {
      %mul3A_72 = arith.constant 16 : i32
      %mul3A_73 = arith.muli %scan3A_70, %mul3A_72 : i32
      %get3A = arith.constant 0 : i32
      %get3A_74 = arith.index_cast %get3A : i32 to index
      %get3A_75 = arith.index_cast %mul3A_73 : i32 to index
      %get3A_76 = tpu.vector_load %arg9[%get3A_74, %get3A_75] {strides = array<i32>} : memref<16x640xf32, #tpu.memory_space<vmem>>, vector<16xf32>,
      %get3A_77 = arith.constant 1 : i32
      %get3A_78 = arith.index_cast %get3A_77 : i32 to index
      %get3A_79 = arith.index_cast %mul3A_73 : i32 to index
      %get3A_80 = tpu.vector_load %arg9[%get3A_78, %get3A_79] {strides = array<i32>} : memref<16x640xf32, #tpu.memory_space<vmem>>, vector<16xf32>,
      %add3A_81 = arith.addf %get3A_76, %get3A_80 : vector<16xf32>
      %get3A_82 = arith.constant 2 : i32
      %get3A_83 = arith.index_cast %get3A_82 : i32 to index
      %get3A_84 = arith.index_cast %mul3A_73 : i32 to index
      %get3A_85 = tpu.vector_load %arg9[%get3A_83, %get3A_84] {strides = array<i32>} : memref<16x640xf32, #tpu.memory_space<vmem>>, vector<16xf32>,
      %add3A_86 = arith.addf %add3A_81, %get3A_85 : vector<16xf32>
      %get3A_87 = arith.constant 3 : i32
      %get3A_88 = arith.index_cast %get3A_87 : i32 to index
      %get3A_89 = arith.index_cast %mul3A_73 : i32 to index
      %get3A_90 = tpu.vector_load %arg9[%get3A_88, %get3A_89] {strides = array<i32>} : memref<16x640xf32, #tpu.memory_space<vmem>>, vector<16xf32>,
      %add3A_91 = arith.addf %add3A_86, %get3A_90 : vector<16xf32>
      %get3A_92 = arith.constant 4 : i32
      %get3A_93 = arith.index_cast %get3A_92 : i32 to index
      %get3A_94 = arith.index_cast %mul3A_73 : i32 to index
      %get3A_95 = tpu.vector_load %arg9[%get3A_93, %get3A_94] {strides = array<i32>} : memref<16x640xf32, #tpu.memory_space<vmem>>, vector<16xf32>,
      %add3A_96 = arith.addf %add3A_91, %get3A_95 : vector<16xf32>
      %get3A_97 = arith.constant 5 : i32
      %get3A_98 = arith.index_cast %get3A_97 : i32 to index
      %get3A_99 = arith.index_cast %mul3A_73 : i32 to index
      %get3A_100 = tpu.vector_load %arg9[%get3A_98, %get3A_99] {strides = array<i32>} : memref<16x640xf32, #tpu.memory_space<vmem>>, vector<16xf32>,
      %add3A_101 = arith.addf %add3A_96, %get3A_100 : vector<16xf32>
      %get3A_102 = arith.constant 6 : i32
      %get3A_103 = arith.index_cast %get3A_102 : i32 to index
      %get3A_104 = arith.index_cast %mul3A_73 : i32 to index
      %get3A_105 = tpu.vector_load %arg9[%get3A_103, %get3A_104] {strides = array<i32>} : memref<16x640xf32, #tpu.memory_space<vmem>>, vector<16xf32>,
      %add3A_106 = arith.addf %add3A_101, %get3A_105 : vector<16xf32>
      %get3A_107 = arith.constant 7 : i32
      %get3A_108 = arith.index_cast %get3A_107 : i32 to index
      %get3A_109 = arith.index_cast %mul3A_73 : i32 to index
      %get3A_110 = tpu.vector_load %arg9[%get3A_108, %get3A_109] {strides = array<i32>} : memref<16x640xf32, #tpu.memory_space<vmem>>, vector<16xf32>,
      %add3A_111 = arith.addf %add3A_106, %get3A_110 : vector<16xf32>
      %get3A_112 = arith.constant 8 : i32
      %get3A_113 = arith.index_cast %get3A_112 : i32 to index
      %get3A_114 = arith.index_cast %mul3A_73 : i32 to index
      %get3A_115 = tpu.vector_load %arg9[%get3A_113, %get3A_114] {strides = array<i32>} : memref<16x640xf32, #tpu.memory_space<vmem>>, vector<16xf32>,
      %add3A_116 = arith.addf %add3A_111, %get3A_115 : vector<16xf32>
      %get3A_117 = arith.constant 9 : i32
      %get3A_118 = arith.index_cast %get3A_117 : i32 to index
      %get3A_119 = arith.index_cast %mul3A_73 : i32 to index
      %get3A_120 = tpu.vector_load %arg9[%get3A_118, %get3A_119] {strides = array<i32>} : memref<16x640xf32, #tpu.memory_space<vmem>>, vector<16xf32>,
      %add3A_121 = arith.addf %add3A_116, %get3A_120 : vector<16xf32>
      %get3A_122 = arith.constant 10 : i32
      %get3A_123 = arith.index_cast %get3A_122 : i32 to index
      %get3A_124 = arith.index_cast %mul3A_73 : i32 to index
      %get3A_125 = tpu.vector_load %arg9[%get3A_123, %get3A_124] {strides = array<i32>} : memref<16x640xf32, #tpu.memory_space<vmem>>, vector<16xf32>,
      %add3A_126 = arith.addf %add3A_121, %get3A_125 : vector<16xf32>
      %get3A_127 = arith.constant 11 : i32
      %get3A_128 = arith.index_cast %get3A_127 : i32 to index
      %get3A_129 = arith.index_cast %mul3A_73 : i32 to index
      %get3A_130 = tpu.vector_load %arg9[%get3A_128, %get3A_129] {strides = array<i32>} : memref<16x640xf32, #tpu.memory_space<vmem>>, vector<16xf32>,
      %add3A_131 = arith.addf %add3A_126, %get3A_130 : vector<16xf32>
      %get3A_132 = arith.constant 12 : i32
      %get3A_133 = arith.index_cast %get3A_132 : i32 to index
      %get3A_134 = arith.index_cast %mul3A_73 : i32 to index
      %get3A_135 = tpu.vector_load %arg9[%get3A_133, %get3A_134] {strides = array<i32>} : memref<16x640xf32, #tpu.memory_space<vmem>>, vector<16xf32>,
      %add3A_136 = arith.addf %add3A_131, %get3A_135 : vector<16xf32>
      %get3A_137 = arith.constant 13 : i32
      %get3A_138 = arith.index_cast %get3A_137 : i32 to index
      %get3A_139 = arith.index_cast %mul3A_73 : i32 to index
      %get3A_140 = tpu.vector_load %arg9[%get3A_138, %get3A_139] {strides = array<i32>} : memref<16x640xf32, #tpu.memory_space<vmem>>, vector<16xf32>,
      %add3A_141 = arith.addf %add3A_136, %get3A_140 : vector<16xf32>
      %get3A_142 = arith.constant 14 : i32
      %get3A_143 = arith.index_cast %get3A_142 : i32 to index
      %get3A_144 = arith.index_cast %mul3A_73 : i32 to index
      %get3A_145 = tpu.vector_load %arg9[%get3A_143, %get3A_144] {strides = array<i32>} : memref<16x640xf32, #tpu.memory_space<vmem>>, vector<16xf32>,
      %add3A_146 = arith.addf %add3A_141, %get3A_145 : vector<16xf32>
      %get3A_147 = arith.constant 15 : i32
      %get3A_148 = arith.index_cast %get3A_147 : i32 to index
      %get3A_149 = arith.index_cast %mul3A_73 : i32 to index
      %get3A_150 = tpu.vector_load %arg9[%get3A_148, %get3A_149] {strides = array<i32>} : memref<16x640xf32, #tpu.memory_space<vmem>>, vector<16xf32>,
      %add3A_151 = arith.addf %add3A_146, %get3A_150 : vector<16xf32>
      %swap3A = arith.index_cast %mul3A_73 : i32 to index
      %swap3A_152 = tpu.vector_load %arg10[%swap3A] {strides = array<i32>} : memref<640xf32, #tpu.memory_space<vmem>>, vector<16xf32>,
      tpu.vector_store %arg10[%swap3A], %add3A_151 {strides = array<i32>} : memref<640xf32, #tpu.memory_space<vmem>>, vector<16xf32>,
      %scan3A_153 = arith.constant 0 : i32
      scf.yield %scan3A_153 : i32
    }
    %scan3A_40 = arith.constant 40 : i32
    %mul3A_41 = arith.constant 640 : i32
    %mul3A_42 = arith.muli %arg1, %mul3A_41 : i32
    %run_scoped3A_43 = arith.constant 0 : i32
    "tpu.region"() ({
      %run_scoped3A_70 = tpu.sem_alloc : memref<!tpu.dma_semaphore, #tpu.memory_space<semaphore_mem>>
      %dma_start3A_71 = tpu.memref_slice %arg4[%arg0, %run_scoped3A_43, %mul3A_42] : memref<2x2x10240xf32, #tpu.memory_space<hbm>> -> memref<1x1x640xf32, #tpu.memory_space<hbm>>
      %dma_start3A_72 = tpu.memref_squeeze %dma_start3A_71 : memref<1x1x640xf32, #tpu.memory_space<hbm>> -> memref<640xf32, #tpu.memory_space<hbm>>
      %dma_start3A_73 = tpu.memref_slice %arg4[%arg0, %run_scoped3A_43, %mul3A_42] : memref<2x2x10240xf32, #tpu.memory_space<hbm>> -> memref<1x1x640xf32, #tpu.memory_space<hbm>>
      %dma_start3A_74 = tpu.memref_squeeze %dma_start3A_73 : memref<1x1x640xf32, #tpu.memory_space<hbm>> -> memref<640xf32, #tpu.memory_space<hbm>>
      tpu.enqueue_dma source(%arg10 : memref<640xf32, #tpu.memory_space<vmem>>) target(%dma_start3A_74 : memref<640xf32, #tpu.memory_space<hbm>>) target_semaphore(%run_scoped3A_70 : memref<!tpu.dma_semaphore, #tpu.memory_space<semaphore_mem>>)
      %dma_wait3A_75 = tpu.memref_slice %arg4[%arg0, %run_scoped3A_43, %mul3A_42] : memref<2x2x10240xf32, #tpu.memory_space<hbm>> -> memref<1x1x640xf32, #tpu.memory_space<hbm>>
      %dma_wait3A_76 = tpu.memref_squeeze %dma_wait3A_75 : memref<1x1x640xf32, #tpu.memory_space<hbm>> -> memref<640xf32, #tpu.memory_space<hbm>>
      %dma_wait3A_77 = tpu.memref_slice %arg4[%arg0, %run_scoped3A_43, %mul3A_42] : memref<2x2x10240xf32, #tpu.memory_space<hbm>> -> memref<1x1x640xf32, #tpu.memory_space<hbm>>
      %dma_wait3A_78 = tpu.memref_squeeze %dma_wait3A_77 : memref<1x1x640xf32, #tpu.memory_space<hbm>> -> memref<640xf32, #tpu.memory_space<hbm>>
      tpu.wait_dma2 semaphore(%run_scoped3A_70 : memref<!tpu.dma_semaphore, #tpu.memory_space<semaphore_mem>>) src(%arg10 : memref<640xf32, #tpu.memory_space<vmem>>) dst(%dma_wait3A_78 : memref<640xf32, #tpu.memory_space<hbm>>)
      tpu.yield
    }) : () -> ()
    %mul3A_44 = arith.constant 640 : i32
    %mul3A_45 = arith.muli %arg1, %mul3A_44 : i32
    %dma_start3A_46 = arith.constant 1 : i32
    %dma_start3A_47 = arith.constant 0 : i32
    %dma_start3A_48 = tpu.memref_slice %arg11[%dma_start3A_47, %dma_start3A_46, %mul3A_45] : memref<16x2x10240xf32, #tpu.memory_space<vmem_shared>> -> memref<16x1x640xf32, #tpu.memory_space<vmem_shared>>
    %dma_start3A_49 = tpu.memref_squeeze %dma_start3A_48 : memref<16x1x640xf32, #tpu.memory_space<vmem_shared>> -> memref<16x640xf32, #tpu.memory_space<vmem_shared>>
    %dma_start3A_50 = arith.constant 0 : i32
    %dma_start3A_51 = tpu.memref_slice %arg11[%dma_start3A_50, %dma_start3A_46, %mul3A_45] : memref<16x2x10240xf32, #tpu.memory_space<vmem_shared>> -> memref<16x1x640xf32, #tpu.memory_space<vmem_shared>>
    %dma_start3A_52 = tpu.memref_squeeze %dma_start3A_51 : memref<16x1x640xf32, #tpu.memory_space<vmem_shared>> -> memref<16x640xf32, #tpu.memory_space<vmem_shared>>
    tpu.enqueue_dma source(%dma_start3A_52 : memref<16x640xf32, #tpu.memory_space<vmem_shared>>) target(%arg9 : memref<16x640xf32, #tpu.memory_space<vmem>>) target_semaphore(%arg12 : memref<!tpu.dma_semaphore, #tpu.memory_space<semaphore_mem>>)
    %dma_wait3A_53 = arith.constant 1 : i32
    %dma_wait3A_54 = arith.constant 0 : i32
    %dma_wait3A_55 = tpu.memref_slice %arg11[%dma_wait3A_54, %dma_wait3A_53, %mul3A_45] : memref<16x2x10240xf32, #tpu.memory_space<vmem_shared>> -> memref<16x1x640xf32, #tpu.memory_space<vmem_shared>>
    %dma_wait3A_56 = tpu.memref_squeeze %dma_wait3A_55 : memref<16x1x640xf32, #tpu.memory_space<vmem_shared>> -> memref<16x640xf32, #tpu.memory_space<vmem_shared>>
    %dma_wait3A_57 = arith.constant 0 : i32
    %dma_wait3A_58 = tpu.memref_slice %arg11[%dma_wait3A_57, %dma_wait3A_53, %mul3A_45] : memref<16x2x10240xf32, #tpu.memory_space<vmem_shared>> -> memref<16x1x640xf32, #tpu.memory_space<vmem_shared>>
    %dma_wait3A_59 = tpu.memref_squeeze %dma_wait3A_58 : memref<16x1x640xf32, #tpu.memory_space<vmem_shared>> -> memref<16x640xf32, #tpu.memory_space<vmem_shared>>
    tpu.wait_dma2 semaphore(%arg12 : memref<!tpu.dma_semaphore, #tpu.memory_space<semaphore_mem>>) src(%dma_wait3A_59 : memref<16x640xf32, #tpu.memory_space<vmem_shared>>) dst(%arg9 : memref<16x640xf32, #tpu.memory_space<vmem>>)
    %scan3A_60 = arith.constant 0 : i32
    %scan3A_61 = arith.constant 0 : i32
    %scan3A_62 = arith.constant 40 : i32
    %scan3A_63 = arith.addi %scan3A_61, %scan3A_62 : i32
    %scan3A_64 = arith.constant 1 : i32
    %scan3A_65 = scf.for %scan3A_70 = %scan3A_61 to %scan3A_63 step %scan3A_64 iter_args(%scan3A_71 = %scan3A_60) -> (i32)  : i32 {
      %mul3A_72 = arith.constant 16 : i32
      %mul3A_73 = arith.muli %scan3A_70, %mul3A_72 : i32
      %get3A = arith.constant 0 : i32
      %get3A_74 = arith.index_cast %get3A : i32 to index
      %get3A_75 = arith.index_cast %mul3A_73 : i32 to index
      %get3A_76 = tpu.vector_load %arg9[%get3A_74, %get3A_75] {strides = array<i32>} : memref<16x640xf32, #tpu.memory_space<vmem>>, vector<16xf32>,
      %get3A_77 = arith.constant 1 : i32
      %get3A_78 = arith.index_cast %get3A_77 : i32 to index
      %get3A_79 = arith.index_cast %mul3A_73 : i32 to index
      %get3A_80 = tpu.vector_load %arg9[%get3A_78, %get3A_79] {strides = array<i32>} : memref<16x640xf32, #tpu.memory_space<vmem>>, vector<16xf32>,
      %add3A_81 = arith.addf %get3A_76, %get3A_80 : vector<16xf32>
      %get3A_82 = arith.constant 2 : i32
      %get3A_83 = arith.index_cast %get3A_82 : i32 to index
      %get3A_84 = arith.index_cast %mul3A_73 : i32 to index
      %get3A_85 = tpu.vector_load %arg9[%get3A_83, %get3A_84] {strides = array<i32>} : memref<16x640xf32, #tpu.memory_space<vmem>>, vector<16xf32>,
      %add3A_86 = arith.addf %add3A_81, %get3A_85 : vector<16xf32>
      %get3A_87 = arith.constant 3 : i32
      %get3A_88 = arith.index_cast %get3A_87 : i32 to index
      %get3A_89 = arith.index_cast %mul3A_73 : i32 to index
      %get3A_90 = tpu.vector_load %arg9[%get3A_88, %get3A_89] {strides = array<i32>} : memref<16x640xf32, #tpu.memory_space<vmem>>, vector<16xf32>,
      %add3A_91 = arith.addf %add3A_86, %get3A_90 : vector<16xf32>
      %get3A_92 = arith.constant 4 : i32
      %get3A_93 = arith.index_cast %get3A_92 : i32 to index
      %get3A_94 = arith.index_cast %mul3A_73 : i32 to index
      %get3A_95 = tpu.vector_load %arg9[%get3A_93, %get3A_94] {strides = array<i32>} : memref<16x640xf32, #tpu.memory_space<vmem>>, vector<16xf32>,
      %add3A_96 = arith.addf %add3A_91, %get3A_95 : vector<16xf32>
      %get3A_97 = arith.constant 5 : i32
      %get3A_98 = arith.index_cast %get3A_97 : i32 to index
      %get3A_99 = arith.index_cast %mul3A_73 : i32 to index
      %get3A_100 = tpu.vector_load %arg9[%get3A_98, %get3A_99] {strides = array<i32>} : memref<16x640xf32, #tpu.memory_space<vmem>>, vector<16xf32>,
      %add3A_101 = arith.addf %add3A_96, %get3A_100 : vector<16xf32>
      %get3A_102 = arith.constant 6 : i32
      %get3A_103 = arith.index_cast %get3A_102 : i32 to index
      %get3A_104 = arith.index_cast %mul3A_73 : i32 to index
      %get3A_105 = tpu.vector_load %arg9[%get3A_103, %get3A_104] {strides = array<i32>} : memref<16x640xf32, #tpu.memory_space<vmem>>, vector<16xf32>,
      %add3A_106 = arith.addf %add3A_101, %get3A_105 : vector<16xf32>
      %get3A_107 = arith.constant 7 : i32
      %get3A_108 = arith.index_cast %get3A_107 : i32 to index
      %get3A_109 = arith.index_cast %mul3A_73 : i32 to index
      %get3A_110 = tpu.vector_load %arg9[%get3A_108, %get3A_109] {strides = array<i32>} : memref<16x640xf32, #tpu.memory_space<vmem>>, vector<16xf32>,
      %add3A_111 = arith.addf %add3A_106, %get3A_110 : vector<16xf32>
      %get3A_112 = arith.constant 8 : i32
      %get3A_113 = arith.index_cast %get3A_112 : i32 to index
      %get3A_114 = arith.index_cast %mul3A_73 : i32 to index
      %get3A_115 = tpu.vector_load %arg9[%get3A_113, %get3A_114] {strides = array<i32>} : memref<16x640xf32, #tpu.memory_space<vmem>>, vector<16xf32>,
      %add3A_116 = arith.addf %add3A_111, %get3A_115 : vector<16xf32>
      %get3A_117 = arith.constant 9 : i32
      %get3A_118 = arith.index_cast %get3A_117 : i32 to index
      %get3A_119 = arith.index_cast %mul3A_73 : i32 to index
      %get3A_120 = tpu.vector_load %arg9[%get3A_118, %get3A_119] {strides = array<i32>} : memref<16x640xf32, #tpu.memory_space<vmem>>, vector<16xf32>,
      %add3A_121 = arith.addf %add3A_116, %get3A_120 : vector<16xf32>
      %get3A_122 = arith.constant 10 : i32
      %get3A_123 = arith.index_cast %get3A_122 : i32 to index
      %get3A_124 = arith.index_cast %mul3A_73 : i32 to index
      %get3A_125 = tpu.vector_load %arg9[%get3A_123, %get3A_124] {strides = array<i32>} : memref<16x640xf32, #tpu.memory_space<vmem>>, vector<16xf32>,
      %add3A_126 = arith.addf %add3A_121, %get3A_125 : vector<16xf32>
      %get3A_127 = arith.constant 11 : i32
      %get3A_128 = arith.index_cast %get3A_127 : i32 to index
      %get3A_129 = arith.index_cast %mul3A_73 : i32 to index
      %get3A_130 = tpu.vector_load %arg9[%get3A_128, %get3A_129] {strides = array<i32>} : memref<16x640xf32, #tpu.memory_space<vmem>>, vector<16xf32>,
      %add3A_131 = arith.addf %add3A_126, %get3A_130 : vector<16xf32>
      %get3A_132 = arith.constant 12 : i32
      %get3A_133 = arith.index_cast %get3A_132 : i32 to index
      %get3A_134 = arith.index_cast %mul3A_73 : i32 to index
      %get3A_135 = tpu.vector_load %arg9[%get3A_133, %get3A_134] {strides = array<i32>} : memref<16x640xf32, #tpu.memory_space<vmem>>, vector<16xf32>,
      %add3A_136 = arith.addf %add3A_131, %get3A_135 : vector<16xf32>
      %get3A_137 = arith.constant 13 : i32
      %get3A_138 = arith.index_cast %get3A_137 : i32 to index
      %get3A_139 = arith.index_cast %mul3A_73 : i32 to index
      %get3A_140 = tpu.vector_load %arg9[%get3A_138, %get3A_139] {strides = array<i32>} : memref<16x640xf32, #tpu.memory_space<vmem>>, vector<16xf32>,
      %add3A_141 = arith.addf %add3A_136, %get3A_140 : vector<16xf32>
      %get3A_142 = arith.constant 14 : i32
      %get3A_143 = arith.index_cast %get3A_142 : i32 to index
      %get3A_144 = arith.index_cast %mul3A_73 : i32 to index
      %get3A_145 = tpu.vector_load %arg9[%get3A_143, %get3A_144] {strides = array<i32>} : memref<16x640xf32, #tpu.memory_space<vmem>>, vector<16xf32>,
      %add3A_146 = arith.addf %add3A_141, %get3A_145 : vector<16xf32>
      %get3A_147 = arith.constant 15 : i32
      %get3A_148 = arith.index_cast %get3A_147 : i32 to index
      %get3A_149 = arith.index_cast %mul3A_73 : i32 to index
      %get3A_150 = tpu.vector_load %arg9[%get3A_148, %get3A_149] {strides = array<i32>} : memref<16x640xf32, #tpu.memory_space<vmem>>, vector<16xf32>,
      %add3A_151 = arith.addf %add3A_146, %get3A_150 : vector<16xf32>
      %swap3A = arith.index_cast %mul3A_73 : i32 to index
      %swap3A_152 = tpu.vector_load %arg10[%swap3A] {strides = array<i32>} : memref<640xf32, #tpu.memory_space<vmem>>, vector<16xf32>,
      tpu.vector_store %arg10[%swap3A], %add3A_151 {strides = array<i32>} : memref<640xf32, #tpu.memory_space<vmem>>, vector<16xf32>,
      %scan3A_153 = arith.constant 0 : i32
      scf.yield %scan3A_153 : i32
    }
    %scan3A_66 = arith.constant 40 : i32
    %mul3A_67 = arith.constant 640 : i32
    %mul3A_68 = arith.muli %arg1, %mul3A_67 : i32
    %run_scoped3A_69 = arith.constant 1 : i32
    "tpu.region"() ({
      %run_scoped3A_70 = tpu.sem_alloc : memref<!tpu.dma_semaphore, #tpu.memory_space<semaphore_mem>>
      %dma_start3A_71 = tpu.memref_slice %arg4[%arg0, %run_scoped3A_69, %mul3A_68] : memref<2x2x10240xf32, #tpu.memory_space<hbm>> -> memref<1x1x640xf32, #tpu.memory_space<hbm>>
      %dma_start3A_72 = tpu.memref_squeeze %dma_start3A_71 : memref<1x1x640xf32, #tpu.memory_space<hbm>> -> memref<640xf32, #tpu.memory_space<hbm>>
      %dma_start3A_73 = tpu.memref_slice %arg4[%arg0, %run_scoped3A_69, %mul3A_68] : memref<2x2x10240xf32, #tpu.memory_space<hbm>> -> memref<1x1x640xf32, #tpu.memory_space<hbm>>
      %dma_start3A_74 = tpu.memref_squeeze %dma_start3A_73 : memref<1x1x640xf32, #tpu.memory_space<hbm>> -> memref<640xf32, #tpu.memory_space<hbm>>
      tpu.enqueue_dma source(%arg10 : memref<640xf32, #tpu.memory_space<vmem>>) target(%dma_start3A_74 : memref<640xf32, #tpu.memory_space<hbm>>) target_semaphore(%run_scoped3A_70 : memref<!tpu.dma_semaphore, #tpu.memory_space<semaphore_mem>>)
      %dma_wait3A_75 = tpu.memref_slice %arg4[%arg0, %run_scoped3A_69, %mul3A_68] : memref<2x2x10240xf32, #tpu.memory_space<hbm>> -> memref<1x1x640xf32, #tpu.memory_space<hbm>>
      %dma_wait3A_76 = tpu.memref_squeeze %dma_wait3A_75 : memref<1x1x640xf32, #tpu.memory_space<hbm>> -> memref<640xf32, #tpu.memory_space<hbm>>
      %dma_wait3A_77 = tpu.memref_slice %arg4[%arg0, %run_scoped3A_69, %mul3A_68] : memref<2x2x10240xf32, #tpu.memory_space<hbm>> -> memref<1x1x640xf32, #tpu.memory_space<hbm>>
      %dma_wait3A_78 = tpu.memref_squeeze %dma_wait3A_77 : memref<1x1x640xf32, #tpu.memory_space<hbm>> -> memref<640xf32, #tpu.memory_space<hbm>>
      tpu.wait_dma2 semaphore(%run_scoped3A_70 : memref<!tpu.dma_semaphore, #tpu.memory_space<semaphore_mem>>) src(%arg10 : memref<640xf32, #tpu.memory_space<vmem>>) dst(%dma_wait3A_78 : memref<640xf32, #tpu.memory_space<hbm>>)
      tpu.yield
    }) : () -> ()
    return
  }
}

#map = affine_map<(d0, d1) -> (0, 0)>
#map1 = affine_map<(d0, d1) -> (0, 0, 0)>
module attributes {stable_mosaic.version = 14 : i64} {
  func.func @_agg_body(%arg0: i32, %arg1: i32, %arg2: memref<20480x32xi32, #tpu.memory_space<hbm>>, %arg3: memref<1280x256xi32, #tpu.memory_space<hbm>>, %arg4: memref<1280x256xi32, #tpu.memory_space<hbm>>, %arg5: memref<2x10240x64xf32, #tpu.memory_space<hbm>>, %arg6: memref<4x256xi32, #tpu.memory_space<vmem>>, %arg7: memref<4x256xi32, #tpu.memory_space<vmem>>, %arg8: memref<4x256xi32, #tpu.memory_space<vmem>>, %arg9: memref<4x256xi32, #tpu.memory_space<vmem>>, %arg10: memref<256x32xi32, #tpu.memory_space<vmem>>, %arg11: memref<256x32xi32, #tpu.memory_space<vmem>>, %arg12: memref<256x32xi32, #tpu.memory_space<vmem>>, %arg13: memref<256x32xi32, #tpu.memory_space<vmem>>, %arg14: memref<256x64xf32, #tpu.memory_space<vmem>>, %arg15: memref<256x64xf32, #tpu.memory_space<vmem>>, %arg16: memref<10240x64xf32, #tpu.memory_space<vmem_shared>>, %arg17: memref<!tpu.dma_semaphore, #tpu.memory_space<semaphore_mem>>, %arg18: memref<!tpu.dma_semaphore, #tpu.memory_space<semaphore_mem>>, %arg19: memref<!tpu.dma_semaphore, #tpu.memory_space<semaphore_mem>>, %arg20: memref<!tpu.dma_semaphore, #tpu.memory_space<semaphore_mem>>, %arg21: memref<!tpu.dma_semaphore, #tpu.memory_space<semaphore_mem>>, %arg22: memref<!tpu.dma_semaphore, #tpu.memory_space<semaphore_mem>>) attributes {dimension_semantics = [#tpu.dimension_semantics<core_parallel>, #tpu.dimension_semantics<subcore_parallel>], iteration_bounds = array<i64: 2, 16>, scalar_prefetch = 0 : i64, scratch_operands = 17 : i64, tpu.core_type = #tpu.core_type<sc_vector_subcore>, window_params = [{transform_indices = #map}, {transform_indices = #map}, {transform_indices = #map}, {transform_indices = #map1}]} {
    %mul3A = arith.constant 10240 : i32
    %mul3A_0 = arith.muli %arg0, %mul3A : i32
    %scan3A = arith.constant 0 : i32
    %scan3A_1 = arith.constant 0 : i32
    %scan3A_2 = arith.constant 512 : i32
    %scan3A_3 = arith.addi %scan3A_1, %scan3A_2 : i32
    %scan3A_4 = arith.constant 1 : i32
    %scan3A_5 = scf.for %scan3A_97 = %scan3A_1 to %scan3A_3 step %scan3A_4 iter_args(%scan3A_98 = %scan3A) -> (i32)  : i32 {
      %broadcast_in_dim3A = arith.constant 0.000000e+00 : f32
      %broadcast_in_dim3A_99 = vector.broadcast %broadcast_in_dim3A : f32 to vector<16xf32>
      %jit3A = arith.constant 4 : i32
      %div3A = arith.divsi %scan3A_97, %jit3A : i32
      %sign3A = arith.constant 0 : i32
      %sign3A_100 = arith.cmpi sgt, %scan3A_97, %sign3A : i32
      %sign3A_101 = arith.extui %sign3A_100 : i1 to i32
      %sign3A_102 = arith.constant 0 : i32
      %sign3A_103 = arith.cmpi slt, %scan3A_97, %sign3A_102 : i32
      %sign3A_104 = arith.extui %sign3A_103 : i1 to i32
      %sign3A_105 = arith.subi %sign3A_101, %sign3A_104 : i32
      %sign3A_106 = arith.constant 0 : i32
      %sign3A_107 = arith.cmpi sgt, %jit3A, %sign3A_106 : i32
      %sign3A_108 = arith.extui %sign3A_107 : i1 to i32
      %sign3A_109 = arith.constant 0 : i32
      %sign3A_110 = arith.cmpi slt, %jit3A, %sign3A_109 : i32
      %sign3A_111 = arith.extui %sign3A_110 : i1 to i32
      %sign3A_112 = arith.subi %sign3A_108, %sign3A_111 : i32
      %ne3A = arith.cmpi ne, %sign3A_105, %sign3A_112 : i32
      %rem3A = arith.remsi %scan3A_97, %jit3A : i32
      %ne3A_113 = arith.constant 0 : i32
      %ne3A_114 = arith.cmpi ne, %rem3A, %ne3A_113 : i32
      %and3A = arith.andi %ne3A, %ne3A_114 : i1
      %sub3A = arith.constant 1 : i32
      %sub3A_115 = arith.subi %div3A, %sub3A : i32
      %select_n3A = arith.select %and3A, %sub3A_115, %div3A : i32
      %jit3A_116 = arith.constant 4 : i32
      %eq3A = arith.constant 0 : i32
      %eq3A_117 = arith.cmpi eq, %jit3A_116, %eq3A : i32
      %jit3A_118 = arith.constant 1 : i32
      %select_n3A_119 = arith.select %eq3A_117, %jit3A_118, %jit3A_116 : i32
      %rem3A_120 = arith.remsi %scan3A_97, %select_n3A_119 : i32
      %ne3A_121 = arith.constant 0 : i32
      %ne3A_122 = arith.cmpi ne, %rem3A_120, %ne3A_121 : i32
      %lt3A = arith.constant 0 : i32
      %lt3A_123 = arith.cmpi slt, %rem3A_120, %lt3A : i32
      %lt3A_124 = arith.constant 0 : i32
      %lt3A_125 = arith.cmpi slt, %select_n3A_119, %lt3A_124 : i32
      %ne3A_126 = arith.xori %lt3A_123, %lt3A_125 : i1
      %and3A_127 = arith.andi %ne3A_126, %ne3A_122 : i1
      %add3A_128 = arith.addi %rem3A_120, %select_n3A_119 : i32
      %select_n3A_129 = arith.select %and3A_127, %add3A_128, %rem3A_120 : i32
      %mul3A_130 = arith.constant 16 : i32
      %mul3A_131 = arith.muli %select_n3A_129, %mul3A_130 : i32
      %swap3A = arith.index_cast %select_n3A : i32 to index
      %swap3A_132 = arith.index_cast %mul3A_131 : i32 to index
      %swap3A_133 = tpu.vector_load %arg14[%swap3A, %swap3A_132] {strides = array<i32>} : memref<256x64xf32, #tpu.memory_space<vmem>>, vector<16xf32>,
      tpu.vector_store %arg14[%swap3A, %swap3A_132], %broadcast_in_dim3A_99 {strides = array<i32>} : memref<256x64xf32, #tpu.memory_space<vmem>>, vector<16xf32>,
      %scan3A_134 = arith.constant 0 : i32
      scf.yield %scan3A_134 : i32
    }
    %scan3A_6 = arith.constant 512 : i32
    %mul3A_7 = arith.constant 640 : i32
    %mul3A_8 = arith.muli %arg1, %mul3A_7 : i32
    %add3A = arith.constant 0 : i32
    %add3A_9 = arith.addi %mul3A_8, %add3A : i32
    "tpu.region"() ({
      %run_scoped3A = tpu.sem_alloc : memref<!tpu.dma_semaphore, #tpu.memory_space<semaphore_mem>>
      %dma_start3A_97 = arith.constant 0 : i32
      %dma_start3A_98 = arith.constant 0 : i32
      %dma_start3A_99 = tpu.memref_slice %arg14[%dma_start3A_97, %dma_start3A_98] : memref<256x64xf32, #tpu.memory_space<vmem>> -> memref<128x64xf32, #tpu.memory_space<vmem>>
      %dma_start3A_100 = arith.constant 0 : i32
      %dma_start3A_101 = tpu.memref_slice %arg16[%add3A_9, %dma_start3A_100] : memref<10240x64xf32, #tpu.memory_space<vmem_shared>> -> memref<128x64xf32, #tpu.memory_space<vmem_shared>>
      %dma_start3A_102 = arith.constant 0 : i32
      %dma_start3A_103 = tpu.memref_slice %arg16[%add3A_9, %dma_start3A_102] : memref<10240x64xf32, #tpu.memory_space<vmem_shared>> -> memref<128x64xf32, #tpu.memory_space<vmem_shared>>
      %dma_start3A_104 = arith.constant 0 : i32
      %dma_start3A_105 = arith.constant 0 : i32
      %dma_start3A_106 = tpu.memref_slice %arg14[%dma_start3A_104, %dma_start3A_105] : memref<256x64xf32, #tpu.memory_space<vmem>> -> memref<128x64xf32, #tpu.memory_space<vmem>>
      tpu.enqueue_dma source(%dma_start3A_106 : memref<128x64xf32, #tpu.memory_space<vmem>>) target(%dma_start3A_103 : memref<128x64xf32, #tpu.memory_space<vmem_shared>>) target_semaphore(%run_scoped3A : memref<!tpu.dma_semaphore, #tpu.memory_space<semaphore_mem>>)
      %dma_wait3A_107 = arith.constant 0 : i32
      %dma_wait3A_108 = arith.constant 0 : i32
      %dma_wait3A_109 = tpu.memref_slice %arg14[%dma_wait3A_107, %dma_wait3A_108] : memref<256x64xf32, #tpu.memory_space<vmem>> -> memref<128x64xf32, #tpu.memory_space<vmem>>
      %dma_wait3A_110 = arith.constant 0 : i32
      %dma_wait3A_111 = tpu.memref_slice %arg16[%add3A_9, %dma_wait3A_110] : memref<10240x64xf32, #tpu.memory_space<vmem_shared>> -> memref<128x64xf32, #tpu.memory_space<vmem_shared>>
      %dma_wait3A_112 = arith.constant 0 : i32
      %dma_wait3A_113 = tpu.memref_slice %arg16[%add3A_9, %dma_wait3A_112] : memref<10240x64xf32, #tpu.memory_space<vmem_shared>> -> memref<128x64xf32, #tpu.memory_space<vmem_shared>>
      %dma_wait3A_114 = arith.constant 0 : i32
      %dma_wait3A_115 = arith.constant 0 : i32
      %dma_wait3A_116 = tpu.memref_slice %arg14[%dma_wait3A_114, %dma_wait3A_115] : memref<256x64xf32, #tpu.memory_space<vmem>> -> memref<128x64xf32, #tpu.memory_space<vmem>>
      tpu.wait_dma2 semaphore(%run_scoped3A : memref<!tpu.dma_semaphore, #tpu.memory_space<semaphore_mem>>) src(%dma_wait3A_116 : memref<128x64xf32, #tpu.memory_space<vmem>>) dst(%dma_wait3A_113 : memref<128x64xf32, #tpu.memory_space<vmem_shared>>)
      tpu.yield
    }) : () -> ()
    %mul3A_10 = arith.constant 640 : i32
    %mul3A_11 = arith.muli %arg1, %mul3A_10 : i32
    %add3A_12 = arith.constant 128 : i32
    %add3A_13 = arith.addi %mul3A_11, %add3A_12 : i32
    "tpu.region"() ({
      %run_scoped3A = tpu.sem_alloc : memref<!tpu.dma_semaphore, #tpu.memory_space<semaphore_mem>>
      %dma_start3A_97 = arith.constant 0 : i32
      %dma_start3A_98 = arith.constant 0 : i32
      %dma_start3A_99 = tpu.memref_slice %arg14[%dma_start3A_97, %dma_start3A_98] : memref<256x64xf32, #tpu.memory_space<vmem>> -> memref<128x64xf32, #tpu.memory_space<vmem>>
      %dma_start3A_100 = arith.constant 0 : i32
      %dma_start3A_101 = tpu.memref_slice %arg16[%add3A_13, %dma_start3A_100] : memref<10240x64xf32, #tpu.memory_space<vmem_shared>> -> memref<128x64xf32, #tpu.memory_space<vmem_shared>>
      %dma_start3A_102 = arith.constant 0 : i32
      %dma_start3A_103 = tpu.memref_slice %arg16[%add3A_13, %dma_start3A_102] : memref<10240x64xf32, #tpu.memory_space<vmem_shared>> -> memref<128x64xf32, #tpu.memory_space<vmem_shared>>
      %dma_start3A_104 = arith.constant 0 : i32
      %dma_start3A_105 = arith.constant 0 : i32
      %dma_start3A_106 = tpu.memref_slice %arg14[%dma_start3A_104, %dma_start3A_105] : memref<256x64xf32, #tpu.memory_space<vmem>> -> memref<128x64xf32, #tpu.memory_space<vmem>>
      tpu.enqueue_dma source(%dma_start3A_106 : memref<128x64xf32, #tpu.memory_space<vmem>>) target(%dma_start3A_103 : memref<128x64xf32, #tpu.memory_space<vmem_shared>>) target_semaphore(%run_scoped3A : memref<!tpu.dma_semaphore, #tpu.memory_space<semaphore_mem>>)
      %dma_wait3A_107 = arith.constant 0 : i32
      %dma_wait3A_108 = arith.constant 0 : i32
      %dma_wait3A_109 = tpu.memref_slice %arg14[%dma_wait3A_107, %dma_wait3A_108] : memref<256x64xf32, #tpu.memory_space<vmem>> -> memref<128x64xf32, #tpu.memory_space<vmem>>
      %dma_wait3A_110 = arith.constant 0 : i32
      %dma_wait3A_111 = tpu.memref_slice %arg16[%add3A_13, %dma_wait3A_110] : memref<10240x64xf32, #tpu.memory_space<vmem_shared>> -> memref<128x64xf32, #tpu.memory_space<vmem_shared>>
      %dma_wait3A_112 = arith.constant 0 : i32
      %dma_wait3A_113 = tpu.memref_slice %arg16[%add3A_13, %dma_wait3A_112] : memref<10240x64xf32, #tpu.memory_space<vmem_shared>> -> memref<128x64xf32, #tpu.memory_space<vmem_shared>>
      %dma_wait3A_114 = arith.constant 0 : i32
      %dma_wait3A_115 = arith.constant 0 : i32
      %dma_wait3A_116 = tpu.memref_slice %arg14[%dma_wait3A_114, %dma_wait3A_115] : memref<256x64xf32, #tpu.memory_space<vmem>> -> memref<128x64xf32, #tpu.memory_space<vmem>>
      tpu.wait_dma2 semaphore(%run_scoped3A : memref<!tpu.dma_semaphore, #tpu.memory_space<semaphore_mem>>) src(%dma_wait3A_116 : memref<128x64xf32, #tpu.memory_space<vmem>>) dst(%dma_wait3A_113 : memref<128x64xf32, #tpu.memory_space<vmem_shared>>)
      tpu.yield
    }) : () -> ()
    %mul3A_14 = arith.constant 640 : i32
    %mul3A_15 = arith.muli %arg1, %mul3A_14 : i32
    %add3A_16 = arith.constant 256 : i32
    %add3A_17 = arith.addi %mul3A_15, %add3A_16 : i32
    "tpu.region"() ({
      %run_scoped3A = tpu.sem_alloc : memref<!tpu.dma_semaphore, #tpu.memory_space<semaphore_mem>>
      %dma_start3A_97 = arith.constant 0 : i32
      %dma_start3A_98 = arith.constant 0 : i32
      %dma_start3A_99 = tpu.memref_slice %arg14[%dma_start3A_97, %dma_start3A_98] : memref<256x64xf32, #tpu.memory_space<vmem>> -> memref<128x64xf32, #tpu.memory_space<vmem>>
      %dma_start3A_100 = arith.constant 0 : i32
      %dma_start3A_101 = tpu.memref_slice %arg16[%add3A_17, %dma_start3A_100] : memref<10240x64xf32, #tpu.memory_space<vmem_shared>> -> memref<128x64xf32, #tpu.memory_space<vmem_shared>>
      %dma_start3A_102 = arith.constant 0 : i32
      %dma_start3A_103 = tpu.memref_slice %arg16[%add3A_17, %dma_start3A_102] : memref<10240x64xf32, #tpu.memory_space<vmem_shared>> -> memref<128x64xf32, #tpu.memory_space<vmem_shared>>
      %dma_start3A_104 = arith.constant 0 : i32
      %dma_start3A_105 = arith.constant 0 : i32
      %dma_start3A_106 = tpu.memref_slice %arg14[%dma_start3A_104, %dma_start3A_105] : memref<256x64xf32, #tpu.memory_space<vmem>> -> memref<128x64xf32, #tpu.memory_space<vmem>>
      tpu.enqueue_dma source(%dma_start3A_106 : memref<128x64xf32, #tpu.memory_space<vmem>>) target(%dma_start3A_103 : memref<128x64xf32, #tpu.memory_space<vmem_shared>>) target_semaphore(%run_scoped3A : memref<!tpu.dma_semaphore, #tpu.memory_space<semaphore_mem>>)
      %dma_wait3A_107 = arith.constant 0 : i32
      %dma_wait3A_108 = arith.constant 0 : i32
      %dma_wait3A_109 = tpu.memref_slice %arg14[%dma_wait3A_107, %dma_wait3A_108] : memref<256x64xf32, #tpu.memory_space<vmem>> -> memref<128x64xf32, #tpu.memory_space<vmem>>
      %dma_wait3A_110 = arith.constant 0 : i32
      %dma_wait3A_111 = tpu.memref_slice %arg16[%add3A_17, %dma_wait3A_110] : memref<10240x64xf32, #tpu.memory_space<vmem_shared>> -> memref<128x64xf32, #tpu.memory_space<vmem_shared>>
      %dma_wait3A_112 = arith.constant 0 : i32
      %dma_wait3A_113 = tpu.memref_slice %arg16[%add3A_17, %dma_wait3A_112] : memref<10240x64xf32, #tpu.memory_space<vmem_shared>> -> memref<128x64xf32, #tpu.memory_space<vmem_shared>>
      %dma_wait3A_114 = arith.constant 0 : i32
      %dma_wait3A_115 = arith.constant 0 : i32
      %dma_wait3A_116 = tpu.memref_slice %arg14[%dma_wait3A_114, %dma_wait3A_115] : memref<256x64xf32, #tpu.memory_space<vmem>> -> memref<128x64xf32, #tpu.memory_space<vmem>>
      tpu.wait_dma2 semaphore(%run_scoped3A : memref<!tpu.dma_semaphore, #tpu.memory_space<semaphore_mem>>) src(%dma_wait3A_116 : memref<128x64xf32, #tpu.memory_space<vmem>>) dst(%dma_wait3A_113 : memref<128x64xf32, #tpu.memory_space<vmem_shared>>)
      tpu.yield
    }) : () -> ()
    %mul3A_18 = arith.constant 640 : i32
    %mul3A_19 = arith.muli %arg1, %mul3A_18 : i32
    %add3A_20 = arith.constant 384 : i32
    %add3A_21 = arith.addi %mul3A_19, %add3A_20 : i32
    "tpu.region"() ({
      %run_scoped3A = tpu.sem_alloc : memref<!tpu.dma_semaphore, #tpu.memory_space<semaphore_mem>>
      %dma_start3A_97 = arith.constant 0 : i32
      %dma_start3A_98 = arith.constant 0 : i32
      %dma_start3A_99 = tpu.memref_slice %arg14[%dma_start3A_97, %dma_start3A_98] : memref<256x64xf32, #tpu.memory_space<vmem>> -> memref<128x64xf32, #tpu.memory_space<vmem>>
      %dma_start3A_100 = arith.constant 0 : i32
      %dma_start3A_101 = tpu.memref_slice %arg16[%add3A_21, %dma_start3A_100] : memref<10240x64xf32, #tpu.memory_space<vmem_shared>> -> memref<128x64xf32, #tpu.memory_space<vmem_shared>>
      %dma_start3A_102 = arith.constant 0 : i32
      %dma_start3A_103 = tpu.memref_slice %arg16[%add3A_21, %dma_start3A_102] : memref<10240x64xf32, #tpu.memory_space<vmem_shared>> -> memref<128x64xf32, #tpu.memory_space<vmem_shared>>
      %dma_start3A_104 = arith.constant 0 : i32
      %dma_start3A_105 = arith.constant 0 : i32
      %dma_start3A_106 = tpu.memref_slice %arg14[%dma_start3A_104, %dma_start3A_105] : memref<256x64xf32, #tpu.memory_space<vmem>> -> memref<128x64xf32, #tpu.memory_space<vmem>>
      tpu.enqueue_dma source(%dma_start3A_106 : memref<128x64xf32, #tpu.memory_space<vmem>>) target(%dma_start3A_103 : memref<128x64xf32, #tpu.memory_space<vmem_shared>>) target_semaphore(%run_scoped3A : memref<!tpu.dma_semaphore, #tpu.memory_space<semaphore_mem>>)
      %dma_wait3A_107 = arith.constant 0 : i32
      %dma_wait3A_108 = arith.constant 0 : i32
      %dma_wait3A_109 = tpu.memref_slice %arg14[%dma_wait3A_107, %dma_wait3A_108] : memref<256x64xf32, #tpu.memory_space<vmem>> -> memref<128x64xf32, #tpu.memory_space<vmem>>
      %dma_wait3A_110 = arith.constant 0 : i32
      %dma_wait3A_111 = tpu.memref_slice %arg16[%add3A_21, %dma_wait3A_110] : memref<10240x64xf32, #tpu.memory_space<vmem_shared>> -> memref<128x64xf32, #tpu.memory_space<vmem_shared>>
      %dma_wait3A_112 = arith.constant 0 : i32
      %dma_wait3A_113 = tpu.memref_slice %arg16[%add3A_21, %dma_wait3A_112] : memref<10240x64xf32, #tpu.memory_space<vmem_shared>> -> memref<128x64xf32, #tpu.memory_space<vmem_shared>>
      %dma_wait3A_114 = arith.constant 0 : i32
      %dma_wait3A_115 = arith.constant 0 : i32
      %dma_wait3A_116 = tpu.memref_slice %arg14[%dma_wait3A_114, %dma_wait3A_115] : memref<256x64xf32, #tpu.memory_space<vmem>> -> memref<128x64xf32, #tpu.memory_space<vmem>>
      tpu.wait_dma2 semaphore(%run_scoped3A : memref<!tpu.dma_semaphore, #tpu.memory_space<semaphore_mem>>) src(%dma_wait3A_116 : memref<128x64xf32, #tpu.memory_space<vmem>>) dst(%dma_wait3A_113 : memref<128x64xf32, #tpu.memory_space<vmem_shared>>)
      tpu.yield
    }) : () -> ()
    %mul3A_22 = arith.constant 640 : i32
    %mul3A_23 = arith.muli %arg1, %mul3A_22 : i32
    %add3A_24 = arith.constant 512 : i32
    %add3A_25 = arith.addi %mul3A_23, %add3A_24 : i32
    "tpu.region"() ({
      %run_scoped3A = tpu.sem_alloc : memref<!tpu.dma_semaphore, #tpu.memory_space<semaphore_mem>>
      %dma_start3A_97 = arith.constant 0 : i32
      %dma_start3A_98 = arith.constant 0 : i32
      %dma_start3A_99 = tpu.memref_slice %arg14[%dma_start3A_97, %dma_start3A_98] : memref<256x64xf32, #tpu.memory_space<vmem>> -> memref<128x64xf32, #tpu.memory_space<vmem>>
      %dma_start3A_100 = arith.constant 0 : i32
      %dma_start3A_101 = tpu.memref_slice %arg16[%add3A_25, %dma_start3A_100] : memref<10240x64xf32, #tpu.memory_space<vmem_shared>> -> memref<128x64xf32, #tpu.memory_space<vmem_shared>>
      %dma_start3A_102 = arith.constant 0 : i32
      %dma_start3A_103 = tpu.memref_slice %arg16[%add3A_25, %dma_start3A_102] : memref<10240x64xf32, #tpu.memory_space<vmem_shared>> -> memref<128x64xf32, #tpu.memory_space<vmem_shared>>
      %dma_start3A_104 = arith.constant 0 : i32
      %dma_start3A_105 = arith.constant 0 : i32
      %dma_start3A_106 = tpu.memref_slice %arg14[%dma_start3A_104, %dma_start3A_105] : memref<256x64xf32, #tpu.memory_space<vmem>> -> memref<128x64xf32, #tpu.memory_space<vmem>>
      tpu.enqueue_dma source(%dma_start3A_106 : memref<128x64xf32, #tpu.memory_space<vmem>>) target(%dma_start3A_103 : memref<128x64xf32, #tpu.memory_space<vmem_shared>>) target_semaphore(%run_scoped3A : memref<!tpu.dma_semaphore, #tpu.memory_space<semaphore_mem>>)
      %dma_wait3A_107 = arith.constant 0 : i32
      %dma_wait3A_108 = arith.constant 0 : i32
      %dma_wait3A_109 = tpu.memref_slice %arg14[%dma_wait3A_107, %dma_wait3A_108] : memref<256x64xf32, #tpu.memory_space<vmem>> -> memref<128x64xf32, #tpu.memory_space<vmem>>
      %dma_wait3A_110 = arith.constant 0 : i32
      %dma_wait3A_111 = tpu.memref_slice %arg16[%add3A_25, %dma_wait3A_110] : memref<10240x64xf32, #tpu.memory_space<vmem_shared>> -> memref<128x64xf32, #tpu.memory_space<vmem_shared>>
      %dma_wait3A_112 = arith.constant 0 : i32
      %dma_wait3A_113 = tpu.memref_slice %arg16[%add3A_25, %dma_wait3A_112] : memref<10240x64xf32, #tpu.memory_space<vmem_shared>> -> memref<128x64xf32, #tpu.memory_space<vmem_shared>>
      %dma_wait3A_114 = arith.constant 0 : i32
      %dma_wait3A_115 = arith.constant 0 : i32
      %dma_wait3A_116 = tpu.memref_slice %arg14[%dma_wait3A_114, %dma_wait3A_115] : memref<256x64xf32, #tpu.memory_space<vmem>> -> memref<128x64xf32, #tpu.memory_space<vmem>>
      tpu.wait_dma2 semaphore(%run_scoped3A : memref<!tpu.dma_semaphore, #tpu.memory_space<semaphore_mem>>) src(%dma_wait3A_116 : memref<128x64xf32, #tpu.memory_space<vmem>>) dst(%dma_wait3A_113 : memref<128x64xf32, #tpu.memory_space<vmem_shared>>)
      tpu.yield
    }) : () -> ()
    %barrier3A = arith.constant 0 : index
    tpu.barrier barrier_id(%barrier3A)
    %mul3A_26 = arith.constant 80 : i32
    %mul3A_27 = arith.muli %arg1, %mul3A_26 : i32
    %add3A_28 = arith.constant 0 : i32
    %add3A_29 = arith.addi %mul3A_27, %add3A_28 : i32
    "tpu.region"() ({
      %run_scoped3A = tpu.sem_alloc : memref<!tpu.dma_semaphore, #tpu.memory_space<semaphore_mem>>
      %dma_start3A_97 = arith.constant 0 : i32
      %dma_start3A_98 = tpu.memref_slice %arg3[%add3A_29, %dma_start3A_97] : memref<1280x256xi32, #tpu.memory_space<hbm>> -> memref<4x256xi32, #tpu.memory_space<hbm>>
      %dma_start3A_99 = arith.constant 0 : i32
      %dma_start3A_100 = tpu.memref_slice %arg3[%add3A_29, %dma_start3A_99] : memref<1280x256xi32, #tpu.memory_space<hbm>> -> memref<4x256xi32, #tpu.memory_space<hbm>>
      tpu.enqueue_dma source(%dma_start3A_100 : memref<4x256xi32, #tpu.memory_space<hbm>>) target(%arg6 : memref<4x256xi32, #tpu.memory_space<vmem>>) target_semaphore(%run_scoped3A : memref<!tpu.dma_semaphore, #tpu.memory_space<semaphore_mem>>)
      %dma_wait3A_101 = arith.constant 0 : i32
      %dma_wait3A_102 = tpu.memref_slice %arg3[%add3A_29, %dma_wait3A_101] : memref<1280x256xi32, #tpu.memory_space<hbm>> -> memref<4x256xi32, #tpu.memory_space<hbm>>
      %dma_wait3A_103 = arith.constant 0 : i32
      %dma_wait3A_104 = tpu.memref_slice %arg3[%add3A_29, %dma_wait3A_103] : memref<1280x256xi32, #tpu.memory_space<hbm>> -> memref<4x256xi32, #tpu.memory_space<hbm>>
      tpu.wait_dma2 semaphore(%run_scoped3A : memref<!tpu.dma_semaphore, #tpu.memory_space<semaphore_mem>>) src(%dma_wait3A_104 : memref<4x256xi32, #tpu.memory_space<hbm>>) dst(%arg6 : memref<4x256xi32, #tpu.memory_space<vmem>>)
      tpu.yield
    }) : () -> ()
    "tpu.region"() ({
      %run_scoped3A = tpu.sem_alloc : memref<!tpu.dma_semaphore, #tpu.memory_space<semaphore_mem>>
      %dma_start3A_97 = arith.constant 0 : i32
      %dma_start3A_98 = tpu.memref_slice %arg4[%add3A_29, %dma_start3A_97] : memref<1280x256xi32, #tpu.memory_space<hbm>> -> memref<4x256xi32, #tpu.memory_space<hbm>>
      %dma_start3A_99 = arith.constant 0 : i32
      %dma_start3A_100 = tpu.memref_slice %arg4[%add3A_29, %dma_start3A_99] : memref<1280x256xi32, #tpu.memory_space<hbm>> -> memref<4x256xi32, #tpu.memory_space<hbm>>
      tpu.enqueue_dma source(%dma_start3A_100 : memref<4x256xi32, #tpu.memory_space<hbm>>) target(%arg8 : memref<4x256xi32, #tpu.memory_space<vmem>>) target_semaphore(%run_scoped3A : memref<!tpu.dma_semaphore, #tpu.memory_space<semaphore_mem>>)
      %dma_wait3A_101 = arith.constant 0 : i32
      %dma_wait3A_102 = tpu.memref_slice %arg4[%add3A_29, %dma_wait3A_101] : memref<1280x256xi32, #tpu.memory_space<hbm>> -> memref<4x256xi32, #tpu.memory_space<hbm>>
      %dma_wait3A_103 = arith.constant 0 : i32
      %dma_wait3A_104 = tpu.memref_slice %arg4[%add3A_29, %dma_wait3A_103] : memref<1280x256xi32, #tpu.memory_space<hbm>> -> memref<4x256xi32, #tpu.memory_space<hbm>>
      tpu.wait_dma2 semaphore(%run_scoped3A : memref<!tpu.dma_semaphore, #tpu.memory_space<semaphore_mem>>) src(%dma_wait3A_104 : memref<4x256xi32, #tpu.memory_space<hbm>>) dst(%arg8 : memref<4x256xi32, #tpu.memory_space<vmem>>)
      tpu.yield
    }) : () -> ()
    %scan3A_30 = arith.constant 0 : i32
    %scan3A_31 = arith.constant 0 : i32
    %scan3A_32 = arith.constant 4 : i32
    %scan3A_33 = arith.addi %scan3A_31, %scan3A_32 : i32
    %scan3A_34 = arith.constant 1 : i32
    %scan3A_35 = scf.for %scan3A_97 = %scan3A_31 to %scan3A_33 step %scan3A_34 iter_args(%scan3A_98 = %scan3A_30) -> (i32)  : i32 {
      %get3A = arith.index_cast %scan3A_97 : i32 to index
      %get3A_99 = arith.constant 0 : index
      %get3A_100 = tpu.vector_load %arg6[%get3A, %get3A_99] {strides = array<i32>} : memref<4x256xi32, #tpu.memory_space<vmem>>, vector<16xi32>,
      %add3A_101 = vector.broadcast %mul3A_0 : i32 to vector<16xi32>
      %add3A_102 = arith.addi %get3A_100, %add3A_101 : vector<16xi32>
      %swap3A = arith.index_cast %scan3A_97 : i32 to index
      %swap3A_103 = arith.constant 0 : index
      %swap3A_104 = tpu.vector_load %arg6[%swap3A, %swap3A_103] {strides = array<i32>} : memref<4x256xi32, #tpu.memory_space<vmem>>, vector<16xi32>,
      tpu.vector_store %arg6[%swap3A, %swap3A_103], %add3A_102 {strides = array<i32>} : memref<4x256xi32, #tpu.memory_space<vmem>>, vector<16xi32>,
      %get3A_105 = arith.index_cast %scan3A_97 : i32 to index
      %get3A_106 = arith.constant 16 : index
      %get3A_107 = tpu.vector_load %arg6[%get3A_105, %get3A_106] {strides = array<i32>} : memref<4x256xi32, #tpu.memory_space<vmem>>, vector<16xi32>,
      %add3A_108 = vector.broadcast %mul3A_0 : i32 to vector<16xi32>
      %add3A_109 = arith.addi %get3A_107, %add3A_108 : vector<16xi32>
      %swap3A_110 = arith.index_cast %scan3A_97 : i32 to index
      %swap3A_111 = arith.constant 16 : index
      %swap3A_112 = tpu.vector_load %arg6[%swap3A_110, %swap3A_111] {strides = array<i32>} : memref<4x256xi32, #tpu.memory_space<vmem>>, vector<16xi32>,
      tpu.vector_store %arg6[%swap3A_110, %swap3A_111], %add3A_109 {strides = array<i32>} : memref<4x256xi32, #tpu.memory_space<vmem>>, vector<16xi32>,
      %get3A_113 = arith.index_cast %scan3A_97 : i32 to index
      %get3A_114 = arith.constant 32 : index
      %get3A_115 = tpu.vector_load %arg6[%get3A_113, %get3A_114] {strides = array<i32>} : memref<4x256xi32, #tpu.memory_space<vmem>>, vector<16xi32>,
      %add3A_116 = vector.broadcast %mul3A_0 : i32 to vector<16xi32>
      %add3A_117 = arith.addi %get3A_115, %add3A_116 : vector<16xi32>
      %swap3A_118 = arith.index_cast %scan3A_97 : i32 to index
      %swap3A_119 = arith.constant 32 : index
      %swap3A_120 = tpu.vector_load %arg6[%swap3A_118, %swap3A_119] {strides = array<i32>} : memref<4x256xi32, #tpu.memory_space<vmem>>, vector<16xi32>,
      tpu.vector_store %arg6[%swap3A_118, %swap3A_119], %add3A_117 {strides = array<i32>} : memref<4x256xi32, #tpu.memory_space<vmem>>, vector<16xi32>,
      %get3A_121 = arith.index_cast %scan3A_97 : i32 to index
      %get3A_122 = arith.constant 48 : index
      %get3A_123 = tpu.vector_load %arg6[%get3A_121, %get3A_122] {strides = array<i32>} : memref<4x256xi32, #tpu.memory_space<vmem>>, vector<16xi32>,
      %add3A_124 = vector.broadcast %mul3A_0 : i32 to vector<16xi32>
      %add3A_125 = arith.addi %get3A_123, %add3A_124 : vector<16xi32>
      %swap3A_126 = arith.index_cast %scan3A_97 : i32 to index
      %swap3A_127 = arith.constant 48 : index
      %swap3A_128 = tpu.vector_load %arg6[%swap3A_126, %swap3A_127] {strides = array<i32>} : memref<4x256xi32, #tpu.memory_space<vmem>>, vector<16xi32>,
      tpu.vector_store %arg6[%swap3A_126, %swap3A_127], %add3A_125 {strides = array<i32>} : memref<4x256xi32, #tpu.memory_space<vmem>>, vector<16xi32>,
      %get3A_129 = arith.index_cast %scan3A_97 : i32 to index
      %get3A_130 = arith.constant 64 : index
      %get3A_131 = tpu.vector_load %arg6[%get3A_129, %get3A_130] {strides = array<i32>} : memref<4x256xi32, #tpu.memory_space<vmem>>, vector<16xi32>,
      %add3A_132 = vector.broadcast %mul3A_0 : i32 to vector<16xi32>
      %add3A_133 = arith.addi %get3A_131, %add3A_132 : vector<16xi32>
      %swap3A_134 = arith.index_cast %scan3A_97 : i32 to index
      %swap3A_135 = arith.constant 64 : index
      %swap3A_136 = tpu.vector_load %arg6[%swap3A_134, %swap3A_135] {strides = array<i32>} : memref<4x256xi32, #tpu.memory_space<vmem>>, vector<16xi32>,
      tpu.vector_store %arg6[%swap3A_134, %swap3A_135], %add3A_133 {strides = array<i32>} : memref<4x256xi32, #tpu.memory_space<vmem>>, vector<16xi32>,
      %get3A_137 = arith.index_cast %scan3A_97 : i32 to index
      %get3A_138 = arith.constant 80 : index
      %get3A_139 = tpu.vector_load %arg6[%get3A_137, %get3A_138] {strides = array<i32>} : memref<4x256xi32, #tpu.memory_space<vmem>>, vector<16xi32>,
      %add3A_140 = vector.broadcast %mul3A_0 : i32 to vector<16xi32>
      %add3A_141 = arith.addi %get3A_139, %add3A_140 : vector<16xi32>
      %swap3A_142 = arith.index_cast %scan3A_97 : i32 to index
      %swap3A_143 = arith.constant 80 : index
      %swap3A_144 = tpu.vector_load %arg6[%swap3A_142, %swap3A_143] {strides = array<i32>} : memref<4x256xi32, #tpu.memory_space<vmem>>, vector<16xi32>,
      tpu.vector_store %arg6[%swap3A_142, %swap3A_143], %add3A_141 {strides = array<i32>} : memref<4x256xi32, #tpu.memory_space<vmem>>, vector<16xi32>,
      %get3A_145 = arith.index_cast %scan3A_97 : i32 to index
      %get3A_146 = arith.constant 96 : index
      %get3A_147 = tpu.vector_load %arg6[%get3A_145, %get3A_146] {strides = array<i32>} : memref<4x256xi32, #tpu.memory_space<vmem>>, vector<16xi32>,
      %add3A_148 = vector.broadcast %mul3A_0 : i32 to vector<16xi32>
      %add3A_149 = arith.addi %get3A_147, %add3A_148 : vector<16xi32>
      %swap3A_150 = arith.index_cast %scan3A_97 : i32 to index
      %swap3A_151 = arith.constant 96 : index
      %swap3A_152 = tpu.vector_load %arg6[%swap3A_150, %swap3A_151] {strides = array<i32>} : memref<4x256xi32, #tpu.memory_space<vmem>>, vector<16xi32>,
      tpu.vector_store %arg6[%swap3A_150, %swap3A_151], %add3A_149 {strides = array<i32>} : memref<4x256xi32, #tpu.memory_space<vmem>>, vector<16xi32>,
      %get3A_153 = arith.index_cast %scan3A_97 : i32 to index
      %get3A_154 = arith.constant 112 : index
      %get3A_155 = tpu.vector_load %arg6[%get3A_153, %get3A_154] {strides = array<i32>} : memref<4x256xi32, #tpu.memory_space<vmem>>, vector<16xi32>,
      %add3A_156 = vector.broadcast %mul3A_0 : i32 to vector<16xi32>
      %add3A_157 = arith.addi %get3A_155, %add3A_156 : vector<16xi32>
      %swap3A_158 = arith.index_cast %scan3A_97 : i32 to index
      %swap3A_159 = arith.constant 112 : index
      %swap3A_160 = tpu.vector_load %arg6[%swap3A_158, %swap3A_159] {strides = array<i32>} : memref<4x256xi32, #tpu.memory_space<vmem>>, vector<16xi32>,
      tpu.vector_store %arg6[%swap3A_158, %swap3A_159], %add3A_157 {strides = array<i32>} : memref<4x256xi32, #tpu.memory_space<vmem>>, vector<16xi32>,
      %get3A_161 = arith.index_cast %scan3A_97 : i32 to index
      %get3A_162 = arith.constant 128 : index
      %get3A_163 = tpu.vector_load %arg6[%get3A_161, %get3A_162] {strides = array<i32>} : memref<4x256xi32, #tpu.memory_space<vmem>>, vector<16xi32>,
      %add3A_164 = vector.broadcast %mul3A_0 : i32 to vector<16xi32>
      %add3A_165 = arith.addi %get3A_163, %add3A_164 : vector<16xi32>
      %swap3A_166 = arith.index_cast %scan3A_97 : i32 to index
      %swap3A_167 = arith.constant 128 : index
      %swap3A_168 = tpu.vector_load %arg6[%swap3A_166, %swap3A_167] {strides = array<i32>} : memref<4x256xi32, #tpu.memory_space<vmem>>, vector<16xi32>,
      tpu.vector_store %arg6[%swap3A_166, %swap3A_167], %add3A_165 {strides = array<i32>} : memref<4x256xi32, #tpu.memory_space<vmem>>, vector<16xi32>,
      %get3A_169 = arith.index_cast %scan3A_97 : i32 to index
      %get3A_170 = arith.constant 144 : index
      %get3A_171 = tpu.vector_load %arg6[%get3A_169, %get3A_170] {strides = array<i32>} : memref<4x256xi32, #tpu.memory_space<vmem>>, vector<16xi32>,
      %add3A_172 = vector.broadcast %mul3A_0 : i32 to vector<16xi32>
      %add3A_173 = arith.addi %get3A_171, %add3A_172 : vector<16xi32>
      %swap3A_174 = arith.index_cast %scan3A_97 : i32 to index
      %swap3A_175 = arith.constant 144 : index
      %swap3A_176 = tpu.vector_load %arg6[%swap3A_174, %swap3A_175] {strides = array<i32>} : memref<4x256xi32, #tpu.memory_space<vmem>>, vector<16xi32>,
      tpu.vector_store %arg6[%swap3A_174, %swap3A_175], %add3A_173 {strides = array<i32>} : memref<4x256xi32, #tpu.memory_space<vmem>>, vector<16xi32>,
      %get3A_177 = arith.index_cast %scan3A_97 : i32 to index
      %get3A_178 = arith.constant 160 : index
      %get3A_179 = tpu.vector_load %arg6[%get3A_177, %get3A_178] {strides = array<i32>} : memref<4x256xi32, #tpu.memory_space<vmem>>, vector<16xi32>,
      %add3A_180 = vector.broadcast %mul3A_0 : i32 to vector<16xi32>
      %add3A_181 = arith.addi %get3A_179, %add3A_180 : vector<16xi32>
      %swap3A_182 = arith.index_cast %scan3A_97 : i32 to index
      %swap3A_183 = arith.constant 160 : index
      %swap3A_184 = tpu.vector_load %arg6[%swap3A_182, %swap3A_183] {strides = array<i32>} : memref<4x256xi32, #tpu.memory_space<vmem>>, vector<16xi32>,
      tpu.vector_store %arg6[%swap3A_182, %swap3A_183], %add3A_181 {strides = array<i32>} : memref<4x256xi32, #tpu.memory_space<vmem>>, vector<16xi32>,
      %get3A_185 = arith.index_cast %scan3A_97 : i32 to index
      %get3A_186 = arith.constant 176 : index
      %get3A_187 = tpu.vector_load %arg6[%get3A_185, %get3A_186] {strides = array<i32>} : memref<4x256xi32, #tpu.memory_space<vmem>>, vector<16xi32>,
      %add3A_188 = vector.broadcast %mul3A_0 : i32 to vector<16xi32>
      %add3A_189 = arith.addi %get3A_187, %add3A_188 : vector<16xi32>
      %swap3A_190 = arith.index_cast %scan3A_97 : i32 to index
      %swap3A_191 = arith.constant 176 : index
      %swap3A_192 = tpu.vector_load %arg6[%swap3A_190, %swap3A_191] {strides = array<i32>} : memref<4x256xi32, #tpu.memory_space<vmem>>, vector<16xi32>,
      tpu.vector_store %arg6[%swap3A_190, %swap3A_191], %add3A_189 {strides = array<i32>} : memref<4x256xi32, #tpu.memory_space<vmem>>, vector<16xi32>,
      %get3A_193 = arith.index_cast %scan3A_97 : i32 to index
      %get3A_194 = arith.constant 192 : index
      %get3A_195 = tpu.vector_load %arg6[%get3A_193, %get3A_194] {strides = array<i32>} : memref<4x256xi32, #tpu.memory_space<vmem>>, vector<16xi32>,
      %add3A_196 = vector.broadcast %mul3A_0 : i32 to vector<16xi32>
      %add3A_197 = arith.addi %get3A_195, %add3A_196 : vector<16xi32>
      %swap3A_198 = arith.index_cast %scan3A_97 : i32 to index
      %swap3A_199 = arith.constant 192 : index
      %swap3A_200 = tpu.vector_load %arg6[%swap3A_198, %swap3A_199] {strides = array<i32>} : memref<4x256xi32, #tpu.memory_space<vmem>>, vector<16xi32>,
      tpu.vector_store %arg6[%swap3A_198, %swap3A_199], %add3A_197 {strides = array<i32>} : memref<4x256xi32, #tpu.memory_space<vmem>>, vector<16xi32>,
      %get3A_201 = arith.index_cast %scan3A_97 : i32 to index
      %get3A_202 = arith.constant 208 : index
      %get3A_203 = tpu.vector_load %arg6[%get3A_201, %get3A_202] {strides = array<i32>} : memref<4x256xi32, #tpu.memory_space<vmem>>, vector<16xi32>,
      %add3A_204 = vector.broadcast %mul3A_0 : i32 to vector<16xi32>
      %add3A_205 = arith.addi %get3A_203, %add3A_204 : vector<16xi32>
      %swap3A_206 = arith.index_cast %scan3A_97 : i32 to index
      %swap3A_207 = arith.constant 208 : index
      %swap3A_208 = tpu.vector_load %arg6[%swap3A_206, %swap3A_207] {strides = array<i32>} : memref<4x256xi32, #tpu.memory_space<vmem>>, vector<16xi32>,
      tpu.vector_store %arg6[%swap3A_206, %swap3A_207], %add3A_205 {strides = array<i32>} : memref<4x256xi32, #tpu.memory_space<vmem>>, vector<16xi32>,
      %get3A_209 = arith.index_cast %scan3A_97 : i32 to index
      %get3A_210 = arith.constant 224 : index
      %get3A_211 = tpu.vector_load %arg6[%get3A_209, %get3A_210] {strides = array<i32>} : memref<4x256xi32, #tpu.memory_space<vmem>>, vector<16xi32>,
      %add3A_212 = vector.broadcast %mul3A_0 : i32 to vector<16xi32>
      %add3A_213 = arith.addi %get3A_211, %add3A_212 : vector<16xi32>
      %swap3A_214 = arith.index_cast %scan3A_97 : i32 to index
      %swap3A_215 = arith.constant 224 : index
      %swap3A_216 = tpu.vector_load %arg6[%swap3A_214, %swap3A_215] {strides = array<i32>} : memref<4x256xi32, #tpu.memory_space<vmem>>, vector<16xi32>,
      tpu.vector_store %arg6[%swap3A_214, %swap3A_215], %add3A_213 {strides = array<i32>} : memref<4x256xi32, #tpu.memory_space<vmem>>, vector<16xi32>,
      %get3A_217 = arith.index_cast %scan3A_97 : i32 to index
      %get3A_218 = arith.constant 240 : index
      %get3A_219 = tpu.vector_load %arg6[%get3A_217, %get3A_218] {strides = array<i32>} : memref<4x256xi32, #tpu.memory_space<vmem>>, vector<16xi32>,
      %add3A_220 = vector.broadcast %mul3A_0 : i32 to vector<16xi32>
      %add3A_221 = arith.addi %get3A_219, %add3A_220 : vector<16xi32>
      %swap3A_222 = arith.index_cast %scan3A_97 : i32 to index
      %swap3A_223 = arith.constant 240 : index
      %swap3A_224 = tpu.vector_load %arg6[%swap3A_222, %swap3A_223] {strides = array<i32>} : memref<4x256xi32, #tpu.memory_space<vmem>>, vector<16xi32>,
      tpu.vector_store %arg6[%swap3A_222, %swap3A_223], %add3A_221 {strides = array<i32>} : memref<4x256xi32, #tpu.memory_space<vmem>>, vector<16xi32>,
      %scan3A_225 = arith.constant 0 : i32
      scf.yield %scan3A_225 : i32
    }
    %scan3A_36 = arith.constant 4 : i32
    %dma_start3A = arith.constant 0 : i32
    %dma_start3A_37 = arith.constant 0 : i32
    %dma_start3A_38 = tpu.memref_slice %arg6[%dma_start3A, %dma_start3A_37] : memref<4x256xi32, #tpu.memory_space<vmem>> -> memref<1x256xi32, #tpu.memory_space<vmem>>
    %dma_start3A_39 = tpu.memref_squeeze %dma_start3A_38 : memref<1x256xi32, #tpu.memory_space<vmem>> -> memref<256xi32, #tpu.memory_space<vmem>>
    %dma_start3A_40 = arith.constant 0 : i32
    %dma_start3A_41 = arith.constant 0 : i32
    %dma_start3A_42 = tpu.memref_slice %arg2[%dma_start3A_40, %dma_start3A_41] : memref<20480x32xi32, #tpu.memory_space<hbm>> -> memref<20480x32xi32, #tpu.memory_space<hbm>>
    tpu.enqueue_indirect_dma source(%dma_start3A_42 : memref<20480x32xi32, #tpu.memory_space<hbm>>) target(%arg10 : memref<256x32xi32, #tpu.memory_space<vmem>>) offsets(%dma_start3A_39 : memref<256xi32, #tpu.memory_space<vmem>>) semaphore(%arg17 : memref<!tpu.dma_semaphore, #tpu.memory_space<semaphore_mem>>)
    %dma_start3A_43 = arith.constant 1 : i32
    %dma_start3A_44 = arith.constant 0 : i32
    %dma_start3A_45 = tpu.memref_slice %arg6[%dma_start3A_43, %dma_start3A_44] : memref<4x256xi32, #tpu.memory_space<vmem>> -> memref<1x256xi32, #tpu.memory_space<vmem>>
    %dma_start3A_46 = tpu.memref_squeeze %dma_start3A_45 : memref<1x256xi32, #tpu.memory_space<vmem>> -> memref<256xi32, #tpu.memory_space<vmem>>
    %dma_start3A_47 = arith.constant 0 : i32
    %dma_start3A_48 = arith.constant 0 : i32
    %dma_start3A_49 = tpu.memref_slice %arg2[%dma_start3A_47, %dma_start3A_48] : memref<20480x32xi32, #tpu.memory_space<hbm>> -> memref<20480x32xi32, #tpu.memory_space<hbm>>
    tpu.enqueue_indirect_dma source(%dma_start3A_49 : memref<20480x32xi32, #tpu.memory_space<hbm>>) target(%arg11 : memref<256x32xi32, #tpu.memory_space<vmem>>) offsets(%dma_start3A_46 : memref<256xi32, #tpu.memory_space<vmem>>) semaphore(%arg18 : memref<!tpu.dma_semaphore, #tpu.memory_space<semaphore_mem>>)
    %dma_start3A_50 = arith.constant 2 : i32
    %dma_start3A_51 = arith.constant 0 : i32
    %dma_start3A_52 = tpu.memref_slice %arg6[%dma_start3A_50, %dma_start3A_51] : memref<4x256xi32, #tpu.memory_space<vmem>> -> memref<1x256xi32, #tpu.memory_space<vmem>>
    %dma_start3A_53 = tpu.memref_squeeze %dma_start3A_52 : memref<1x256xi32, #tpu.memory_space<vmem>> -> memref<256xi32, #tpu.memory_space<vmem>>
    %dma_start3A_54 = arith.constant 0 : i32
    %dma_start3A_55 = arith.constant 0 : i32
    %dma_start3A_56 = tpu.memref_slice %arg2[%dma_start3A_54, %dma_start3A_55] : memref<20480x32xi32, #tpu.memory_space<hbm>> -> memref<20480x32xi32, #tpu.memory_space<hbm>>
    tpu.enqueue_indirect_dma source(%dma_start3A_56 : memref<20480x32xi32, #tpu.memory_space<hbm>>) target(%arg12 : memref<256x32xi32, #tpu.memory_space<vmem>>) offsets(%dma_start3A_53 : memref<256xi32, #tpu.memory_space<vmem>>) semaphore(%arg19 : memref<!tpu.dma_semaphore, #tpu.memory_space<semaphore_mem>>)
    %scan3A_57 = arith.constant -65536 : i32
    %scan3A_58 = arith.constant 0 : i32
    %scan3A_59 = arith.constant 0 : i32
    %scan3A_60 = arith.constant 10 : i32
    %scan3A_61 = arith.addi %scan3A_59, %scan3A_60 : i32
    %scan3A_62 = arith.constant 1 : i32
    %scan3A_63 = scf.for %scan3A_97 = %scan3A_59 to %scan3A_61 step %scan3A_62 iter_args(%scan3A_98 = %scan3A_58) -> (i32)  : i32 {
      %mul3A_99 = arith.constant 2 : i32
      %mul3A_100 = arith.muli %mul3A_99, %scan3A_97 : i32
      %add3A_101 = arith.constant 0 : i32
      %add3A_102 = arith.addi %mul3A_100, %add3A_101 : i32
      %mul3A_103 = arith.constant 4 : i32
      %mul3A_104 = arith.muli %mul3A_103, %add3A_102 : i32
      %dma_wait3A_105 = arith.constant 0 : i32
      %dma_wait3A_106 = arith.constant 0 : i32
      %dma_wait3A_107 = tpu.memref_slice %arg2[%dma_wait3A_105, %dma_wait3A_106] : memref<20480x32xi32, #tpu.memory_space<hbm>> -> memref<256x32xi32, #tpu.memory_space<hbm>>
      %dma_wait3A_108 = arith.constant 0 : i32
      %dma_wait3A_109 = arith.constant 0 : i32
      %dma_wait3A_110 = tpu.memref_slice %arg2[%dma_wait3A_108, %dma_wait3A_109] : memref<20480x32xi32, #tpu.memory_space<hbm>> -> memref<256x32xi32, #tpu.memory_space<hbm>>
      tpu.wait_dma2 semaphore(%arg17 : memref<!tpu.dma_semaphore, #tpu.memory_space<semaphore_mem>>) src(%dma_wait3A_110 : memref<256x32xi32, #tpu.memory_space<hbm>>) dst(%arg10 : memref<256x32xi32, #tpu.memory_space<vmem>>)
      %add3A_111 = arith.constant 3 : i32
      %add3A_112 = arith.addi %mul3A_104, %add3A_111 : i32
      %jit3A = arith.constant 4 : i32
      %eq3A = arith.constant 0 : i32
      %eq3A_113 = arith.cmpi eq, %jit3A, %eq3A : i32
      %jit3A_114 = arith.constant 1 : i32
      %select_n3A = arith.select %eq3A_113, %jit3A_114, %jit3A : i32
      %rem3A = arith.remsi %add3A_112, %select_n3A : i32
      %ne3A = arith.constant 0 : i32
      %ne3A_115 = arith.cmpi ne, %rem3A, %ne3A : i32
      %lt3A = arith.constant 0 : i32
      %lt3A_116 = arith.cmpi slt, %rem3A, %lt3A : i32
      %lt3A_117 = arith.constant 0 : i32
      %lt3A_118 = arith.cmpi slt, %select_n3A, %lt3A_117 : i32
      %ne3A_119 = arith.xori %lt3A_116, %lt3A_118 : i1
      %and3A = arith.andi %ne3A_119, %ne3A_115 : i1
      %add3A_120 = arith.addi %rem3A, %select_n3A : i32
      %select_n3A_121 = arith.select %and3A, %add3A_120, %rem3A : i32
      %dma_start3A_122 = arith.constant 0 : i32
      %dma_start3A_123 = tpu.memref_slice %arg6[%select_n3A_121, %dma_start3A_122] : memref<4x256xi32, #tpu.memory_space<vmem>> -> memref<1x256xi32, #tpu.memory_space<vmem>>
      %dma_start3A_124 = tpu.memref_squeeze %dma_start3A_123 : memref<1x256xi32, #tpu.memory_space<vmem>> -> memref<256xi32, #tpu.memory_space<vmem>>
      %dma_start3A_125 = arith.constant 0 : i32
      %dma_start3A_126 = arith.constant 0 : i32
      %dma_start3A_127 = tpu.memref_slice %arg2[%dma_start3A_125, %dma_start3A_126] : memref<20480x32xi32, #tpu.memory_space<hbm>> -> memref<20480x32xi32, #tpu.memory_space<hbm>>
      tpu.enqueue_indirect_dma source(%dma_start3A_127 : memref<20480x32xi32, #tpu.memory_space<hbm>>) target(%arg13 : memref<256x32xi32, #tpu.memory_space<vmem>>) offsets(%dma_start3A_124 : memref<256xi32, #tpu.memory_space<vmem>>) semaphore(%arg20 : memref<!tpu.dma_semaphore, #tpu.memory_space<semaphore_mem>>)
      %ge3A = arith.constant 2 : i32
      %ge3A_128 = arith.cmpi sge, %mul3A_104, %ge3A : i32
      %convert_element_type3A = arith.extui %ge3A_128 : i1 to i32
      %cond3A = arith.constant 0 : i32
      %cond3A_129 = arith.cmpi ne, %convert_element_type3A, %cond3A : i32
      scf.if %cond3A_129 {
        %dma_wait3A_562 = arith.constant 0 : i32
        %dma_wait3A_563 = arith.constant 0 : i32
        %dma_wait3A_564 = tpu.memref_slice %arg16[%dma_wait3A_562, %dma_wait3A_563] : memref<10240x64xf32, #tpu.memory_space<vmem_shared>> -> memref<256x64xf32, #tpu.memory_space<vmem_shared>>
        %dma_wait3A_565 = arith.constant 0 : i32
        %dma_wait3A_566 = arith.constant 0 : i32
        %dma_wait3A_567 = tpu.memref_slice %arg16[%dma_wait3A_565, %dma_wait3A_566] : memref<10240x64xf32, #tpu.memory_space<vmem_shared>> -> memref<256x64xf32, #tpu.memory_space<vmem_shared>>
        tpu.wait_dma2 semaphore(%arg21 : memref<!tpu.dma_semaphore, #tpu.memory_space<semaphore_mem>>) src(%arg14 : memref<256x64xf32, #tpu.memory_space<vmem>>) dst(%dma_wait3A_567 : memref<256x64xf32, #tpu.memory_space<vmem_shared>>)
      } else {
      }
      %scan3A_130 = arith.constant 0 : i32
      %scan3A_131 = arith.constant 0 : i32
      %scan3A_132 = arith.constant 256 : i32
      %scan3A_133 = arith.addi %scan3A_131, %scan3A_132 : i32
      %scan3A_134 = arith.constant 1 : i32
      %scan3A_135 = scf.for %scan3A_562 = %scan3A_131 to %scan3A_133 step %scan3A_134 iter_args(%scan3A_563 = %scan3A_130) -> (i32)  : i32 {
        %get3A = arith.index_cast %scan3A_562 : i32 to index
        %get3A_564 = arith.constant 0 : index
        %get3A_565 = tpu.vector_load %arg10[%get3A, %get3A_564] {strides = array<i32>} : memref<256x32xi32, #tpu.memory_space<vmem>>, vector<16xi32>,
        %shift_left3A = arith.constant 16 : i32
        %shift_left3A_566 = vector.broadcast %shift_left3A : i32 to vector<16xi32>
        %shift_left3A_567 = arith.shli %get3A_565, %shift_left3A_566 : vector<16xi32>
        %bitcast3A = vector.bitcast %shift_left3A_567 : vector<16xi32> to vector<16xf32>
        %and3A_568 = vector.broadcast %scan3A_57 : i32 to vector<16xi32>
        %and3A_569 = arith.andi %get3A_565, %and3A_568 : vector<16xi32>
        %bitcast3A_570 = vector.bitcast %and3A_569 : vector<16xi32> to vector<16xf32>
        %swap3A = arith.index_cast %scan3A_562 : i32 to index
        %swap3A_571 = arith.constant 0 : index
        %swap3A_572 = tpu.vector_load %arg14[%swap3A, %swap3A_571] {strides = array<i32>} : memref<256x64xf32, #tpu.memory_space<vmem>>, vector<16xf32>,
        tpu.vector_store %arg14[%swap3A, %swap3A_571], %bitcast3A {strides = array<i32>} : memref<256x64xf32, #tpu.memory_space<vmem>>, vector<16xf32>,
        %swap3A_573 = arith.index_cast %scan3A_562 : i32 to index
        %swap3A_574 = arith.constant 16 : index
        %swap3A_575 = tpu.vector_load %arg14[%swap3A_573, %swap3A_574] {strides = array<i32>} : memref<256x64xf32, #tpu.memory_space<vmem>>, vector<16xf32>,
        tpu.vector_store %arg14[%swap3A_573, %swap3A_574], %bitcast3A_570 {strides = array<i32>} : memref<256x64xf32, #tpu.memory_space<vmem>>, vector<16xf32>,
        %get3A_576 = arith.index_cast %scan3A_562 : i32 to index
        %get3A_577 = arith.constant 16 : index
        %get3A_578 = tpu.vector_load %arg10[%get3A_576, %get3A_577] {strides = array<i32>} : memref<256x32xi32, #tpu.memory_space<vmem>>, vector<16xi32>,
        %shift_left3A_579 = arith.constant 16 : i32
        %shift_left3A_580 = vector.broadcast %shift_left3A_579 : i32 to vector<16xi32>
        %shift_left3A_581 = arith.shli %get3A_578, %shift_left3A_580 : vector<16xi32>
        %bitcast3A_582 = vector.bitcast %shift_left3A_581 : vector<16xi32> to vector<16xf32>
        %and3A_583 = vector.broadcast %scan3A_57 : i32 to vector<16xi32>
        %and3A_584 = arith.andi %get3A_578, %and3A_583 : vector<16xi32>
        %bitcast3A_585 = vector.bitcast %and3A_584 : vector<16xi32> to vector<16xf32>
        %swap3A_586 = arith.index_cast %scan3A_562 : i32 to index
        %swap3A_587 = arith.constant 32 : index
        %swap3A_588 = tpu.vector_load %arg14[%swap3A_586, %swap3A_587] {strides = array<i32>} : memref<256x64xf32, #tpu.memory_space<vmem>>, vector<16xf32>,
        tpu.vector_store %arg14[%swap3A_586, %swap3A_587], %bitcast3A_582 {strides = array<i32>} : memref<256x64xf32, #tpu.memory_space<vmem>>, vector<16xf32>,
        %swap3A_589 = arith.index_cast %scan3A_562 : i32 to index
        %swap3A_590 = arith.constant 48 : index
        %swap3A_591 = tpu.vector_load %arg14[%swap3A_589, %swap3A_590] {strides = array<i32>} : memref<256x64xf32, #tpu.memory_space<vmem>>, vector<16xf32>,
        tpu.vector_store %arg14[%swap3A_589, %swap3A_590], %bitcast3A_585 {strides = array<i32>} : memref<256x64xf32, #tpu.memory_space<vmem>>, vector<16xf32>,
        %scan3A_592 = arith.constant 0 : i32
        scf.yield %scan3A_592 : i32
      }
      %scan3A_136 = arith.constant 256 : i32
      %jit3A_137 = arith.constant 4 : i32
      %eq3A_138 = arith.constant 0 : i32
      %eq3A_139 = arith.cmpi eq, %jit3A_137, %eq3A_138 : i32
      %jit3A_140 = arith.constant 1 : i32
      %select_n3A_141 = arith.select %eq3A_139, %jit3A_140, %jit3A_137 : i32
      %rem3A_142 = arith.remsi %mul3A_104, %select_n3A_141 : i32
      %ne3A_143 = arith.constant 0 : i32
      %ne3A_144 = arith.cmpi ne, %rem3A_142, %ne3A_143 : i32
      %lt3A_145 = arith.constant 0 : i32
      %lt3A_146 = arith.cmpi slt, %rem3A_142, %lt3A_145 : i32
      %lt3A_147 = arith.constant 0 : i32
      %lt3A_148 = arith.cmpi slt, %select_n3A_141, %lt3A_147 : i32
      %ne3A_149 = arith.xori %lt3A_146, %lt3A_148 : i1
      %and3A_150 = arith.andi %ne3A_149, %ne3A_144 : i1
      %add3A_151 = arith.addi %rem3A_142, %select_n3A_141 : i32
      %select_n3A_152 = arith.select %and3A_150, %add3A_151, %rem3A_142 : i32
      %dma_start3A_153 = arith.constant 0 : i32
      %dma_start3A_154 = tpu.memref_slice %arg8[%select_n3A_152, %dma_start3A_153] : memref<4x256xi32, #tpu.memory_space<vmem>> -> memref<1x256xi32, #tpu.memory_space<vmem>>
      %dma_start3A_155 = tpu.memref_squeeze %dma_start3A_154 : memref<1x256xi32, #tpu.memory_space<vmem>> -> memref<256xi32, #tpu.memory_space<vmem>>
      %dma_start3A_156 = arith.constant 0 : i32
      %dma_start3A_157 = arith.constant 0 : i32
      %dma_start3A_158 = tpu.memref_slice %arg16[%dma_start3A_156, %dma_start3A_157] : memref<10240x64xf32, #tpu.memory_space<vmem_shared>> -> memref<10240x64xf32, #tpu.memory_space<vmem_shared>>
      tpu.enqueue_indirect_dma source(%arg14 : memref<256x64xf32, #tpu.memory_space<vmem>>) target(%dma_start3A_158 : memref<10240x64xf32, #tpu.memory_space<vmem_shared>>) offsets(%dma_start3A_155 : memref<256xi32, #tpu.memory_space<vmem>>) semaphore(%arg21 : memref<!tpu.dma_semaphore, #tpu.memory_space<semaphore_mem>>) {add = true}
      %add3A_159 = arith.constant 1 : i32
      %add3A_160 = arith.addi %add3A_102, %add3A_159 : i32
      %lt3A_161 = arith.constant 20 : i32
      %lt3A_162 = arith.cmpi slt, %add3A_160, %lt3A_161 : i32
      %convert_element_type3A_163 = arith.extui %lt3A_162 : i1 to i32
      %cond3A_164 = arith.constant 0 : i32
      %cond3A_165 = arith.cmpi ne, %convert_element_type3A_163, %cond3A_164 : i32
      scf.if %cond3A_165 {
        %add3A_562 = arith.constant 1 : i32
        %add3A_563 = arith.addi %add3A_102, %add3A_562 : i32
        %mul3A_564 = arith.constant 80 : i32
        %mul3A_565 = arith.muli %arg1, %mul3A_564 : i32
        %mul3A_566 = arith.constant 4 : i32
        %mul3A_567 = arith.muli %add3A_563, %mul3A_566 : i32
        %add3A_568 = arith.addi %mul3A_565, %mul3A_567 : i32
        "tpu.region"() ({
          %run_scoped3A = tpu.sem_alloc : memref<!tpu.dma_semaphore, #tpu.memory_space<semaphore_mem>>
          %dma_start3A_576 = arith.constant 0 : i32
          %dma_start3A_577 = tpu.memref_slice %arg3[%add3A_568, %dma_start3A_576] : memref<1280x256xi32, #tpu.memory_space<hbm>> -> memref<4x256xi32, #tpu.memory_space<hbm>>
          %dma_start3A_578 = arith.constant 0 : i32
          %dma_start3A_579 = tpu.memref_slice %arg3[%add3A_568, %dma_start3A_578] : memref<1280x256xi32, #tpu.memory_space<hbm>> -> memref<4x256xi32, #tpu.memory_space<hbm>>
          tpu.enqueue_dma source(%dma_start3A_579 : memref<4x256xi32, #tpu.memory_space<hbm>>) target(%arg7 : memref<4x256xi32, #tpu.memory_space<vmem>>) target_semaphore(%run_scoped3A : memref<!tpu.dma_semaphore, #tpu.memory_space<semaphore_mem>>)
          %dma_wait3A_580 = arith.constant 0 : i32
          %dma_wait3A_581 = tpu.memref_slice %arg3[%add3A_568, %dma_wait3A_580] : memref<1280x256xi32, #tpu.memory_space<hbm>> -> memref<4x256xi32, #tpu.memory_space<hbm>>
          %dma_wait3A_582 = arith.constant 0 : i32
          %dma_wait3A_583 = tpu.memref_slice %arg3[%add3A_568, %dma_wait3A_582] : memref<1280x256xi32, #tpu.memory_space<hbm>> -> memref<4x256xi32, #tpu.memory_space<hbm>>
          tpu.wait_dma2 semaphore(%run_scoped3A : memref<!tpu.dma_semaphore, #tpu.memory_space<semaphore_mem>>) src(%dma_wait3A_583 : memref<4x256xi32, #tpu.memory_space<hbm>>) dst(%arg7 : memref<4x256xi32, #tpu.memory_space<vmem>>)
          tpu.yield
        }) : () -> ()
        "tpu.region"() ({
          %run_scoped3A = tpu.sem_alloc : memref<!tpu.dma_semaphore, #tpu.memory_space<semaphore_mem>>
          %dma_start3A_576 = arith.constant 0 : i32
          %dma_start3A_577 = tpu.memref_slice %arg4[%add3A_568, %dma_start3A_576] : memref<1280x256xi32, #tpu.memory_space<hbm>> -> memref<4x256xi32, #tpu.memory_space<hbm>>
          %dma_start3A_578 = arith.constant 0 : i32
          %dma_start3A_579 = tpu.memref_slice %arg4[%add3A_568, %dma_start3A_578] : memref<1280x256xi32, #tpu.memory_space<hbm>> -> memref<4x256xi32, #tpu.memory_space<hbm>>
          tpu.enqueue_dma source(%dma_start3A_579 : memref<4x256xi32, #tpu.memory_space<hbm>>) target(%arg9 : memref<4x256xi32, #tpu.memory_space<vmem>>) target_semaphore(%run_scoped3A : memref<!tpu.dma_semaphore, #tpu.memory_space<semaphore_mem>>)
          %dma_wait3A_580 = arith.constant 0 : i32
          %dma_wait3A_581 = tpu.memref_slice %arg4[%add3A_568, %dma_wait3A_580] : memref<1280x256xi32, #tpu.memory_space<hbm>> -> memref<4x256xi32, #tpu.memory_space<hbm>>
          %dma_wait3A_582 = arith.constant 0 : i32
          %dma_wait3A_583 = tpu.memref_slice %arg4[%add3A_568, %dma_wait3A_582] : memref<1280x256xi32, #tpu.memory_space<hbm>> -> memref<4x256xi32, #tpu.memory_space<hbm>>
          tpu.wait_dma2 semaphore(%run_scoped3A : memref<!tpu.dma_semaphore, #tpu.memory_space<semaphore_mem>>) src(%dma_wait3A_583 : memref<4x256xi32, #tpu.memory_space<hbm>>) dst(%arg9 : memref<4x256xi32, #tpu.memory_space<vmem>>)
          tpu.yield
        }) : () -> ()
        %scan3A_569 = arith.constant 0 : i32
        %scan3A_570 = arith.constant 0 : i32
        %scan3A_571 = arith.constant 4 : i32
        %scan3A_572 = arith.addi %scan3A_570, %scan3A_571 : i32
        %scan3A_573 = arith.constant 1 : i32
        %scan3A_574 = scf.for %scan3A_576 = %scan3A_570 to %scan3A_572 step %scan3A_573 iter_args(%scan3A_577 = %scan3A_569) -> (i32)  : i32 {
          %get3A = arith.index_cast %scan3A_576 : i32 to index
          %get3A_578 = arith.constant 0 : index
          %get3A_579 = tpu.vector_load %arg7[%get3A, %get3A_578] {strides = array<i32>} : memref<4x256xi32, #tpu.memory_space<vmem>>, vector<16xi32>,
          %add3A_580 = vector.broadcast %mul3A_0 : i32 to vector<16xi32>
          %add3A_581 = arith.addi %get3A_579, %add3A_580 : vector<16xi32>
          %swap3A = arith.index_cast %scan3A_576 : i32 to index
          %swap3A_582 = arith.constant 0 : index
          %swap3A_583 = tpu.vector_load %arg7[%swap3A, %swap3A_582] {strides = array<i32>} : memref<4x256xi32, #tpu.memory_space<vmem>>, vector<16xi32>,
          tpu.vector_store %arg7[%swap3A, %swap3A_582], %add3A_581 {strides = array<i32>} : memref<4x256xi32, #tpu.memory_space<vmem>>, vector<16xi32>,
          %get3A_584 = arith.index_cast %scan3A_576 : i32 to index
          %get3A_585 = arith.constant 16 : index
          %get3A_586 = tpu.vector_load %arg7[%get3A_584, %get3A_585] {strides = array<i32>} : memref<4x256xi32, #tpu.memory_space<vmem>>, vector<16xi32>,
          %add3A_587 = vector.broadcast %mul3A_0 : i32 to vector<16xi32>
          %add3A_588 = arith.addi %get3A_586, %add3A_587 : vector<16xi32>
          %swap3A_589 = arith.index_cast %scan3A_576 : i32 to index
          %swap3A_590 = arith.constant 16 : index
          %swap3A_591 = tpu.vector_load %arg7[%swap3A_589, %swap3A_590] {strides = array<i32>} : memref<4x256xi32, #tpu.memory_space<vmem>>, vector<16xi32>,
          tpu.vector_store %arg7[%swap3A_589, %swap3A_590], %add3A_588 {strides = array<i32>} : memref<4x256xi32, #tpu.memory_space<vmem>>, vector<16xi32>,
          %get3A_592 = arith.index_cast %scan3A_576 : i32 to index
          %get3A_593 = arith.constant 32 : index
          %get3A_594 = tpu.vector_load %arg7[%get3A_592, %get3A_593] {strides = array<i32>} : memref<4x256xi32, #tpu.memory_space<vmem>>, vector<16xi32>,
          %add3A_595 = vector.broadcast %mul3A_0 : i32 to vector<16xi32>
          %add3A_596 = arith.addi %get3A_594, %add3A_595 : vector<16xi32>
          %swap3A_597 = arith.index_cast %scan3A_576 : i32 to index
          %swap3A_598 = arith.constant 32 : index
          %swap3A_599 = tpu.vector_load %arg7[%swap3A_597, %swap3A_598] {strides = array<i32>} : memref<4x256xi32, #tpu.memory_space<vmem>>, vector<16xi32>,
          tpu.vector_store %arg7[%swap3A_597, %swap3A_598], %add3A_596 {strides = array<i32>} : memref<4x256xi32, #tpu.memory_space<vmem>>, vector<16xi32>,
          %get3A_600 = arith.index_cast %scan3A_576 : i32 to index
          %get3A_601 = arith.constant 48 : index
          %get3A_602 = tpu.vector_load %arg7[%get3A_600, %get3A_601] {strides = array<i32>} : memref<4x256xi32, #tpu.memory_space<vmem>>, vector<16xi32>,
          %add3A_603 = vector.broadcast %mul3A_0 : i32 to vector<16xi32>
          %add3A_604 = arith.addi %get3A_602, %add3A_603 : vector<16xi32>
          %swap3A_605 = arith.index_cast %scan3A_576 : i32 to index
          %swap3A_606 = arith.constant 48 : index
          %swap3A_607 = tpu.vector_load %arg7[%swap3A_605, %swap3A_606] {strides = array<i32>} : memref<4x256xi32, #tpu.memory_space<vmem>>, vector<16xi32>,
          tpu.vector_store %arg7[%swap3A_605, %swap3A_606], %add3A_604 {strides = array<i32>} : memref<4x256xi32, #tpu.memory_space<vmem>>, vector<16xi32>,
          %get3A_608 = arith.index_cast %scan3A_576 : i32 to index
          %get3A_609 = arith.constant 64 : index
          %get3A_610 = tpu.vector_load %arg7[%get3A_608, %get3A_609] {strides = array<i32>} : memref<4x256xi32, #tpu.memory_space<vmem>>, vector<16xi32>,
          %add3A_611 = vector.broadcast %mul3A_0 : i32 to vector<16xi32>
          %add3A_612 = arith.addi %get3A_610, %add3A_611 : vector<16xi32>
          %swap3A_613 = arith.index_cast %scan3A_576 : i32 to index
          %swap3A_614 = arith.constant 64 : index
          %swap3A_615 = tpu.vector_load %arg7[%swap3A_613, %swap3A_614] {strides = array<i32>} : memref<4x256xi32, #tpu.memory_space<vmem>>, vector<16xi32>,
          tpu.vector_store %arg7[%swap3A_613, %swap3A_614], %add3A_612 {strides = array<i32>} : memref<4x256xi32, #tpu.memory_space<vmem>>, vector<16xi32>,
          %get3A_616 = arith.index_cast %scan3A_576 : i32 to index
          %get3A_617 = arith.constant 80 : index
          %get3A_618 = tpu.vector_load %arg7[%get3A_616, %get3A_617] {strides = array<i32>} : memref<4x256xi32, #tpu.memory_space<vmem>>, vector<16xi32>,
          %add3A_619 = vector.broadcast %mul3A_0 : i32 to vector<16xi32>
          %add3A_620 = arith.addi %get3A_618, %add3A_619 : vector<16xi32>
          %swap3A_621 = arith.index_cast %scan3A_576 : i32 to index
          %swap3A_622 = arith.constant 80 : index
          %swap3A_623 = tpu.vector_load %arg7[%swap3A_621, %swap3A_622] {strides = array<i32>} : memref<4x256xi32, #tpu.memory_space<vmem>>, vector<16xi32>,
          tpu.vector_store %arg7[%swap3A_621, %swap3A_622], %add3A_620 {strides = array<i32>} : memref<4x256xi32, #tpu.memory_space<vmem>>, vector<16xi32>,
          %get3A_624 = arith.index_cast %scan3A_576 : i32 to index
          %get3A_625 = arith.constant 96 : index
          %get3A_626 = tpu.vector_load %arg7[%get3A_624, %get3A_625] {strides = array<i32>} : memref<4x256xi32, #tpu.memory_space<vmem>>, vector<16xi32>,
          %add3A_627 = vector.broadcast %mul3A_0 : i32 to vector<16xi32>
          %add3A_628 = arith.addi %get3A_626, %add3A_627 : vector<16xi32>
          %swap3A_629 = arith.index_cast %scan3A_576 : i32 to index
          %swap3A_630 = arith.constant 96 : index
          %swap3A_631 = tpu.vector_load %arg7[%swap3A_629, %swap3A_630] {strides = array<i32>} : memref<4x256xi32, #tpu.memory_space<vmem>>, vector<16xi32>,
          tpu.vector_store %arg7[%swap3A_629, %swap3A_630], %add3A_628 {strides = array<i32>} : memref<4x256xi32, #tpu.memory_space<vmem>>, vector<16xi32>,
          %get3A_632 = arith.index_cast %scan3A_576 : i32 to index
          %get3A_633 = arith.constant 112 : index
          %get3A_634 = tpu.vector_load %arg7[%get3A_632, %get3A_633] {strides = array<i32>} : memref<4x256xi32, #tpu.memory_space<vmem>>, vector<16xi32>,
          %add3A_635 = vector.broadcast %mul3A_0 : i32 to vector<16xi32>
          %add3A_636 = arith.addi %get3A_634, %add3A_635 : vector<16xi32>
          %swap3A_637 = arith.index_cast %scan3A_576 : i32 to index
          %swap3A_638 = arith.constant 112 : index
          %swap3A_639 = tpu.vector_load %arg7[%swap3A_637, %swap3A_638] {strides = array<i32>} : memref<4x256xi32, #tpu.memory_space<vmem>>, vector<16xi32>,
          tpu.vector_store %arg7[%swap3A_637, %swap3A_638], %add3A_636 {strides = array<i32>} : memref<4x256xi32, #tpu.memory_space<vmem>>, vector<16xi32>,
          %get3A_640 = arith.index_cast %scan3A_576 : i32 to index
          %get3A_641 = arith.constant 128 : index
          %get3A_642 = tpu.vector_load %arg7[%get3A_640, %get3A_641] {strides = array<i32>} : memref<4x256xi32, #tpu.memory_space<vmem>>, vector<16xi32>,
          %add3A_643 = vector.broadcast %mul3A_0 : i32 to vector<16xi32>
          %add3A_644 = arith.addi %get3A_642, %add3A_643 : vector<16xi32>
          %swap3A_645 = arith.index_cast %scan3A_576 : i32 to index
          %swap3A_646 = arith.constant 128 : index
          %swap3A_647 = tpu.vector_load %arg7[%swap3A_645, %swap3A_646] {strides = array<i32>} : memref<4x256xi32, #tpu.memory_space<vmem>>, vector<16xi32>,
          tpu.vector_store %arg7[%swap3A_645, %swap3A_646], %add3A_644 {strides = array<i32>} : memref<4x256xi32, #tpu.memory_space<vmem>>, vector<16xi32>,
          %get3A_648 = arith.index_cast %scan3A_576 : i32 to index
          %get3A_649 = arith.constant 144 : index
          %get3A_650 = tpu.vector_load %arg7[%get3A_648, %get3A_649] {strides = array<i32>} : memref<4x256xi32, #tpu.memory_space<vmem>>, vector<16xi32>,
          %add3A_651 = vector.broadcast %mul3A_0 : i32 to vector<16xi32>
          %add3A_652 = arith.addi %get3A_650, %add3A_651 : vector<16xi32>
          %swap3A_653 = arith.index_cast %scan3A_576 : i32 to index
          %swap3A_654 = arith.constant 144 : index
          %swap3A_655 = tpu.vector_load %arg7[%swap3A_653, %swap3A_654] {strides = array<i32>} : memref<4x256xi32, #tpu.memory_space<vmem>>, vector<16xi32>,
          tpu.vector_store %arg7[%swap3A_653, %swap3A_654], %add3A_652 {strides = array<i32>} : memref<4x256xi32, #tpu.memory_space<vmem>>, vector<16xi32>,
          %get3A_656 = arith.index_cast %scan3A_576 : i32 to index
          %get3A_657 = arith.constant 160 : index
          %get3A_658 = tpu.vector_load %arg7[%get3A_656, %get3A_657] {strides = array<i32>} : memref<4x256xi32, #tpu.memory_space<vmem>>, vector<16xi32>,
          %add3A_659 = vector.broadcast %mul3A_0 : i32 to vector<16xi32>
          %add3A_660 = arith.addi %get3A_658, %add3A_659 : vector<16xi32>
          %swap3A_661 = arith.index_cast %scan3A_576 : i32 to index
          %swap3A_662 = arith.constant 160 : index
          %swap3A_663 = tpu.vector_load %arg7[%swap3A_661, %swap3A_662] {strides = array<i32>} : memref<4x256xi32, #tpu.memory_space<vmem>>, vector<16xi32>,
          tpu.vector_store %arg7[%swap3A_661, %swap3A_662], %add3A_660 {strides = array<i32>} : memref<4x256xi32, #tpu.memory_space<vmem>>, vector<16xi32>,
          %get3A_664 = arith.index_cast %scan3A_576 : i32 to index
          %get3A_665 = arith.constant 176 : index
          %get3A_666 = tpu.vector_load %arg7[%get3A_664, %get3A_665] {strides = array<i32>} : memref<4x256xi32, #tpu.memory_space<vmem>>, vector<16xi32>,
          %add3A_667 = vector.broadcast %mul3A_0 : i32 to vector<16xi32>
          %add3A_668 = arith.addi %get3A_666, %add3A_667 : vector<16xi32>
          %swap3A_669 = arith.index_cast %scan3A_576 : i32 to index
          %swap3A_670 = arith.constant 176 : index
          %swap3A_671 = tpu.vector_load %arg7[%swap3A_669, %swap3A_670] {strides = array<i32>} : memref<4x256xi32, #tpu.memory_space<vmem>>, vector<16xi32>,
          tpu.vector_store %arg7[%swap3A_669, %swap3A_670], %add3A_668 {strides = array<i32>} : memref<4x256xi32, #tpu.memory_space<vmem>>, vector<16xi32>,
          %get3A_672 = arith.index_cast %scan3A_576 : i32 to index
          %get3A_673 = arith.constant 192 : index
          %get3A_674 = tpu.vector_load %arg7[%get3A_672, %get3A_673] {strides = array<i32>} : memref<4x256xi32, #tpu.memory_space<vmem>>, vector<16xi32>,
          %add3A_675 = vector.broadcast %mul3A_0 : i32 to vector<16xi32>
          %add3A_676 = arith.addi %get3A_674, %add3A_675 : vector<16xi32>
          %swap3A_677 = arith.index_cast %scan3A_576 : i32 to index
          %swap3A_678 = arith.constant 192 : index
          %swap3A_679 = tpu.vector_load %arg7[%swap3A_677, %swap3A_678] {strides = array<i32>} : memref<4x256xi32, #tpu.memory_space<vmem>>, vector<16xi32>,
          tpu.vector_store %arg7[%swap3A_677, %swap3A_678], %add3A_676 {strides = array<i32>} : memref<4x256xi32, #tpu.memory_space<vmem>>, vector<16xi32>,
          %get3A_680 = arith.index_cast %scan3A_576 : i32 to index
          %get3A_681 = arith.constant 208 : index
          %get3A_682 = tpu.vector_load %arg7[%get3A_680, %get3A_681] {strides = array<i32>} : memref<4x256xi32, #tpu.memory_space<vmem>>, vector<16xi32>,
          %add3A_683 = vector.broadcast %mul3A_0 : i32 to vector<16xi32>
          %add3A_684 = arith.addi %get3A_682, %add3A_683 : vector<16xi32>
          %swap3A_685 = arith.index_cast %scan3A_576 : i32 to index
          %swap3A_686 = arith.constant 208 : index
          %swap3A_687 = tpu.vector_load %arg7[%swap3A_685, %swap3A_686] {strides = array<i32>} : memref<4x256xi32, #tpu.memory_space<vmem>>, vector<16xi32>,
          tpu.vector_store %arg7[%swap3A_685, %swap3A_686], %add3A_684 {strides = array<i32>} : memref<4x256xi32, #tpu.memory_space<vmem>>, vector<16xi32>,
          %get3A_688 = arith.index_cast %scan3A_576 : i32 to index
          %get3A_689 = arith.constant 224 : index
          %get3A_690 = tpu.vector_load %arg7[%get3A_688, %get3A_689] {strides = array<i32>} : memref<4x256xi32, #tpu.memory_space<vmem>>, vector<16xi32>,
          %add3A_691 = vector.broadcast %mul3A_0 : i32 to vector<16xi32>
          %add3A_692 = arith.addi %get3A_690, %add3A_691 : vector<16xi32>
          %swap3A_693 = arith.index_cast %scan3A_576 : i32 to index
          %swap3A_694 = arith.constant 224 : index
          %swap3A_695 = tpu.vector_load %arg7[%swap3A_693, %swap3A_694] {strides = array<i32>} : memref<4x256xi32, #tpu.memory_space<vmem>>, vector<16xi32>,
          tpu.vector_store %arg7[%swap3A_693, %swap3A_694], %add3A_692 {strides = array<i32>} : memref<4x256xi32, #tpu.memory_space<vmem>>, vector<16xi32>,
          %get3A_696 = arith.index_cast %scan3A_576 : i32 to index
          %get3A_697 = arith.constant 240 : index
          %get3A_698 = tpu.vector_load %arg7[%get3A_696, %get3A_697] {strides = array<i32>} : memref<4x256xi32, #tpu.memory_space<vmem>>, vector<16xi32>,
          %add3A_699 = vector.broadcast %mul3A_0 : i32 to vector<16xi32>
          %add3A_700 = arith.addi %get3A_698, %add3A_699 : vector<16xi32>
          %swap3A_701 = arith.index_cast %scan3A_576 : i32 to index
          %swap3A_702 = arith.constant 240 : index
          %swap3A_703 = tpu.vector_load %arg7[%swap3A_701, %swap3A_702] {strides = array<i32>} : memref<4x256xi32, #tpu.memory_space<vmem>>, vector<16xi32>,
          tpu.vector_store %arg7[%swap3A_701, %swap3A_702], %add3A_700 {strides = array<i32>} : memref<4x256xi32, #tpu.memory_space<vmem>>, vector<16xi32>,
          %scan3A_704 = arith.constant 0 : i32
          scf.yield %scan3A_704 : i32
        }
        %scan3A_575 = arith.constant 4 : i32
      } else {
      }
      %dma_wait3A_166 = arith.constant 0 : i32
      %dma_wait3A_167 = arith.constant 0 : i32
      %dma_wait3A_168 = tpu.memref_slice %arg2[%dma_wait3A_166, %dma_wait3A_167] : memref<20480x32xi32, #tpu.memory_space<hbm>> -> memref<256x32xi32, #tpu.memory_space<hbm>>
      %dma_wait3A_169 = arith.constant 0 : i32
      %dma_wait3A_170 = arith.constant 0 : i32
      %dma_wait3A_171 = tpu.memref_slice %arg2[%dma_wait3A_169, %dma_wait3A_170] : memref<20480x32xi32, #tpu.memory_space<hbm>> -> memref<256x32xi32, #tpu.memory_space<hbm>>
      tpu.wait_dma2 semaphore(%arg18 : memref<!tpu.dma_semaphore, #tpu.memory_space<semaphore_mem>>) src(%dma_wait3A_171 : memref<256x32xi32, #tpu.memory_space<hbm>>) dst(%arg11 : memref<256x32xi32, #tpu.memory_space<vmem>>)
      %add3A_172 = arith.constant 3 : i32
      %add3A_173 = arith.addi %mul3A_104, %add3A_172 : i32
      %add3A_174 = arith.constant 1 : i32
      %add3A_175 = arith.addi %add3A_173, %add3A_174 : i32
      %lt3A_176 = arith.constant 80 : i32
      %lt3A_177 = arith.cmpi slt, %add3A_175, %lt3A_176 : i32
      %convert_element_type3A_178 = arith.extui %lt3A_177 : i1 to i32
      %cond3A_179 = arith.constant 0 : i32
      %cond3A_180 = arith.cmpi ne, %convert_element_type3A_178, %cond3A_179 : i32
      scf.if %cond3A_180 {
        %add3A_562 = arith.constant 3 : i32
        %add3A_563 = arith.addi %mul3A_104, %add3A_562 : i32
        %add3A_564 = arith.constant 1 : i32
        %add3A_565 = arith.addi %add3A_563, %add3A_564 : i32
        %jit3A_566 = arith.constant 4 : i32
        %eq3A_567 = arith.constant 0 : i32
        %eq3A_568 = arith.cmpi eq, %jit3A_566, %eq3A_567 : i32
        %jit3A_569 = arith.constant 1 : i32
        %select_n3A_570 = arith.select %eq3A_568, %jit3A_569, %jit3A_566 : i32
        %rem3A_571 = arith.remsi %add3A_565, %select_n3A_570 : i32
        %ne3A_572 = arith.constant 0 : i32
        %ne3A_573 = arith.cmpi ne, %rem3A_571, %ne3A_572 : i32
        %lt3A_574 = arith.constant 0 : i32
        %lt3A_575 = arith.cmpi slt, %rem3A_571, %lt3A_574 : i32
        %lt3A_576 = arith.constant 0 : i32
        %lt3A_577 = arith.cmpi slt, %select_n3A_570, %lt3A_576 : i32
        %ne3A_578 = arith.xori %lt3A_575, %lt3A_577 : i1
        %and3A_579 = arith.andi %ne3A_578, %ne3A_573 : i1
        %add3A_580 = arith.addi %rem3A_571, %select_n3A_570 : i32
        %select_n3A_581 = arith.select %and3A_579, %add3A_580, %rem3A_571 : i32
        %dma_start3A_582 = arith.constant 0 : i32
        %dma_start3A_583 = tpu.memref_slice %arg7[%select_n3A_581, %dma_start3A_582] : memref<4x256xi32, #tpu.memory_space<vmem>> -> memref<1x256xi32, #tpu.memory_space<vmem>>
        %dma_start3A_584 = tpu.memref_squeeze %dma_start3A_583 : memref<1x256xi32, #tpu.memory_space<vmem>> -> memref<256xi32, #tpu.memory_space<vmem>>
        %dma_start3A_585 = arith.constant 0 : i32
        %dma_start3A_586 = arith.constant 0 : i32
        %dma_start3A_587 = tpu.memref_slice %arg2[%dma_start3A_585, %dma_start3A_586] : memref<20480x32xi32, #tpu.memory_space<hbm>> -> memref<20480x32xi32, #tpu.memory_space<hbm>>
        tpu.enqueue_indirect_dma source(%dma_start3A_587 : memref<20480x32xi32, #tpu.memory_space<hbm>>) target(%arg10 : memref<256x32xi32, #tpu.memory_space<vmem>>) offsets(%dma_start3A_584 : memref<256xi32, #tpu.memory_space<vmem>>) semaphore(%arg17 : memref<!tpu.dma_semaphore, #tpu.memory_space<semaphore_mem>>)
      } else {
      }
      %add3A_181 = arith.constant 1 : i32
      %add3A_182 = arith.addi %mul3A_104, %add3A_181 : i32
      %ge3A_183 = arith.constant 2 : i32
      %ge3A_184 = arith.cmpi sge, %add3A_182, %ge3A_183 : i32
      %convert_element_type3A_185 = arith.extui %ge3A_184 : i1 to i32
      %cond3A_186 = arith.constant 0 : i32
      %cond3A_187 = arith.cmpi ne, %convert_element_type3A_185, %cond3A_186 : i32
      scf.if %cond3A_187 {
        %dma_wait3A_562 = arith.constant 0 : i32
        %dma_wait3A_563 = arith.constant 0 : i32
        %dma_wait3A_564 = tpu.memref_slice %arg16[%dma_wait3A_562, %dma_wait3A_563] : memref<10240x64xf32, #tpu.memory_space<vmem_shared>> -> memref<256x64xf32, #tpu.memory_space<vmem_shared>>
        %dma_wait3A_565 = arith.constant 0 : i32
        %dma_wait3A_566 = arith.constant 0 : i32
        %dma_wait3A_567 = tpu.memref_slice %arg16[%dma_wait3A_565, %dma_wait3A_566] : memref<10240x64xf32, #tpu.memory_space<vmem_shared>> -> memref<256x64xf32, #tpu.memory_space<vmem_shared>>
        tpu.wait_dma2 semaphore(%arg22 : memref<!tpu.dma_semaphore, #tpu.memory_space<semaphore_mem>>) src(%arg15 : memref<256x64xf32, #tpu.memory_space<vmem>>) dst(%dma_wait3A_567 : memref<256x64xf32, #tpu.memory_space<vmem_shared>>)
      } else {
      }
      %scan3A_188 = arith.constant 0 : i32
      %scan3A_189 = arith.constant 0 : i32
      %scan3A_190 = arith.constant 256 : i32
      %scan3A_191 = arith.addi %scan3A_189, %scan3A_190 : i32
      %scan3A_192 = arith.constant 1 : i32
      %scan3A_193 = scf.for %scan3A_562 = %scan3A_189 to %scan3A_191 step %scan3A_192 iter_args(%scan3A_563 = %scan3A_188) -> (i32)  : i32 {
        %get3A = arith.index_cast %scan3A_562 : i32 to index
        %get3A_564 = arith.constant 0 : index
        %get3A_565 = tpu.vector_load %arg11[%get3A, %get3A_564] {strides = array<i32>} : memref<256x32xi32, #tpu.memory_space<vmem>>, vector<16xi32>,
        %shift_left3A = arith.constant 16 : i32
        %shift_left3A_566 = vector.broadcast %shift_left3A : i32 to vector<16xi32>
        %shift_left3A_567 = arith.shli %get3A_565, %shift_left3A_566 : vector<16xi32>
        %bitcast3A = vector.bitcast %shift_left3A_567 : vector<16xi32> to vector<16xf32>
        %and3A_568 = vector.broadcast %scan3A_57 : i32 to vector<16xi32>
        %and3A_569 = arith.andi %get3A_565, %and3A_568 : vector<16xi32>
        %bitcast3A_570 = vector.bitcast %and3A_569 : vector<16xi32> to vector<16xf32>
        %swap3A = arith.index_cast %scan3A_562 : i32 to index
        %swap3A_571 = arith.constant 0 : index
        %swap3A_572 = tpu.vector_load %arg15[%swap3A, %swap3A_571] {strides = array<i32>} : memref<256x64xf32, #tpu.memory_space<vmem>>, vector<16xf32>,
        tpu.vector_store %arg15[%swap3A, %swap3A_571], %bitcast3A {strides = array<i32>} : memref<256x64xf32, #tpu.memory_space<vmem>>, vector<16xf32>,
        %swap3A_573 = arith.index_cast %scan3A_562 : i32 to index
        %swap3A_574 = arith.constant 16 : index
        %swap3A_575 = tpu.vector_load %arg15[%swap3A_573, %swap3A_574] {strides = array<i32>} : memref<256x64xf32, #tpu.memory_space<vmem>>, vector<16xf32>,
        tpu.vector_store %arg15[%swap3A_573, %swap3A_574], %bitcast3A_570 {strides = array<i32>} : memref<256x64xf32, #tpu.memory_space<vmem>>, vector<16xf32>,
        %get3A_576 = arith.index_cast %scan3A_562 : i32 to index
        %get3A_577 = arith.constant 16 : index
        %get3A_578 = tpu.vector_load %arg11[%get3A_576, %get3A_577] {strides = array<i32>} : memref<256x32xi32, #tpu.memory_space<vmem>>, vector<16xi32>,
        %shift_left3A_579 = arith.constant 16 : i32
        %shift_left3A_580 = vector.broadcast %shift_left3A_579 : i32 to vector<16xi32>
        %shift_left3A_581 = arith.shli %get3A_578, %shift_left3A_580 : vector<16xi32>
        %bitcast3A_582 = vector.bitcast %shift_left3A_581 : vector<16xi32> to vector<16xf32>
        %and3A_583 = vector.broadcast %scan3A_57 : i32 to vector<16xi32>
        %and3A_584 = arith.andi %get3A_578, %and3A_583 : vector<16xi32>
        %bitcast3A_585 = vector.bitcast %and3A_584 : vector<16xi32> to vector<16xf32>
        %swap3A_586 = arith.index_cast %scan3A_562 : i32 to index
        %swap3A_587 = arith.constant 32 : index
        %swap3A_588 = tpu.vector_load %arg15[%swap3A_586, %swap3A_587] {strides = array<i32>} : memref<256x64xf32, #tpu.memory_space<vmem>>, vector<16xf32>,
        tpu.vector_store %arg15[%swap3A_586, %swap3A_587], %bitcast3A_582 {strides = array<i32>} : memref<256x64xf32, #tpu.memory_space<vmem>>, vector<16xf32>,
        %swap3A_589 = arith.index_cast %scan3A_562 : i32 to index
        %swap3A_590 = arith.constant 48 : index
        %swap3A_591 = tpu.vector_load %arg15[%swap3A_589, %swap3A_590] {strides = array<i32>} : memref<256x64xf32, #tpu.memory_space<vmem>>, vector<16xf32>,
        tpu.vector_store %arg15[%swap3A_589, %swap3A_590], %bitcast3A_585 {strides = array<i32>} : memref<256x64xf32, #tpu.memory_space<vmem>>, vector<16xf32>,
        %scan3A_592 = arith.constant 0 : i32
        scf.yield %scan3A_592 : i32
      }
      %scan3A_194 = arith.constant 256 : i32
      %add3A_195 = arith.constant 1 : i32
      %add3A_196 = arith.addi %mul3A_104, %add3A_195 : i32
      %jit3A_197 = arith.constant 4 : i32
      %eq3A_198 = arith.constant 0 : i32
      %eq3A_199 = arith.cmpi eq, %jit3A_197, %eq3A_198 : i32
      %jit3A_200 = arith.constant 1 : i32
      %select_n3A_201 = arith.select %eq3A_199, %jit3A_200, %jit3A_197 : i32
      %rem3A_202 = arith.remsi %add3A_196, %select_n3A_201 : i32
      %ne3A_203 = arith.constant 0 : i32
      %ne3A_204 = arith.cmpi ne, %rem3A_202, %ne3A_203 : i32
      %lt3A_205 = arith.constant 0 : i32
      %lt3A_206 = arith.cmpi slt, %rem3A_202, %lt3A_205 : i32
      %lt3A_207 = arith.constant 0 : i32
      %lt3A_208 = arith.cmpi slt, %select_n3A_201, %lt3A_207 : i32
      %ne3A_209 = arith.xori %lt3A_206, %lt3A_208 : i1
      %and3A_210 = arith.andi %ne3A_209, %ne3A_204 : i1
      %add3A_211 = arith.addi %rem3A_202, %select_n3A_201 : i32
      %select_n3A_212 = arith.select %and3A_210, %add3A_211, %rem3A_202 : i32
      %dma_start3A_213 = arith.constant 0 : i32
      %dma_start3A_214 = tpu.memref_slice %arg8[%select_n3A_212, %dma_start3A_213] : memref<4x256xi32, #tpu.memory_space<vmem>> -> memref<1x256xi32, #tpu.memory_space<vmem>>
      %dma_start3A_215 = tpu.memref_squeeze %dma_start3A_214 : memref<1x256xi32, #tpu.memory_space<vmem>> -> memref<256xi32, #tpu.memory_space<vmem>>
      %dma_start3A_216 = arith.constant 0 : i32
      %dma_start3A_217 = arith.constant 0 : i32
      %dma_start3A_218 = tpu.memref_slice %arg16[%dma_start3A_216, %dma_start3A_217] : memref<10240x64xf32, #tpu.memory_space<vmem_shared>> -> memref<10240x64xf32, #tpu.memory_space<vmem_shared>>
      tpu.enqueue_indirect_dma source(%arg15 : memref<256x64xf32, #tpu.memory_space<vmem>>) target(%dma_start3A_218 : memref<10240x64xf32, #tpu.memory_space<vmem_shared>>) offsets(%dma_start3A_215 : memref<256xi32, #tpu.memory_space<vmem>>) semaphore(%arg22 : memref<!tpu.dma_semaphore, #tpu.memory_space<semaphore_mem>>) {add = true}
      %dma_wait3A_219 = arith.constant 0 : i32
      %dma_wait3A_220 = arith.constant 0 : i32
      %dma_wait3A_221 = tpu.memref_slice %arg2[%dma_wait3A_219, %dma_wait3A_220] : memref<20480x32xi32, #tpu.memory_space<hbm>> -> memref<256x32xi32, #tpu.memory_space<hbm>>
      %dma_wait3A_222 = arith.constant 0 : i32
      %dma_wait3A_223 = arith.constant 0 : i32
      %dma_wait3A_224 = tpu.memref_slice %arg2[%dma_wait3A_222, %dma_wait3A_223] : memref<20480x32xi32, #tpu.memory_space<hbm>> -> memref<256x32xi32, #tpu.memory_space<hbm>>
      tpu.wait_dma2 semaphore(%arg19 : memref<!tpu.dma_semaphore, #tpu.memory_space<semaphore_mem>>) src(%dma_wait3A_224 : memref<256x32xi32, #tpu.memory_space<hbm>>) dst(%arg12 : memref<256x32xi32, #tpu.memory_space<vmem>>)
      %add3A_225 = arith.constant 3 : i32
      %add3A_226 = arith.addi %mul3A_104, %add3A_225 : i32
      %add3A_227 = arith.constant 2 : i32
      %add3A_228 = arith.addi %add3A_226, %add3A_227 : i32
      %lt3A_229 = arith.constant 80 : i32
      %lt3A_230 = arith.cmpi slt, %add3A_228, %lt3A_229 : i32
      %convert_element_type3A_231 = arith.extui %lt3A_230 : i1 to i32
      %cond3A_232 = arith.constant 0 : i32
      %cond3A_233 = arith.cmpi ne, %convert_element_type3A_231, %cond3A_232 : i32
      scf.if %cond3A_233 {
        %add3A_562 = arith.constant 3 : i32
        %add3A_563 = arith.addi %mul3A_104, %add3A_562 : i32
        %add3A_564 = arith.constant 2 : i32
        %add3A_565 = arith.addi %add3A_563, %add3A_564 : i32
        %jit3A_566 = arith.constant 4 : i32
        %eq3A_567 = arith.constant 0 : i32
        %eq3A_568 = arith.cmpi eq, %jit3A_566, %eq3A_567 : i32
        %jit3A_569 = arith.constant 1 : i32
        %select_n3A_570 = arith.select %eq3A_568, %jit3A_569, %jit3A_566 : i32
        %rem3A_571 = arith.remsi %add3A_565, %select_n3A_570 : i32
        %ne3A_572 = arith.constant 0 : i32
        %ne3A_573 = arith.cmpi ne, %rem3A_571, %ne3A_572 : i32
        %lt3A_574 = arith.constant 0 : i32
        %lt3A_575 = arith.cmpi slt, %rem3A_571, %lt3A_574 : i32
        %lt3A_576 = arith.constant 0 : i32
        %lt3A_577 = arith.cmpi slt, %select_n3A_570, %lt3A_576 : i32
        %ne3A_578 = arith.xori %lt3A_575, %lt3A_577 : i1
        %and3A_579 = arith.andi %ne3A_578, %ne3A_573 : i1
        %add3A_580 = arith.addi %rem3A_571, %select_n3A_570 : i32
        %select_n3A_581 = arith.select %and3A_579, %add3A_580, %rem3A_571 : i32
        %dma_start3A_582 = arith.constant 0 : i32
        %dma_start3A_583 = tpu.memref_slice %arg7[%select_n3A_581, %dma_start3A_582] : memref<4x256xi32, #tpu.memory_space<vmem>> -> memref<1x256xi32, #tpu.memory_space<vmem>>
        %dma_start3A_584 = tpu.memref_squeeze %dma_start3A_583 : memref<1x256xi32, #tpu.memory_space<vmem>> -> memref<256xi32, #tpu.memory_space<vmem>>
        %dma_start3A_585 = arith.constant 0 : i32
        %dma_start3A_586 = arith.constant 0 : i32
        %dma_start3A_587 = tpu.memref_slice %arg2[%dma_start3A_585, %dma_start3A_586] : memref<20480x32xi32, #tpu.memory_space<hbm>> -> memref<20480x32xi32, #tpu.memory_space<hbm>>
        tpu.enqueue_indirect_dma source(%dma_start3A_587 : memref<20480x32xi32, #tpu.memory_space<hbm>>) target(%arg11 : memref<256x32xi32, #tpu.memory_space<vmem>>) offsets(%dma_start3A_584 : memref<256xi32, #tpu.memory_space<vmem>>) semaphore(%arg18 : memref<!tpu.dma_semaphore, #tpu.memory_space<semaphore_mem>>)
      } else {
      }
      %add3A_234 = arith.constant 2 : i32
      %add3A_235 = arith.addi %mul3A_104, %add3A_234 : i32
      %ge3A_236 = arith.constant 2 : i32
      %ge3A_237 = arith.cmpi sge, %add3A_235, %ge3A_236 : i32
      %convert_element_type3A_238 = arith.extui %ge3A_237 : i1 to i32
      %cond3A_239 = arith.constant 0 : i32
      %cond3A_240 = arith.cmpi ne, %convert_element_type3A_238, %cond3A_239 : i32
      scf.if %cond3A_240 {
        %dma_wait3A_562 = arith.constant 0 : i32
        %dma_wait3A_563 = arith.constant 0 : i32
        %dma_wait3A_564 = tpu.memref_slice %arg16[%dma_wait3A_562, %dma_wait3A_563] : memref<10240x64xf32, #tpu.memory_space<vmem_shared>> -> memref<256x64xf32, #tpu.memory_space<vmem_shared>>
        %dma_wait3A_565 = arith.constant 0 : i32
        %dma_wait3A_566 = arith.constant 0 : i32
        %dma_wait3A_567 = tpu.memref_slice %arg16[%dma_wait3A_565, %dma_wait3A_566] : memref<10240x64xf32, #tpu.memory_space<vmem_shared>> -> memref<256x64xf32, #tpu.memory_space<vmem_shared>>
        tpu.wait_dma2 semaphore(%arg21 : memref<!tpu.dma_semaphore, #tpu.memory_space<semaphore_mem>>) src(%arg14 : memref<256x64xf32, #tpu.memory_space<vmem>>) dst(%dma_wait3A_567 : memref<256x64xf32, #tpu.memory_space<vmem_shared>>)
      } else {
      }
      %scan3A_241 = arith.constant 0 : i32
      %scan3A_242 = arith.constant 0 : i32
      %scan3A_243 = arith.constant 256 : i32
      %scan3A_244 = arith.addi %scan3A_242, %scan3A_243 : i32
      %scan3A_245 = arith.constant 1 : i32
      %scan3A_246 = scf.for %scan3A_562 = %scan3A_242 to %scan3A_244 step %scan3A_245 iter_args(%scan3A_563 = %scan3A_241) -> (i32)  : i32 {
        %get3A = arith.index_cast %scan3A_562 : i32 to index
        %get3A_564 = arith.constant 0 : index
        %get3A_565 = tpu.vector_load %arg12[%get3A, %get3A_564] {strides = array<i32>} : memref<256x32xi32, #tpu.memory_space<vmem>>, vector<16xi32>,
        %shift_left3A = arith.constant 16 : i32
        %shift_left3A_566 = vector.broadcast %shift_left3A : i32 to vector<16xi32>
        %shift_left3A_567 = arith.shli %get3A_565, %shift_left3A_566 : vector<16xi32>
        %bitcast3A = vector.bitcast %shift_left3A_567 : vector<16xi32> to vector<16xf32>
        %and3A_568 = vector.broadcast %scan3A_57 : i32 to vector<16xi32>
        %and3A_569 = arith.andi %get3A_565, %and3A_568 : vector<16xi32>
        %bitcast3A_570 = vector.bitcast %and3A_569 : vector<16xi32> to vector<16xf32>
        %swap3A = arith.index_cast %scan3A_562 : i32 to index
        %swap3A_571 = arith.constant 0 : index
        %swap3A_572 = tpu.vector_load %arg14[%swap3A, %swap3A_571] {strides = array<i32>} : memref<256x64xf32, #tpu.memory_space<vmem>>, vector<16xf32>,
        tpu.vector_store %arg14[%swap3A, %swap3A_571], %bitcast3A {strides = array<i32>} : memref<256x64xf32, #tpu.memory_space<vmem>>, vector<16xf32>,
        %swap3A_573 = arith.index_cast %scan3A_562 : i32 to index
        %swap3A_574 = arith.constant 16 : index
        %swap3A_575 = tpu.vector_load %arg14[%swap3A_573, %swap3A_574] {strides = array<i32>} : memref<256x64xf32, #tpu.memory_space<vmem>>, vector<16xf32>,
        tpu.vector_store %arg14[%swap3A_573, %swap3A_574], %bitcast3A_570 {strides = array<i32>} : memref<256x64xf32, #tpu.memory_space<vmem>>, vector<16xf32>,
        %get3A_576 = arith.index_cast %scan3A_562 : i32 to index
        %get3A_577 = arith.constant 16 : index
        %get3A_578 = tpu.vector_load %arg12[%get3A_576, %get3A_577] {strides = array<i32>} : memref<256x32xi32, #tpu.memory_space<vmem>>, vector<16xi32>,
        %shift_left3A_579 = arith.constant 16 : i32
        %shift_left3A_580 = vector.broadcast %shift_left3A_579 : i32 to vector<16xi32>
        %shift_left3A_581 = arith.shli %get3A_578, %shift_left3A_580 : vector<16xi32>
        %bitcast3A_582 = vector.bitcast %shift_left3A_581 : vector<16xi32> to vector<16xf32>
        %and3A_583 = vector.broadcast %scan3A_57 : i32 to vector<16xi32>
        %and3A_584 = arith.andi %get3A_578, %and3A_583 : vector<16xi32>
        %bitcast3A_585 = vector.bitcast %and3A_584 : vector<16xi32> to vector<16xf32>
        %swap3A_586 = arith.index_cast %scan3A_562 : i32 to index
        %swap3A_587 = arith.constant 32 : index
        %swap3A_588 = tpu.vector_load %arg14[%swap3A_586, %swap3A_587] {strides = array<i32>} : memref<256x64xf32, #tpu.memory_space<vmem>>, vector<16xf32>,
        tpu.vector_store %arg14[%swap3A_586, %swap3A_587], %bitcast3A_582 {strides = array<i32>} : memref<256x64xf32, #tpu.memory_space<vmem>>, vector<16xf32>,
        %swap3A_589 = arith.index_cast %scan3A_562 : i32 to index
        %swap3A_590 = arith.constant 48 : index
        %swap3A_591 = tpu.vector_load %arg14[%swap3A_589, %swap3A_590] {strides = array<i32>} : memref<256x64xf32, #tpu.memory_space<vmem>>, vector<16xf32>,
        tpu.vector_store %arg14[%swap3A_589, %swap3A_590], %bitcast3A_585 {strides = array<i32>} : memref<256x64xf32, #tpu.memory_space<vmem>>, vector<16xf32>,
        %scan3A_592 = arith.constant 0 : i32
        scf.yield %scan3A_592 : i32
      }
      %scan3A_247 = arith.constant 256 : i32
      %add3A_248 = arith.constant 2 : i32
      %add3A_249 = arith.addi %mul3A_104, %add3A_248 : i32
      %jit3A_250 = arith.constant 4 : i32
      %eq3A_251 = arith.constant 0 : i32
      %eq3A_252 = arith.cmpi eq, %jit3A_250, %eq3A_251 : i32
      %jit3A_253 = arith.constant 1 : i32
      %select_n3A_254 = arith.select %eq3A_252, %jit3A_253, %jit3A_250 : i32
      %rem3A_255 = arith.remsi %add3A_249, %select_n3A_254 : i32
      %ne3A_256 = arith.constant 0 : i32
      %ne3A_257 = arith.cmpi ne, %rem3A_255, %ne3A_256 : i32
      %lt3A_258 = arith.constant 0 : i32
      %lt3A_259 = arith.cmpi slt, %rem3A_255, %lt3A_258 : i32
      %lt3A_260 = arith.constant 0 : i32
      %lt3A_261 = arith.cmpi slt, %select_n3A_254, %lt3A_260 : i32
      %ne3A_262 = arith.xori %lt3A_259, %lt3A_261 : i1
      %and3A_263 = arith.andi %ne3A_262, %ne3A_257 : i1
      %add3A_264 = arith.addi %rem3A_255, %select_n3A_254 : i32
      %select_n3A_265 = arith.select %and3A_263, %add3A_264, %rem3A_255 : i32
      %dma_start3A_266 = arith.constant 0 : i32
      %dma_start3A_267 = tpu.memref_slice %arg8[%select_n3A_265, %dma_start3A_266] : memref<4x256xi32, #tpu.memory_space<vmem>> -> memref<1x256xi32, #tpu.memory_space<vmem>>
      %dma_start3A_268 = tpu.memref_squeeze %dma_start3A_267 : memref<1x256xi32, #tpu.memory_space<vmem>> -> memref<256xi32, #tpu.memory_space<vmem>>
      %dma_start3A_269 = arith.constant 0 : i32
      %dma_start3A_270 = arith.constant 0 : i32
      %dma_start3A_271 = tpu.memref_slice %arg16[%dma_start3A_269, %dma_start3A_270] : memref<10240x64xf32, #tpu.memory_space<vmem_shared>> -> memref<10240x64xf32, #tpu.memory_space<vmem_shared>>
      tpu.enqueue_indirect_dma source(%arg14 : memref<256x64xf32, #tpu.memory_space<vmem>>) target(%dma_start3A_271 : memref<10240x64xf32, #tpu.memory_space<vmem_shared>>) offsets(%dma_start3A_268 : memref<256xi32, #tpu.memory_space<vmem>>) semaphore(%arg21 : memref<!tpu.dma_semaphore, #tpu.memory_space<semaphore_mem>>) {add = true}
      %dma_wait3A_272 = arith.constant 0 : i32
      %dma_wait3A_273 = arith.constant 0 : i32
      %dma_wait3A_274 = tpu.memref_slice %arg2[%dma_wait3A_272, %dma_wait3A_273] : memref<20480x32xi32, #tpu.memory_space<hbm>> -> memref<256x32xi32, #tpu.memory_space<hbm>>
      %dma_wait3A_275 = arith.constant 0 : i32
      %dma_wait3A_276 = arith.constant 0 : i32
      %dma_wait3A_277 = tpu.memref_slice %arg2[%dma_wait3A_275, %dma_wait3A_276] : memref<20480x32xi32, #tpu.memory_space<hbm>> -> memref<256x32xi32, #tpu.memory_space<hbm>>
      tpu.wait_dma2 semaphore(%arg20 : memref<!tpu.dma_semaphore, #tpu.memory_space<semaphore_mem>>) src(%dma_wait3A_277 : memref<256x32xi32, #tpu.memory_space<hbm>>) dst(%arg13 : memref<256x32xi32, #tpu.memory_space<vmem>>)
      %add3A_278 = arith.constant 3 : i32
      %add3A_279 = arith.addi %mul3A_104, %add3A_278 : i32
      %add3A_280 = arith.constant 3 : i32
      %add3A_281 = arith.addi %add3A_279, %add3A_280 : i32
      %lt3A_282 = arith.constant 80 : i32
      %lt3A_283 = arith.cmpi slt, %add3A_281, %lt3A_282 : i32
      %convert_element_type3A_284 = arith.extui %lt3A_283 : i1 to i32
      %cond3A_285 = arith.constant 0 : i32
      %cond3A_286 = arith.cmpi ne, %convert_element_type3A_284, %cond3A_285 : i32
      scf.if %cond3A_286 {
        %add3A_562 = arith.constant 3 : i32
        %add3A_563 = arith.addi %mul3A_104, %add3A_562 : i32
        %add3A_564 = arith.constant 3 : i32
        %add3A_565 = arith.addi %add3A_563, %add3A_564 : i32
        %jit3A_566 = arith.constant 4 : i32
        %eq3A_567 = arith.constant 0 : i32
        %eq3A_568 = arith.cmpi eq, %jit3A_566, %eq3A_567 : i32
        %jit3A_569 = arith.constant 1 : i32
        %select_n3A_570 = arith.select %eq3A_568, %jit3A_569, %jit3A_566 : i32
        %rem3A_571 = arith.remsi %add3A_565, %select_n3A_570 : i32
        %ne3A_572 = arith.constant 0 : i32
        %ne3A_573 = arith.cmpi ne, %rem3A_571, %ne3A_572 : i32
        %lt3A_574 = arith.constant 0 : i32
        %lt3A_575 = arith.cmpi slt, %rem3A_571, %lt3A_574 : i32
        %lt3A_576 = arith.constant 0 : i32
        %lt3A_577 = arith.cmpi slt, %select_n3A_570, %lt3A_576 : i32
        %ne3A_578 = arith.xori %lt3A_575, %lt3A_577 : i1
        %and3A_579 = arith.andi %ne3A_578, %ne3A_573 : i1
        %add3A_580 = arith.addi %rem3A_571, %select_n3A_570 : i32
        %select_n3A_581 = arith.select %and3A_579, %add3A_580, %rem3A_571 : i32
        %dma_start3A_582 = arith.constant 0 : i32
        %dma_start3A_583 = tpu.memref_slice %arg7[%select_n3A_581, %dma_start3A_582] : memref<4x256xi32, #tpu.memory_space<vmem>> -> memref<1x256xi32, #tpu.memory_space<vmem>>
        %dma_start3A_584 = tpu.memref_squeeze %dma_start3A_583 : memref<1x256xi32, #tpu.memory_space<vmem>> -> memref<256xi32, #tpu.memory_space<vmem>>
        %dma_start3A_585 = arith.constant 0 : i32
        %dma_start3A_586 = arith.constant 0 : i32
        %dma_start3A_587 = tpu.memref_slice %arg2[%dma_start3A_585, %dma_start3A_586] : memref<20480x32xi32, #tpu.memory_space<hbm>> -> memref<20480x32xi32, #tpu.memory_space<hbm>>
        tpu.enqueue_indirect_dma source(%dma_start3A_587 : memref<20480x32xi32, #tpu.memory_space<hbm>>) target(%arg12 : memref<256x32xi32, #tpu.memory_space<vmem>>) offsets(%dma_start3A_584 : memref<256xi32, #tpu.memory_space<vmem>>) semaphore(%arg19 : memref<!tpu.dma_semaphore, #tpu.memory_space<semaphore_mem>>)
      } else {
      }
      %add3A_287 = arith.constant 3 : i32
      %add3A_288 = arith.addi %mul3A_104, %add3A_287 : i32
      %ge3A_289 = arith.constant 2 : i32
      %ge3A_290 = arith.cmpi sge, %add3A_288, %ge3A_289 : i32
      %convert_element_type3A_291 = arith.extui %ge3A_290 : i1 to i32
      %cond3A_292 = arith.constant 0 : i32
      %cond3A_293 = arith.cmpi ne, %convert_element_type3A_291, %cond3A_292 : i32
      scf.if %cond3A_293 {
        %dma_wait3A_562 = arith.constant 0 : i32
        %dma_wait3A_563 = arith.constant 0 : i32
        %dma_wait3A_564 = tpu.memref_slice %arg16[%dma_wait3A_562, %dma_wait3A_563] : memref<10240x64xf32, #tpu.memory_space<vmem_shared>> -> memref<256x64xf32, #tpu.memory_space<vmem_shared>>
        %dma_wait3A_565 = arith.constant 0 : i32
        %dma_wait3A_566 = arith.constant 0 : i32
        %dma_wait3A_567 = tpu.memref_slice %arg16[%dma_wait3A_565, %dma_wait3A_566] : memref<10240x64xf32, #tpu.memory_space<vmem_shared>> -> memref<256x64xf32, #tpu.memory_space<vmem_shared>>
        tpu.wait_dma2 semaphore(%arg22 : memref<!tpu.dma_semaphore, #tpu.memory_space<semaphore_mem>>) src(%arg15 : memref<256x64xf32, #tpu.memory_space<vmem>>) dst(%dma_wait3A_567 : memref<256x64xf32, #tpu.memory_space<vmem_shared>>)
      } else {
      }
      %scan3A_294 = arith.constant 0 : i32
      %scan3A_295 = arith.constant 0 : i32
      %scan3A_296 = arith.constant 256 : i32
      %scan3A_297 = arith.addi %scan3A_295, %scan3A_296 : i32
      %scan3A_298 = arith.constant 1 : i32
      %scan3A_299 = scf.for %scan3A_562 = %scan3A_295 to %scan3A_297 step %scan3A_298 iter_args(%scan3A_563 = %scan3A_294) -> (i32)  : i32 {
        %get3A = arith.index_cast %scan3A_562 : i32 to index
        %get3A_564 = arith.constant 0 : index
        %get3A_565 = tpu.vector_load %arg13[%get3A, %get3A_564] {strides = array<i32>} : memref<256x32xi32, #tpu.memory_space<vmem>>, vector<16xi32>,
        %shift_left3A = arith.constant 16 : i32
        %shift_left3A_566 = vector.broadcast %shift_left3A : i32 to vector<16xi32>
        %shift_left3A_567 = arith.shli %get3A_565, %shift_left3A_566 : vector<16xi32>
        %bitcast3A = vector.bitcast %shift_left3A_567 : vector<16xi32> to vector<16xf32>
        %and3A_568 = vector.broadcast %scan3A_57 : i32 to vector<16xi32>
        %and3A_569 = arith.andi %get3A_565, %and3A_568 : vector<16xi32>
        %bitcast3A_570 = vector.bitcast %and3A_569 : vector<16xi32> to vector<16xf32>
        %swap3A = arith.index_cast %scan3A_562 : i32 to index
        %swap3A_571 = arith.constant 0 : index
        %swap3A_572 = tpu.vector_load %arg15[%swap3A, %swap3A_571] {strides = array<i32>} : memref<256x64xf32, #tpu.memory_space<vmem>>, vector<16xf32>,
        tpu.vector_store %arg15[%swap3A, %swap3A_571], %bitcast3A {strides = array<i32>} : memref<256x64xf32, #tpu.memory_space<vmem>>, vector<16xf32>,
        %swap3A_573 = arith.index_cast %scan3A_562 : i32 to index
        %swap3A_574 = arith.constant 16 : index
        %swap3A_575 = tpu.vector_load %arg15[%swap3A_573, %swap3A_574] {strides = array<i32>} : memref<256x64xf32, #tpu.memory_space<vmem>>, vector<16xf32>,
        tpu.vector_store %arg15[%swap3A_573, %swap3A_574], %bitcast3A_570 {strides = array<i32>} : memref<256x64xf32, #tpu.memory_space<vmem>>, vector<16xf32>,
        %get3A_576 = arith.index_cast %scan3A_562 : i32 to index
        %get3A_577 = arith.constant 16 : index
        %get3A_578 = tpu.vector_load %arg13[%get3A_576, %get3A_577] {strides = array<i32>} : memref<256x32xi32, #tpu.memory_space<vmem>>, vector<16xi32>,
        %shift_left3A_579 = arith.constant 16 : i32
        %shift_left3A_580 = vector.broadcast %shift_left3A_579 : i32 to vector<16xi32>
        %shift_left3A_581 = arith.shli %get3A_578, %shift_left3A_580 : vector<16xi32>
        %bitcast3A_582 = vector.bitcast %shift_left3A_581 : vector<16xi32> to vector<16xf32>
        %and3A_583 = vector.broadcast %scan3A_57 : i32 to vector<16xi32>
        %and3A_584 = arith.andi %get3A_578, %and3A_583 : vector<16xi32>
        %bitcast3A_585 = vector.bitcast %and3A_584 : vector<16xi32> to vector<16xf32>
        %swap3A_586 = arith.index_cast %scan3A_562 : i32 to index
        %swap3A_587 = arith.constant 32 : index
        %swap3A_588 = tpu.vector_load %arg15[%swap3A_586, %swap3A_587] {strides = array<i32>} : memref<256x64xf32, #tpu.memory_space<vmem>>, vector<16xf32>,
        tpu.vector_store %arg15[%swap3A_586, %swap3A_587], %bitcast3A_582 {strides = array<i32>} : memref<256x64xf32, #tpu.memory_space<vmem>>, vector<16xf32>,
        %swap3A_589 = arith.index_cast %scan3A_562 : i32 to index
        %swap3A_590 = arith.constant 48 : index
        %swap3A_591 = tpu.vector_load %arg15[%swap3A_589, %swap3A_590] {strides = array<i32>} : memref<256x64xf32, #tpu.memory_space<vmem>>, vector<16xf32>,
        tpu.vector_store %arg15[%swap3A_589, %swap3A_590], %bitcast3A_585 {strides = array<i32>} : memref<256x64xf32, #tpu.memory_space<vmem>>, vector<16xf32>,
        %scan3A_592 = arith.constant 0 : i32
        scf.yield %scan3A_592 : i32
      }
      %scan3A_300 = arith.constant 256 : i32
      %add3A_301 = arith.constant 3 : i32
      %add3A_302 = arith.addi %mul3A_104, %add3A_301 : i32
      %jit3A_303 = arith.constant 4 : i32
      %eq3A_304 = arith.constant 0 : i32
      %eq3A_305 = arith.cmpi eq, %jit3A_303, %eq3A_304 : i32
      %jit3A_306 = arith.constant 1 : i32
      %select_n3A_307 = arith.select %eq3A_305, %jit3A_306, %jit3A_303 : i32
      %rem3A_308 = arith.remsi %add3A_302, %select_n3A_307 : i32
      %ne3A_309 = arith.constant 0 : i32
      %ne3A_310 = arith.cmpi ne, %rem3A_308, %ne3A_309 : i32
      %lt3A_311 = arith.constant 0 : i32
      %lt3A_312 = arith.cmpi slt, %rem3A_308, %lt3A_311 : i32
      %lt3A_313 = arith.constant 0 : i32
      %lt3A_314 = arith.cmpi slt, %select_n3A_307, %lt3A_313 : i32
      %ne3A_315 = arith.xori %lt3A_312, %lt3A_314 : i1
      %and3A_316 = arith.andi %ne3A_315, %ne3A_310 : i1
      %add3A_317 = arith.addi %rem3A_308, %select_n3A_307 : i32
      %select_n3A_318 = arith.select %and3A_316, %add3A_317, %rem3A_308 : i32
      %dma_start3A_319 = arith.constant 0 : i32
      %dma_start3A_320 = tpu.memref_slice %arg8[%select_n3A_318, %dma_start3A_319] : memref<4x256xi32, #tpu.memory_space<vmem>> -> memref<1x256xi32, #tpu.memory_space<vmem>>
      %dma_start3A_321 = tpu.memref_squeeze %dma_start3A_320 : memref<1x256xi32, #tpu.memory_space<vmem>> -> memref<256xi32, #tpu.memory_space<vmem>>
      %dma_start3A_322 = arith.constant 0 : i32
      %dma_start3A_323 = arith.constant 0 : i32
      %dma_start3A_324 = tpu.memref_slice %arg16[%dma_start3A_322, %dma_start3A_323] : memref<10240x64xf32, #tpu.memory_space<vmem_shared>> -> memref<10240x64xf32, #tpu.memory_space<vmem_shared>>
      tpu.enqueue_indirect_dma source(%arg15 : memref<256x64xf32, #tpu.memory_space<vmem>>) target(%dma_start3A_324 : memref<10240x64xf32, #tpu.memory_space<vmem_shared>>) offsets(%dma_start3A_321 : memref<256xi32, #tpu.memory_space<vmem>>) semaphore(%arg22 : memref<!tpu.dma_semaphore, #tpu.memory_space<semaphore_mem>>) {add = true}
      %mul3A_325 = arith.constant 2 : i32
      %mul3A_326 = arith.muli %mul3A_325, %scan3A_97 : i32
      %add3A_327 = arith.constant 1 : i32
      %add3A_328 = arith.addi %mul3A_326, %add3A_327 : i32
      %mul3A_329 = arith.constant 4 : i32
      %mul3A_330 = arith.muli %mul3A_329, %add3A_328 : i32
      %dma_wait3A_331 = arith.constant 0 : i32
      %dma_wait3A_332 = arith.constant 0 : i32
      %dma_wait3A_333 = tpu.memref_slice %arg2[%dma_wait3A_331, %dma_wait3A_332] : memref<20480x32xi32, #tpu.memory_space<hbm>> -> memref<256x32xi32, #tpu.memory_space<hbm>>
      %dma_wait3A_334 = arith.constant 0 : i32
      %dma_wait3A_335 = arith.constant 0 : i32
      %dma_wait3A_336 = tpu.memref_slice %arg2[%dma_wait3A_334, %dma_wait3A_335] : memref<20480x32xi32, #tpu.memory_space<hbm>> -> memref<256x32xi32, #tpu.memory_space<hbm>>
      tpu.wait_dma2 semaphore(%arg17 : memref<!tpu.dma_semaphore, #tpu.memory_space<semaphore_mem>>) src(%dma_wait3A_336 : memref<256x32xi32, #tpu.memory_space<hbm>>) dst(%arg10 : memref<256x32xi32, #tpu.memory_space<vmem>>)
      %add3A_337 = arith.constant 3 : i32
      %add3A_338 = arith.addi %mul3A_330, %add3A_337 : i32
      %jit3A_339 = arith.constant 4 : i32
      %eq3A_340 = arith.constant 0 : i32
      %eq3A_341 = arith.cmpi eq, %jit3A_339, %eq3A_340 : i32
      %jit3A_342 = arith.constant 1 : i32
      %select_n3A_343 = arith.select %eq3A_341, %jit3A_342, %jit3A_339 : i32
      %rem3A_344 = arith.remsi %add3A_338, %select_n3A_343 : i32
      %ne3A_345 = arith.constant 0 : i32
      %ne3A_346 = arith.cmpi ne, %rem3A_344, %ne3A_345 : i32
      %lt3A_347 = arith.constant 0 : i32
      %lt3A_348 = arith.cmpi slt, %rem3A_344, %lt3A_347 : i32
      %lt3A_349 = arith.constant 0 : i32
      %lt3A_350 = arith.cmpi slt, %select_n3A_343, %lt3A_349 : i32
      %ne3A_351 = arith.xori %lt3A_348, %lt3A_350 : i1
      %and3A_352 = arith.andi %ne3A_351, %ne3A_346 : i1
      %add3A_353 = arith.addi %rem3A_344, %select_n3A_343 : i32
      %select_n3A_354 = arith.select %and3A_352, %add3A_353, %rem3A_344 : i32
      %dma_start3A_355 = arith.constant 0 : i32
      %dma_start3A_356 = tpu.memref_slice %arg7[%select_n3A_354, %dma_start3A_355] : memref<4x256xi32, #tpu.memory_space<vmem>> -> memref<1x256xi32, #tpu.memory_space<vmem>>
      %dma_start3A_357 = tpu.memref_squeeze %dma_start3A_356 : memref<1x256xi32, #tpu.memory_space<vmem>> -> memref<256xi32, #tpu.memory_space<vmem>>
      %dma_start3A_358 = arith.constant 0 : i32
      %dma_start3A_359 = arith.constant 0 : i32
      %dma_start3A_360 = tpu.memref_slice %arg2[%dma_start3A_358, %dma_start3A_359] : memref<20480x32xi32, #tpu.memory_space<hbm>> -> memref<20480x32xi32, #tpu.memory_space<hbm>>
      tpu.enqueue_indirect_dma source(%dma_start3A_360 : memref<20480x32xi32, #tpu.memory_space<hbm>>) target(%arg13 : memref<256x32xi32, #tpu.memory_space<vmem>>) offsets(%dma_start3A_357 : memref<256xi32, #tpu.memory_space<vmem>>) semaphore(%arg20 : memref<!tpu.dma_semaphore, #tpu.memory_space<semaphore_mem>>)
      %ge3A_361 = arith.constant 2 : i32
      %ge3A_362 = arith.cmpi sge, %mul3A_330, %ge3A_361 : i32
      %convert_element_type3A_363 = arith.extui %ge3A_362 : i1 to i32
      %cond3A_364 = arith.constant 0 : i32
      %cond3A_365 = arith.cmpi ne, %convert_element_type3A_363, %cond3A_364 : i32
      scf.if %cond3A_365 {
        %dma_wait3A_562 = arith.constant 0 : i32
        %dma_wait3A_563 = arith.constant 0 : i32
        %dma_wait3A_564 = tpu.memref_slice %arg16[%dma_wait3A_562, %dma_wait3A_563] : memref<10240x64xf32, #tpu.memory_space<vmem_shared>> -> memref<256x64xf32, #tpu.memory_space<vmem_shared>>
        %dma_wait3A_565 = arith.constant 0 : i32
        %dma_wait3A_566 = arith.constant 0 : i32
        %dma_wait3A_567 = tpu.memref_slice %arg16[%dma_wait3A_565, %dma_wait3A_566] : memref<10240x64xf32, #tpu.memory_space<vmem_shared>> -> memref<256x64xf32, #tpu.memory_space<vmem_shared>>
        tpu.wait_dma2 semaphore(%arg21 : memref<!tpu.dma_semaphore, #tpu.memory_space<semaphore_mem>>) src(%arg14 : memref<256x64xf32, #tpu.memory_space<vmem>>) dst(%dma_wait3A_567 : memref<256x64xf32, #tpu.memory_space<vmem_shared>>)
      } else {
      }
      %scan3A_366 = arith.constant 0 : i32
      %scan3A_367 = arith.constant 0 : i32
      %scan3A_368 = arith.constant 256 : i32
      %scan3A_369 = arith.addi %scan3A_367, %scan3A_368 : i32
      %scan3A_370 = arith.constant 1 : i32
      %scan3A_371 = scf.for %scan3A_562 = %scan3A_367 to %scan3A_369 step %scan3A_370 iter_args(%scan3A_563 = %scan3A_366) -> (i32)  : i32 {
        %get3A = arith.index_cast %scan3A_562 : i32 to index
        %get3A_564 = arith.constant 0 : index
        %get3A_565 = tpu.vector_load %arg10[%get3A, %get3A_564] {strides = array<i32>} : memref<256x32xi32, #tpu.memory_space<vmem>>, vector<16xi32>,
        %shift_left3A = arith.constant 16 : i32
        %shift_left3A_566 = vector.broadcast %shift_left3A : i32 to vector<16xi32>
        %shift_left3A_567 = arith.shli %get3A_565, %shift_left3A_566 : vector<16xi32>
        %bitcast3A = vector.bitcast %shift_left3A_567 : vector<16xi32> to vector<16xf32>
        %and3A_568 = vector.broadcast %scan3A_57 : i32 to vector<16xi32>
        %and3A_569 = arith.andi %get3A_565, %and3A_568 : vector<16xi32>
        %bitcast3A_570 = vector.bitcast %and3A_569 : vector<16xi32> to vector<16xf32>
        %swap3A = arith.index_cast %scan3A_562 : i32 to index
        %swap3A_571 = arith.constant 0 : index
        %swap3A_572 = tpu.vector_load %arg14[%swap3A, %swap3A_571] {strides = array<i32>} : memref<256x64xf32, #tpu.memory_space<vmem>>, vector<16xf32>,
        tpu.vector_store %arg14[%swap3A, %swap3A_571], %bitcast3A {strides = array<i32>} : memref<256x64xf32, #tpu.memory_space<vmem>>, vector<16xf32>,
        %swap3A_573 = arith.index_cast %scan3A_562 : i32 to index
        %swap3A_574 = arith.constant 16 : index
        %swap3A_575 = tpu.vector_load %arg14[%swap3A_573, %swap3A_574] {strides = array<i32>} : memref<256x64xf32, #tpu.memory_space<vmem>>, vector<16xf32>,
        tpu.vector_store %arg14[%swap3A_573, %swap3A_574], %bitcast3A_570 {strides = array<i32>} : memref<256x64xf32, #tpu.memory_space<vmem>>, vector<16xf32>,
        %get3A_576 = arith.index_cast %scan3A_562 : i32 to index
        %get3A_577 = arith.constant 16 : index
        %get3A_578 = tpu.vector_load %arg10[%get3A_576, %get3A_577] {strides = array<i32>} : memref<256x32xi32, #tpu.memory_space<vmem>>, vector<16xi32>,
        %shift_left3A_579 = arith.constant 16 : i32
        %shift_left3A_580 = vector.broadcast %shift_left3A_579 : i32 to vector<16xi32>
        %shift_left3A_581 = arith.shli %get3A_578, %shift_left3A_580 : vector<16xi32>
        %bitcast3A_582 = vector.bitcast %shift_left3A_581 : vector<16xi32> to vector<16xf32>
        %and3A_583 = vector.broadcast %scan3A_57 : i32 to vector<16xi32>
        %and3A_584 = arith.andi %get3A_578, %and3A_583 : vector<16xi32>
        %bitcast3A_585 = vector.bitcast %and3A_584 : vector<16xi32> to vector<16xf32>
        %swap3A_586 = arith.index_cast %scan3A_562 : i32 to index
        %swap3A_587 = arith.constant 32 : index
        %swap3A_588 = tpu.vector_load %arg14[%swap3A_586, %swap3A_587] {strides = array<i32>} : memref<256x64xf32, #tpu.memory_space<vmem>>, vector<16xf32>,
        tpu.vector_store %arg14[%swap3A_586, %swap3A_587], %bitcast3A_582 {strides = array<i32>} : memref<256x64xf32, #tpu.memory_space<vmem>>, vector<16xf32>,
        %swap3A_589 = arith.index_cast %scan3A_562 : i32 to index
        %swap3A_590 = arith.constant 48 : index
        %swap3A_591 = tpu.vector_load %arg14[%swap3A_589, %swap3A_590] {strides = array<i32>} : memref<256x64xf32, #tpu.memory_space<vmem>>, vector<16xf32>,
        tpu.vector_store %arg14[%swap3A_589, %swap3A_590], %bitcast3A_585 {strides = array<i32>} : memref<256x64xf32, #tpu.memory_space<vmem>>, vector<16xf32>,
        %scan3A_592 = arith.constant 0 : i32
        scf.yield %scan3A_592 : i32
      }
      %scan3A_372 = arith.constant 256 : i32
      %jit3A_373 = arith.constant 4 : i32
      %eq3A_374 = arith.constant 0 : i32
      %eq3A_375 = arith.cmpi eq, %jit3A_373, %eq3A_374 : i32
      %jit3A_376 = arith.constant 1 : i32
      %select_n3A_377 = arith.select %eq3A_375, %jit3A_376, %jit3A_373 : i32
      %rem3A_378 = arith.remsi %mul3A_330, %select_n3A_377 : i32
      %ne3A_379 = arith.constant 0 : i32
      %ne3A_380 = arith.cmpi ne, %rem3A_378, %ne3A_379 : i32
      %lt3A_381 = arith.constant 0 : i32
      %lt3A_382 = arith.cmpi slt, %rem3A_378, %lt3A_381 : i32
      %lt3A_383 = arith.constant 0 : i32
      %lt3A_384 = arith.cmpi slt, %select_n3A_377, %lt3A_383 : i32
      %ne3A_385 = arith.xori %lt3A_382, %lt3A_384 : i1
      %and3A_386 = arith.andi %ne3A_385, %ne3A_380 : i1
      %add3A_387 = arith.addi %rem3A_378, %select_n3A_377 : i32
      %select_n3A_388 = arith.select %and3A_386, %add3A_387, %rem3A_378 : i32
      %dma_start3A_389 = arith.constant 0 : i32
      %dma_start3A_390 = tpu.memref_slice %arg9[%select_n3A_388, %dma_start3A_389] : memref<4x256xi32, #tpu.memory_space<vmem>> -> memref<1x256xi32, #tpu.memory_space<vmem>>
      %dma_start3A_391 = tpu.memref_squeeze %dma_start3A_390 : memref<1x256xi32, #tpu.memory_space<vmem>> -> memref<256xi32, #tpu.memory_space<vmem>>
      %dma_start3A_392 = arith.constant 0 : i32
      %dma_start3A_393 = arith.constant 0 : i32
      %dma_start3A_394 = tpu.memref_slice %arg16[%dma_start3A_392, %dma_start3A_393] : memref<10240x64xf32, #tpu.memory_space<vmem_shared>> -> memref<10240x64xf32, #tpu.memory_space<vmem_shared>>
      tpu.enqueue_indirect_dma source(%arg14 : memref<256x64xf32, #tpu.memory_space<vmem>>) target(%dma_start3A_394 : memref<10240x64xf32, #tpu.memory_space<vmem_shared>>) offsets(%dma_start3A_391 : memref<256xi32, #tpu.memory_space<vmem>>) semaphore(%arg21 : memref<!tpu.dma_semaphore, #tpu.memory_space<semaphore_mem>>) {add = true}
      %add3A_395 = arith.constant 1 : i32
      %add3A_396 = arith.addi %add3A_328, %add3A_395 : i32
      %lt3A_397 = arith.constant 20 : i32
      %lt3A_398 = arith.cmpi slt, %add3A_396, %lt3A_397 : i32
      %convert_element_type3A_399 = arith.extui %lt3A_398 : i1 to i32
      %cond3A_400 = arith.constant 0 : i32
      %cond3A_401 = arith.cmpi ne, %convert_element_type3A_399, %cond3A_400 : i32
      scf.if %cond3A_401 {
        %add3A_562 = arith.constant 1 : i32
        %add3A_563 = arith.addi %add3A_328, %add3A_562 : i32
        %mul3A_564 = arith.constant 80 : i32
        %mul3A_565 = arith.muli %arg1, %mul3A_564 : i32
        %mul3A_566 = arith.constant 4 : i32
        %mul3A_567 = arith.muli %add3A_563, %mul3A_566 : i32
        %add3A_568 = arith.addi %mul3A_565, %mul3A_567 : i32
        "tpu.region"() ({
          %run_scoped3A = tpu.sem_alloc : memref<!tpu.dma_semaphore, #tpu.memory_space<semaphore_mem>>
          %dma_start3A_576 = arith.constant 0 : i32
          %dma_start3A_577 = tpu.memref_slice %arg3[%add3A_568, %dma_start3A_576] : memref<1280x256xi32, #tpu.memory_space<hbm>> -> memref<4x256xi32, #tpu.memory_space<hbm>>
          %dma_start3A_578 = arith.constant 0 : i32
          %dma_start3A_579 = tpu.memref_slice %arg3[%add3A_568, %dma_start3A_578] : memref<1280x256xi32, #tpu.memory_space<hbm>> -> memref<4x256xi32, #tpu.memory_space<hbm>>
          tpu.enqueue_dma source(%dma_start3A_579 : memref<4x256xi32, #tpu.memory_space<hbm>>) target(%arg6 : memref<4x256xi32, #tpu.memory_space<vmem>>) target_semaphore(%run_scoped3A : memref<!tpu.dma_semaphore, #tpu.memory_space<semaphore_mem>>)
          %dma_wait3A_580 = arith.constant 0 : i32
          %dma_wait3A_581 = tpu.memref_slice %arg3[%add3A_568, %dma_wait3A_580] : memref<1280x256xi32, #tpu.memory_space<hbm>> -> memref<4x256xi32, #tpu.memory_space<hbm>>
          %dma_wait3A_582 = arith.constant 0 : i32
          %dma_wait3A_583 = tpu.memref_slice %arg3[%add3A_568, %dma_wait3A_582] : memref<1280x256xi32, #tpu.memory_space<hbm>> -> memref<4x256xi32, #tpu.memory_space<hbm>>
          tpu.wait_dma2 semaphore(%run_scoped3A : memref<!tpu.dma_semaphore, #tpu.memory_space<semaphore_mem>>) src(%dma_wait3A_583 : memref<4x256xi32, #tpu.memory_space<hbm>>) dst(%arg6 : memref<4x256xi32, #tpu.memory_space<vmem>>)
          tpu.yield
        }) : () -> ()
        "tpu.region"() ({
          %run_scoped3A = tpu.sem_alloc : memref<!tpu.dma_semaphore, #tpu.memory_space<semaphore_mem>>
          %dma_start3A_576 = arith.constant 0 : i32
          %dma_start3A_577 = tpu.memref_slice %arg4[%add3A_568, %dma_start3A_576] : memref<1280x256xi32, #tpu.memory_space<hbm>> -> memref<4x256xi32, #tpu.memory_space<hbm>>
          %dma_start3A_578 = arith.constant 0 : i32
          %dma_start3A_579 = tpu.memref_slice %arg4[%add3A_568, %dma_start3A_578] : memref<1280x256xi32, #tpu.memory_space<hbm>> -> memref<4x256xi32, #tpu.memory_space<hbm>>
          tpu.enqueue_dma source(%dma_start3A_579 : memref<4x256xi32, #tpu.memory_space<hbm>>) target(%arg8 : memref<4x256xi32, #tpu.memory_space<vmem>>) target_semaphore(%run_scoped3A : memref<!tpu.dma_semaphore, #tpu.memory_space<semaphore_mem>>)
          %dma_wait3A_580 = arith.constant 0 : i32
          %dma_wait3A_581 = tpu.memref_slice %arg4[%add3A_568, %dma_wait3A_580] : memref<1280x256xi32, #tpu.memory_space<hbm>> -> memref<4x256xi32, #tpu.memory_space<hbm>>
          %dma_wait3A_582 = arith.constant 0 : i32
          %dma_wait3A_583 = tpu.memref_slice %arg4[%add3A_568, %dma_wait3A_582] : memref<1280x256xi32, #tpu.memory_space<hbm>> -> memref<4x256xi32, #tpu.memory_space<hbm>>
          tpu.wait_dma2 semaphore(%run_scoped3A : memref<!tpu.dma_semaphore, #tpu.memory_space<semaphore_mem>>) src(%dma_wait3A_583 : memref<4x256xi32, #tpu.memory_space<hbm>>) dst(%arg8 : memref<4x256xi32, #tpu.memory_space<vmem>>)
          tpu.yield
        }) : () -> ()
        %scan3A_569 = arith.constant 0 : i32
        %scan3A_570 = arith.constant 0 : i32
        %scan3A_571 = arith.constant 4 : i32
        %scan3A_572 = arith.addi %scan3A_570, %scan3A_571 : i32
        %scan3A_573 = arith.constant 1 : i32
        %scan3A_574 = scf.for %scan3A_576 = %scan3A_570 to %scan3A_572 step %scan3A_573 iter_args(%scan3A_577 = %scan3A_569) -> (i32)  : i32 {
          %get3A = arith.index_cast %scan3A_576 : i32 to index
          %get3A_578 = arith.constant 0 : index
          %get3A_579 = tpu.vector_load %arg6[%get3A, %get3A_578] {strides = array<i32>} : memref<4x256xi32, #tpu.memory_space<vmem>>, vector<16xi32>,
          %add3A_580 = vector.broadcast %mul3A_0 : i32 to vector<16xi32>
          %add3A_581 = arith.addi %get3A_579, %add3A_580 : vector<16xi32>
          %swap3A = arith.index_cast %scan3A_576 : i32 to index
          %swap3A_582 = arith.constant 0 : index
          %swap3A_583 = tpu.vector_load %arg6[%swap3A, %swap3A_582] {strides = array<i32>} : memref<4x256xi32, #tpu.memory_space<vmem>>, vector<16xi32>,
          tpu.vector_store %arg6[%swap3A, %swap3A_582], %add3A_581 {strides = array<i32>} : memref<4x256xi32, #tpu.memory_space<vmem>>, vector<16xi32>,
          %get3A_584 = arith.index_cast %scan3A_576 : i32 to index
          %get3A_585 = arith.constant 16 : index
          %get3A_586 = tpu.vector_load %arg6[%get3A_584, %get3A_585] {strides = array<i32>} : memref<4x256xi32, #tpu.memory_space<vmem>>, vector<16xi32>,
          %add3A_587 = vector.broadcast %mul3A_0 : i32 to vector<16xi32>
          %add3A_588 = arith.addi %get3A_586, %add3A_587 : vector<16xi32>
          %swap3A_589 = arith.index_cast %scan3A_576 : i32 to index
          %swap3A_590 = arith.constant 16 : index
          %swap3A_591 = tpu.vector_load %arg6[%swap3A_589, %swap3A_590] {strides = array<i32>} : memref<4x256xi32, #tpu.memory_space<vmem>>, vector<16xi32>,
          tpu.vector_store %arg6[%swap3A_589, %swap3A_590], %add3A_588 {strides = array<i32>} : memref<4x256xi32, #tpu.memory_space<vmem>>, vector<16xi32>,
          %get3A_592 = arith.index_cast %scan3A_576 : i32 to index
          %get3A_593 = arith.constant 32 : index
          %get3A_594 = tpu.vector_load %arg6[%get3A_592, %get3A_593] {strides = array<i32>} : memref<4x256xi32, #tpu.memory_space<vmem>>, vector<16xi32>,
          %add3A_595 = vector.broadcast %mul3A_0 : i32 to vector<16xi32>
          %add3A_596 = arith.addi %get3A_594, %add3A_595 : vector<16xi32>
          %swap3A_597 = arith.index_cast %scan3A_576 : i32 to index
          %swap3A_598 = arith.constant 32 : index
          %swap3A_599 = tpu.vector_load %arg6[%swap3A_597, %swap3A_598] {strides = array<i32>} : memref<4x256xi32, #tpu.memory_space<vmem>>, vector<16xi32>,
          tpu.vector_store %arg6[%swap3A_597, %swap3A_598], %add3A_596 {strides = array<i32>} : memref<4x256xi32, #tpu.memory_space<vmem>>, vector<16xi32>,
          %get3A_600 = arith.index_cast %scan3A_576 : i32 to index
          %get3A_601 = arith.constant 48 : index
          %get3A_602 = tpu.vector_load %arg6[%get3A_600, %get3A_601] {strides = array<i32>} : memref<4x256xi32, #tpu.memory_space<vmem>>, vector<16xi32>,
          %add3A_603 = vector.broadcast %mul3A_0 : i32 to vector<16xi32>
          %add3A_604 = arith.addi %get3A_602, %add3A_603 : vector<16xi32>
          %swap3A_605 = arith.index_cast %scan3A_576 : i32 to index
          %swap3A_606 = arith.constant 48 : index
          %swap3A_607 = tpu.vector_load %arg6[%swap3A_605, %swap3A_606] {strides = array<i32>} : memref<4x256xi32, #tpu.memory_space<vmem>>, vector<16xi32>,
          tpu.vector_store %arg6[%swap3A_605, %swap3A_606], %add3A_604 {strides = array<i32>} : memref<4x256xi32, #tpu.memory_space<vmem>>, vector<16xi32>,
          %get3A_608 = arith.index_cast %scan3A_576 : i32 to index
          %get3A_609 = arith.constant 64 : index
          %get3A_610 = tpu.vector_load %arg6[%get3A_608, %get3A_609] {strides = array<i32>} : memref<4x256xi32, #tpu.memory_space<vmem>>, vector<16xi32>,
          %add3A_611 = vector.broadcast %mul3A_0 : i32 to vector<16xi32>
          %add3A_612 = arith.addi %get3A_610, %add3A_611 : vector<16xi32>
          %swap3A_613 = arith.index_cast %scan3A_576 : i32 to index
          %swap3A_614 = arith.constant 64 : index
          %swap3A_615 = tpu.vector_load %arg6[%swap3A_613, %swap3A_614] {strides = array<i32>} : memref<4x256xi32, #tpu.memory_space<vmem>>, vector<16xi32>,
          tpu.vector_store %arg6[%swap3A_613, %swap3A_614], %add3A_612 {strides = array<i32>} : memref<4x256xi32, #tpu.memory_space<vmem>>, vector<16xi32>,
          %get3A_616 = arith.index_cast %scan3A_576 : i32 to index
          %get3A_617 = arith.constant 80 : index
          %get3A_618 = tpu.vector_load %arg6[%get3A_616, %get3A_617] {strides = array<i32>} : memref<4x256xi32, #tpu.memory_space<vmem>>, vector<16xi32>,
          %add3A_619 = vector.broadcast %mul3A_0 : i32 to vector<16xi32>
          %add3A_620 = arith.addi %get3A_618, %add3A_619 : vector<16xi32>
          %swap3A_621 = arith.index_cast %scan3A_576 : i32 to index
          %swap3A_622 = arith.constant 80 : index
          %swap3A_623 = tpu.vector_load %arg6[%swap3A_621, %swap3A_622] {strides = array<i32>} : memref<4x256xi32, #tpu.memory_space<vmem>>, vector<16xi32>,
          tpu.vector_store %arg6[%swap3A_621, %swap3A_622], %add3A_620 {strides = array<i32>} : memref<4x256xi32, #tpu.memory_space<vmem>>, vector<16xi32>,
          %get3A_624 = arith.index_cast %scan3A_576 : i32 to index
          %get3A_625 = arith.constant 96 : index
          %get3A_626 = tpu.vector_load %arg6[%get3A_624, %get3A_625] {strides = array<i32>} : memref<4x256xi32, #tpu.memory_space<vmem>>, vector<16xi32>,
          %add3A_627 = vector.broadcast %mul3A_0 : i32 to vector<16xi32>
          %add3A_628 = arith.addi %get3A_626, %add3A_627 : vector<16xi32>
          %swap3A_629 = arith.index_cast %scan3A_576 : i32 to index
          %swap3A_630 = arith.constant 96 : index
          %swap3A_631 = tpu.vector_load %arg6[%swap3A_629, %swap3A_630] {strides = array<i32>} : memref<4x256xi32, #tpu.memory_space<vmem>>, vector<16xi32>,
          tpu.vector_store %arg6[%swap3A_629, %swap3A_630], %add3A_628 {strides = array<i32>} : memref<4x256xi32, #tpu.memory_space<vmem>>, vector<16xi32>,
          %get3A_632 = arith.index_cast %scan3A_576 : i32 to index
          %get3A_633 = arith.constant 112 : index
          %get3A_634 = tpu.vector_load %arg6[%get3A_632, %get3A_633] {strides = array<i32>} : memref<4x256xi32, #tpu.memory_space<vmem>>, vector<16xi32>,
          %add3A_635 = vector.broadcast %mul3A_0 : i32 to vector<16xi32>
          %add3A_636 = arith.addi %get3A_634, %add3A_635 : vector<16xi32>
          %swap3A_637 = arith.index_cast %scan3A_576 : i32 to index
          %swap3A_638 = arith.constant 112 : index
          %swap3A_639 = tpu.vector_load %arg6[%swap3A_637, %swap3A_638] {strides = array<i32>} : memref<4x256xi32, #tpu.memory_space<vmem>>, vector<16xi32>,
          tpu.vector_store %arg6[%swap3A_637, %swap3A_638], %add3A_636 {strides = array<i32>} : memref<4x256xi32, #tpu.memory_space<vmem>>, vector<16xi32>,
          %get3A_640 = arith.index_cast %scan3A_576 : i32 to index
          %get3A_641 = arith.constant 128 : index
          %get3A_642 = tpu.vector_load %arg6[%get3A_640, %get3A_641] {strides = array<i32>} : memref<4x256xi32, #tpu.memory_space<vmem>>, vector<16xi32>,
          %add3A_643 = vector.broadcast %mul3A_0 : i32 to vector<16xi32>
          %add3A_644 = arith.addi %get3A_642, %add3A_643 : vector<16xi32>
          %swap3A_645 = arith.index_cast %scan3A_576 : i32 to index
          %swap3A_646 = arith.constant 128 : index
          %swap3A_647 = tpu.vector_load %arg6[%swap3A_645, %swap3A_646] {strides = array<i32>} : memref<4x256xi32, #tpu.memory_space<vmem>>, vector<16xi32>,
          tpu.vector_store %arg6[%swap3A_645, %swap3A_646], %add3A_644 {strides = array<i32>} : memref<4x256xi32, #tpu.memory_space<vmem>>, vector<16xi32>,
          %get3A_648 = arith.index_cast %scan3A_576 : i32 to index
          %get3A_649 = arith.constant 144 : index
          %get3A_650 = tpu.vector_load %arg6[%get3A_648, %get3A_649] {strides = array<i32>} : memref<4x256xi32, #tpu.memory_space<vmem>>, vector<16xi32>,
          %add3A_651 = vector.broadcast %mul3A_0 : i32 to vector<16xi32>
          %add3A_652 = arith.addi %get3A_650, %add3A_651 : vector<16xi32>
          %swap3A_653 = arith.index_cast %scan3A_576 : i32 to index
          %swap3A_654 = arith.constant 144 : index
          %swap3A_655 = tpu.vector_load %arg6[%swap3A_653, %swap3A_654] {strides = array<i32>} : memref<4x256xi32, #tpu.memory_space<vmem>>, vector<16xi32>,
          tpu.vector_store %arg6[%swap3A_653, %swap3A_654], %add3A_652 {strides = array<i32>} : memref<4x256xi32, #tpu.memory_space<vmem>>, vector<16xi32>,
          %get3A_656 = arith.index_cast %scan3A_576 : i32 to index
          %get3A_657 = arith.constant 160 : index
          %get3A_658 = tpu.vector_load %arg6[%get3A_656, %get3A_657] {strides = array<i32>} : memref<4x256xi32, #tpu.memory_space<vmem>>, vector<16xi32>,
          %add3A_659 = vector.broadcast %mul3A_0 : i32 to vector<16xi32>
          %add3A_660 = arith.addi %get3A_658, %add3A_659 : vector<16xi32>
          %swap3A_661 = arith.index_cast %scan3A_576 : i32 to index
          %swap3A_662 = arith.constant 160 : index
          %swap3A_663 = tpu.vector_load %arg6[%swap3A_661, %swap3A_662] {strides = array<i32>} : memref<4x256xi32, #tpu.memory_space<vmem>>, vector<16xi32>,
          tpu.vector_store %arg6[%swap3A_661, %swap3A_662], %add3A_660 {strides = array<i32>} : memref<4x256xi32, #tpu.memory_space<vmem>>, vector<16xi32>,
          %get3A_664 = arith.index_cast %scan3A_576 : i32 to index
          %get3A_665 = arith.constant 176 : index
          %get3A_666 = tpu.vector_load %arg6[%get3A_664, %get3A_665] {strides = array<i32>} : memref<4x256xi32, #tpu.memory_space<vmem>>, vector<16xi32>,
          %add3A_667 = vector.broadcast %mul3A_0 : i32 to vector<16xi32>
          %add3A_668 = arith.addi %get3A_666, %add3A_667 : vector<16xi32>
          %swap3A_669 = arith.index_cast %scan3A_576 : i32 to index
          %swap3A_670 = arith.constant 176 : index
          %swap3A_671 = tpu.vector_load %arg6[%swap3A_669, %swap3A_670] {strides = array<i32>} : memref<4x256xi32, #tpu.memory_space<vmem>>, vector<16xi32>,
          tpu.vector_store %arg6[%swap3A_669, %swap3A_670], %add3A_668 {strides = array<i32>} : memref<4x256xi32, #tpu.memory_space<vmem>>, vector<16xi32>,
          %get3A_672 = arith.index_cast %scan3A_576 : i32 to index
          %get3A_673 = arith.constant 192 : index
          %get3A_674 = tpu.vector_load %arg6[%get3A_672, %get3A_673] {strides = array<i32>} : memref<4x256xi32, #tpu.memory_space<vmem>>, vector<16xi32>,
          %add3A_675 = vector.broadcast %mul3A_0 : i32 to vector<16xi32>
          %add3A_676 = arith.addi %get3A_674, %add3A_675 : vector<16xi32>
          %swap3A_677 = arith.index_cast %scan3A_576 : i32 to index
          %swap3A_678 = arith.constant 192 : index
          %swap3A_679 = tpu.vector_load %arg6[%swap3A_677, %swap3A_678] {strides = array<i32>} : memref<4x256xi32, #tpu.memory_space<vmem>>, vector<16xi32>,
          tpu.vector_store %arg6[%swap3A_677, %swap3A_678], %add3A_676 {strides = array<i32>} : memref<4x256xi32, #tpu.memory_space<vmem>>, vector<16xi32>,
          %get3A_680 = arith.index_cast %scan3A_576 : i32 to index
          %get3A_681 = arith.constant 208 : index
          %get3A_682 = tpu.vector_load %arg6[%get3A_680, %get3A_681] {strides = array<i32>} : memref<4x256xi32, #tpu.memory_space<vmem>>, vector<16xi32>,
          %add3A_683 = vector.broadcast %mul3A_0 : i32 to vector<16xi32>
          %add3A_684 = arith.addi %get3A_682, %add3A_683 : vector<16xi32>
          %swap3A_685 = arith.index_cast %scan3A_576 : i32 to index
          %swap3A_686 = arith.constant 208 : index
          %swap3A_687 = tpu.vector_load %arg6[%swap3A_685, %swap3A_686] {strides = array<i32>} : memref<4x256xi32, #tpu.memory_space<vmem>>, vector<16xi32>,
          tpu.vector_store %arg6[%swap3A_685, %swap3A_686], %add3A_684 {strides = array<i32>} : memref<4x256xi32, #tpu.memory_space<vmem>>, vector<16xi32>,
          %get3A_688 = arith.index_cast %scan3A_576 : i32 to index
          %get3A_689 = arith.constant 224 : index
          %get3A_690 = tpu.vector_load %arg6[%get3A_688, %get3A_689] {strides = array<i32>} : memref<4x256xi32, #tpu.memory_space<vmem>>, vector<16xi32>,
          %add3A_691 = vector.broadcast %mul3A_0 : i32 to vector<16xi32>
          %add3A_692 = arith.addi %get3A_690, %add3A_691 : vector<16xi32>
          %swap3A_693 = arith.index_cast %scan3A_576 : i32 to index
          %swap3A_694 = arith.constant 224 : index
          %swap3A_695 = tpu.vector_load %arg6[%swap3A_693, %swap3A_694] {strides = array<i32>} : memref<4x256xi32, #tpu.memory_space<vmem>>, vector<16xi32>,
          tpu.vector_store %arg6[%swap3A_693, %swap3A_694], %add3A_692 {strides = array<i32>} : memref<4x256xi32, #tpu.memory_space<vmem>>, vector<16xi32>,
          %get3A_696 = arith.index_cast %scan3A_576 : i32 to index
          %get3A_697 = arith.constant 240 : index
          %get3A_698 = tpu.vector_load %arg6[%get3A_696, %get3A_697] {strides = array<i32>} : memref<4x256xi32, #tpu.memory_space<vmem>>, vector<16xi32>,
          %add3A_699 = vector.broadcast %mul3A_0 : i32 to vector<16xi32>
          %add3A_700 = arith.addi %get3A_698, %add3A_699 : vector<16xi32>
          %swap3A_701 = arith.index_cast %scan3A_576 : i32 to index
          %swap3A_702 = arith.constant 240 : index
          %swap3A_703 = tpu.vector_load %arg6[%swap3A_701, %swap3A_702] {strides = array<i32>} : memref<4x256xi32, #tpu.memory_space<vmem>>, vector<16xi32>,
          tpu.vector_store %arg6[%swap3A_701, %swap3A_702], %add3A_700 {strides = array<i32>} : memref<4x256xi32, #tpu.memory_space<vmem>>, vector<16xi32>,
          %scan3A_704 = arith.constant 0 : i32
          scf.yield %scan3A_704 : i32
        }
        %scan3A_575 = arith.constant 4 : i32
      } else {
      }
      %dma_wait3A_402 = arith.constant 0 : i32
      %dma_wait3A_403 = arith.constant 0 : i32
      %dma_wait3A_404 = tpu.memref_slice %arg2[%dma_wait3A_402, %dma_wait3A_403] : memref<20480x32xi32, #tpu.memory_space<hbm>> -> memref<256x32xi32, #tpu.memory_space<hbm>>
      %dma_wait3A_405 = arith.constant 0 : i32
      %dma_wait3A_406 = arith.constant 0 : i32
      %dma_wait3A_407 = tpu.memref_slice %arg2[%dma_wait3A_405, %dma_wait3A_406] : memref<20480x32xi32, #tpu.memory_space<hbm>> -> memref<256x32xi32, #tpu.memory_space<hbm>>
      tpu.wait_dma2 semaphore(%arg18 : memref<!tpu.dma_semaphore, #tpu.memory_space<semaphore_mem>>) src(%dma_wait3A_407 : memref<256x32xi32, #tpu.memory_space<hbm>>) dst(%arg11 : memref<256x32xi32, #tpu.memory_space<vmem>>)
      %add3A_408 = arith.constant 3 : i32
      %add3A_409 = arith.addi %mul3A_330, %add3A_408 : i32
      %add3A_410 = arith.constant 1 : i32
      %add3A_411 = arith.addi %add3A_409, %add3A_410 : i32
      %lt3A_412 = arith.constant 80 : i32
      %lt3A_413 = arith.cmpi slt, %add3A_411, %lt3A_412 : i32
      %convert_element_type3A_414 = arith.extui %lt3A_413 : i1 to i32
      %cond3A_415 = arith.constant 0 : i32
      %cond3A_416 = arith.cmpi ne, %convert_element_type3A_414, %cond3A_415 : i32
      scf.if %cond3A_416 {
        %add3A_562 = arith.constant 3 : i32
        %add3A_563 = arith.addi %mul3A_330, %add3A_562 : i32
        %add3A_564 = arith.constant 1 : i32
        %add3A_565 = arith.addi %add3A_563, %add3A_564 : i32
        %jit3A_566 = arith.constant 4 : i32
        %eq3A_567 = arith.constant 0 : i32
        %eq3A_568 = arith.cmpi eq, %jit3A_566, %eq3A_567 : i32
        %jit3A_569 = arith.constant 1 : i32
        %select_n3A_570 = arith.select %eq3A_568, %jit3A_569, %jit3A_566 : i32
        %rem3A_571 = arith.remsi %add3A_565, %select_n3A_570 : i32
        %ne3A_572 = arith.constant 0 : i32
        %ne3A_573 = arith.cmpi ne, %rem3A_571, %ne3A_572 : i32
        %lt3A_574 = arith.constant 0 : i32
        %lt3A_575 = arith.cmpi slt, %rem3A_571, %lt3A_574 : i32
        %lt3A_576 = arith.constant 0 : i32
        %lt3A_577 = arith.cmpi slt, %select_n3A_570, %lt3A_576 : i32
        %ne3A_578 = arith.xori %lt3A_575, %lt3A_577 : i1
        %and3A_579 = arith.andi %ne3A_578, %ne3A_573 : i1
        %add3A_580 = arith.addi %rem3A_571, %select_n3A_570 : i32
        %select_n3A_581 = arith.select %and3A_579, %add3A_580, %rem3A_571 : i32
        %dma_start3A_582 = arith.constant 0 : i32
        %dma_start3A_583 = tpu.memref_slice %arg6[%select_n3A_581, %dma_start3A_582] : memref<4x256xi32, #tpu.memory_space<vmem>> -> memref<1x256xi32, #tpu.memory_space<vmem>>
        %dma_start3A_584 = tpu.memref_squeeze %dma_start3A_583 : memref<1x256xi32, #tpu.memory_space<vmem>> -> memref<256xi32, #tpu.memory_space<vmem>>
        %dma_start3A_585 = arith.constant 0 : i32
        %dma_start3A_586 = arith.constant 0 : i32
        %dma_start3A_587 = tpu.memref_slice %arg2[%dma_start3A_585, %dma_start3A_586] : memref<20480x32xi32, #tpu.memory_space<hbm>> -> memref<20480x32xi32, #tpu.memory_space<hbm>>
        tpu.enqueue_indirect_dma source(%dma_start3A_587 : memref<20480x32xi32, #tpu.memory_space<hbm>>) target(%arg10 : memref<256x32xi32, #tpu.memory_space<vmem>>) offsets(%dma_start3A_584 : memref<256xi32, #tpu.memory_space<vmem>>) semaphore(%arg17 : memref<!tpu.dma_semaphore, #tpu.memory_space<semaphore_mem>>)
      } else {
      }
      %add3A_417 = arith.constant 1 : i32
      %add3A_418 = arith.addi %mul3A_330, %add3A_417 : i32
      %ge3A_419 = arith.constant 2 : i32
      %ge3A_420 = arith.cmpi sge, %add3A_418, %ge3A_419 : i32
      %convert_element_type3A_421 = arith.extui %ge3A_420 : i1 to i32
      %cond3A_422 = arith.constant 0 : i32
      %cond3A_423 = arith.cmpi ne, %convert_element_type3A_421, %cond3A_422 : i32
      scf.if %cond3A_423 {
        %dma_wait3A_562 = arith.constant 0 : i32
        %dma_wait3A_563 = arith.constant 0 : i32
        %dma_wait3A_564 = tpu.memref_slice %arg16[%dma_wait3A_562, %dma_wait3A_563] : memref<10240x64xf32, #tpu.memory_space<vmem_shared>> -> memref<256x64xf32, #tpu.memory_space<vmem_shared>>
        %dma_wait3A_565 = arith.constant 0 : i32
        %dma_wait3A_566 = arith.constant 0 : i32
        %dma_wait3A_567 = tpu.memref_slice %arg16[%dma_wait3A_565, %dma_wait3A_566] : memref<10240x64xf32, #tpu.memory_space<vmem_shared>> -> memref<256x64xf32, #tpu.memory_space<vmem_shared>>
        tpu.wait_dma2 semaphore(%arg22 : memref<!tpu.dma_semaphore, #tpu.memory_space<semaphore_mem>>) src(%arg15 : memref<256x64xf32, #tpu.memory_space<vmem>>) dst(%dma_wait3A_567 : memref<256x64xf32, #tpu.memory_space<vmem_shared>>)
      } else {
      }
      %scan3A_424 = arith.constant 0 : i32
      %scan3A_425 = arith.constant 0 : i32
      %scan3A_426 = arith.constant 256 : i32
      %scan3A_427 = arith.addi %scan3A_425, %scan3A_426 : i32
      %scan3A_428 = arith.constant 1 : i32
      %scan3A_429 = scf.for %scan3A_562 = %scan3A_425 to %scan3A_427 step %scan3A_428 iter_args(%scan3A_563 = %scan3A_424) -> (i32)  : i32 {
        %get3A = arith.index_cast %scan3A_562 : i32 to index
        %get3A_564 = arith.constant 0 : index
        %get3A_565 = tpu.vector_load %arg11[%get3A, %get3A_564] {strides = array<i32>} : memref<256x32xi32, #tpu.memory_space<vmem>>, vector<16xi32>,
        %shift_left3A = arith.constant 16 : i32
        %shift_left3A_566 = vector.broadcast %shift_left3A : i32 to vector<16xi32>
        %shift_left3A_567 = arith.shli %get3A_565, %shift_left3A_566 : vector<16xi32>
        %bitcast3A = vector.bitcast %shift_left3A_567 : vector<16xi32> to vector<16xf32>
        %and3A_568 = vector.broadcast %scan3A_57 : i32 to vector<16xi32>
        %and3A_569 = arith.andi %get3A_565, %and3A_568 : vector<16xi32>
        %bitcast3A_570 = vector.bitcast %and3A_569 : vector<16xi32> to vector<16xf32>
        %swap3A = arith.index_cast %scan3A_562 : i32 to index
        %swap3A_571 = arith.constant 0 : index
        %swap3A_572 = tpu.vector_load %arg15[%swap3A, %swap3A_571] {strides = array<i32>} : memref<256x64xf32, #tpu.memory_space<vmem>>, vector<16xf32>,
        tpu.vector_store %arg15[%swap3A, %swap3A_571], %bitcast3A {strides = array<i32>} : memref<256x64xf32, #tpu.memory_space<vmem>>, vector<16xf32>,
        %swap3A_573 = arith.index_cast %scan3A_562 : i32 to index
        %swap3A_574 = arith.constant 16 : index
        %swap3A_575 = tpu.vector_load %arg15[%swap3A_573, %swap3A_574] {strides = array<i32>} : memref<256x64xf32, #tpu.memory_space<vmem>>, vector<16xf32>,
        tpu.vector_store %arg15[%swap3A_573, %swap3A_574], %bitcast3A_570 {strides = array<i32>} : memref<256x64xf32, #tpu.memory_space<vmem>>, vector<16xf32>,
        %get3A_576 = arith.index_cast %scan3A_562 : i32 to index
        %get3A_577 = arith.constant 16 : index
        %get3A_578 = tpu.vector_load %arg11[%get3A_576, %get3A_577] {strides = array<i32>} : memref<256x32xi32, #tpu.memory_space<vmem>>, vector<16xi32>,
        %shift_left3A_579 = arith.constant 16 : i32
        %shift_left3A_580 = vector.broadcast %shift_left3A_579 : i32 to vector<16xi32>
        %shift_left3A_581 = arith.shli %get3A_578, %shift_left3A_580 : vector<16xi32>
        %bitcast3A_582 = vector.bitcast %shift_left3A_581 : vector<16xi32> to vector<16xf32>
        %and3A_583 = vector.broadcast %scan3A_57 : i32 to vector<16xi32>
        %and3A_584 = arith.andi %get3A_578, %and3A_583 : vector<16xi32>
        %bitcast3A_585 = vector.bitcast %and3A_584 : vector<16xi32> to vector<16xf32>
        %swap3A_586 = arith.index_cast %scan3A_562 : i32 to index
        %swap3A_587 = arith.constant 32 : index
        %swap3A_588 = tpu.vector_load %arg15[%swap3A_586, %swap3A_587] {strides = array<i32>} : memref<256x64xf32, #tpu.memory_space<vmem>>, vector<16xf32>,
        tpu.vector_store %arg15[%swap3A_586, %swap3A_587], %bitcast3A_582 {strides = array<i32>} : memref<256x64xf32, #tpu.memory_space<vmem>>, vector<16xf32>,
        %swap3A_589 = arith.index_cast %scan3A_562 : i32 to index
        %swap3A_590 = arith.constant 48 : index
        %swap3A_591 = tpu.vector_load %arg15[%swap3A_589, %swap3A_590] {strides = array<i32>} : memref<256x64xf32, #tpu.memory_space<vmem>>, vector<16xf32>,
        tpu.vector_store %arg15[%swap3A_589, %swap3A_590], %bitcast3A_585 {strides = array<i32>} : memref<256x64xf32, #tpu.memory_space<vmem>>, vector<16xf32>,
        %scan3A_592 = arith.constant 0 : i32
        scf.yield %scan3A_592 : i32
      }
      %scan3A_430 = arith.constant 256 : i32
      %add3A_431 = arith.constant 1 : i32
      %add3A_432 = arith.addi %mul3A_330, %add3A_431 : i32
      %jit3A_433 = arith.constant 4 : i32
      %eq3A_434 = arith.constant 0 : i32
      %eq3A_435 = arith.cmpi eq, %jit3A_433, %eq3A_434 : i32
      %jit3A_436 = arith.constant 1 : i32
      %select_n3A_437 = arith.select %eq3A_435, %jit3A_436, %jit3A_433 : i32
      %rem3A_438 = arith.remsi %add3A_432, %select_n3A_437 : i32
      %ne3A_439 = arith.constant 0 : i32
      %ne3A_440 = arith.cmpi ne, %rem3A_438, %ne3A_439 : i32
      %lt3A_441 = arith.constant 0 : i32
      %lt3A_442 = arith.cmpi slt, %rem3A_438, %lt3A_441 : i32
      %lt3A_443 = arith.constant 0 : i32
      %lt3A_444 = arith.cmpi slt, %select_n3A_437, %lt3A_443 : i32
      %ne3A_445 = arith.xori %lt3A_442, %lt3A_444 : i1
      %and3A_446 = arith.andi %ne3A_445, %ne3A_440 : i1
      %add3A_447 = arith.addi %rem3A_438, %select_n3A_437 : i32
      %select_n3A_448 = arith.select %and3A_446, %add3A_447, %rem3A_438 : i32
      %dma_start3A_449 = arith.constant 0 : i32
      %dma_start3A_450 = tpu.memref_slice %arg9[%select_n3A_448, %dma_start3A_449] : memref<4x256xi32, #tpu.memory_space<vmem>> -> memref<1x256xi32, #tpu.memory_space<vmem>>
      %dma_start3A_451 = tpu.memref_squeeze %dma_start3A_450 : memref<1x256xi32, #tpu.memory_space<vmem>> -> memref<256xi32, #tpu.memory_space<vmem>>
      %dma_start3A_452 = arith.constant 0 : i32
      %dma_start3A_453 = arith.constant 0 : i32
      %dma_start3A_454 = tpu.memref_slice %arg16[%dma_start3A_452, %dma_start3A_453] : memref<10240x64xf32, #tpu.memory_space<vmem_shared>> -> memref<10240x64xf32, #tpu.memory_space<vmem_shared>>
      tpu.enqueue_indirect_dma source(%arg15 : memref<256x64xf32, #tpu.memory_space<vmem>>) target(%dma_start3A_454 : memref<10240x64xf32, #tpu.memory_space<vmem_shared>>) offsets(%dma_start3A_451 : memref<256xi32, #tpu.memory_space<vmem>>) semaphore(%arg22 : memref<!tpu.dma_semaphore, #tpu.memory_space<semaphore_mem>>) {add = true}
      %dma_wait3A_455 = arith.constant 0 : i32
      %dma_wait3A_456 = arith.constant 0 : i32
      %dma_wait3A_457 = tpu.memref_slice %arg2[%dma_wait3A_455, %dma_wait3A_456] : memref<20480x32xi32, #tpu.memory_space<hbm>> -> memref<256x32xi32, #tpu.memory_space<hbm>>
      %dma_wait3A_458 = arith.constant 0 : i32
      %dma_wait3A_459 = arith.constant 0 : i32
      %dma_wait3A_460 = tpu.memref_slice %arg2[%dma_wait3A_458, %dma_wait3A_459] : memref<20480x32xi32, #tpu.memory_space<hbm>> -> memref<256x32xi32, #tpu.memory_space<hbm>>
      tpu.wait_dma2 semaphore(%arg19 : memref<!tpu.dma_semaphore, #tpu.memory_space<semaphore_mem>>) src(%dma_wait3A_460 : memref<256x32xi32, #tpu.memory_space<hbm>>) dst(%arg12 : memref<256x32xi32, #tpu.memory_space<vmem>>)
      %add3A_461 = arith.constant 3 : i32
      %add3A_462 = arith.addi %mul3A_330, %add3A_461 : i32
      %add3A_463 = arith.constant 2 : i32
      %add3A_464 = arith.addi %add3A_462, %add3A_463 : i32
      %lt3A_465 = arith.constant 80 : i32
      %lt3A_466 = arith.cmpi slt, %add3A_464, %lt3A_465 : i32
      %convert_element_type3A_467 = arith.extui %lt3A_466 : i1 to i32
      %cond3A_468 = arith.constant 0 : i32
      %cond3A_469 = arith.cmpi ne, %convert_element_type3A_467, %cond3A_468 : i32
      scf.if %cond3A_469 {
        %add3A_562 = arith.constant 3 : i32
        %add3A_563 = arith.addi %mul3A_330, %add3A_562 : i32
        %add3A_564 = arith.constant 2 : i32
        %add3A_565 = arith.addi %add3A_563, %add3A_564 : i32
        %jit3A_566 = arith.constant 4 : i32
        %eq3A_567 = arith.constant 0 : i32
        %eq3A_568 = arith.cmpi eq, %jit3A_566, %eq3A_567 : i32
        %jit3A_569 = arith.constant 1 : i32
        %select_n3A_570 = arith.select %eq3A_568, %jit3A_569, %jit3A_566 : i32
        %rem3A_571 = arith.remsi %add3A_565, %select_n3A_570 : i32
        %ne3A_572 = arith.constant 0 : i32
        %ne3A_573 = arith.cmpi ne, %rem3A_571, %ne3A_572 : i32
        %lt3A_574 = arith.constant 0 : i32
        %lt3A_575 = arith.cmpi slt, %rem3A_571, %lt3A_574 : i32
        %lt3A_576 = arith.constant 0 : i32
        %lt3A_577 = arith.cmpi slt, %select_n3A_570, %lt3A_576 : i32
        %ne3A_578 = arith.xori %lt3A_575, %lt3A_577 : i1
        %and3A_579 = arith.andi %ne3A_578, %ne3A_573 : i1
        %add3A_580 = arith.addi %rem3A_571, %select_n3A_570 : i32
        %select_n3A_581 = arith.select %and3A_579, %add3A_580, %rem3A_571 : i32
        %dma_start3A_582 = arith.constant 0 : i32
        %dma_start3A_583 = tpu.memref_slice %arg6[%select_n3A_581, %dma_start3A_582] : memref<4x256xi32, #tpu.memory_space<vmem>> -> memref<1x256xi32, #tpu.memory_space<vmem>>
        %dma_start3A_584 = tpu.memref_squeeze %dma_start3A_583 : memref<1x256xi32, #tpu.memory_space<vmem>> -> memref<256xi32, #tpu.memory_space<vmem>>
        %dma_start3A_585 = arith.constant 0 : i32
        %dma_start3A_586 = arith.constant 0 : i32
        %dma_start3A_587 = tpu.memref_slice %arg2[%dma_start3A_585, %dma_start3A_586] : memref<20480x32xi32, #tpu.memory_space<hbm>> -> memref<20480x32xi32, #tpu.memory_space<hbm>>
        tpu.enqueue_indirect_dma source(%dma_start3A_587 : memref<20480x32xi32, #tpu.memory_space<hbm>>) target(%arg11 : memref<256x32xi32, #tpu.memory_space<vmem>>) offsets(%dma_start3A_584 : memref<256xi32, #tpu.memory_space<vmem>>) semaphore(%arg18 : memref<!tpu.dma_semaphore, #tpu.memory_space<semaphore_mem>>)
      } else {
      }
      %add3A_470 = arith.constant 2 : i32
      %add3A_471 = arith.addi %mul3A_330, %add3A_470 : i32
      %ge3A_472 = arith.constant 2 : i32
      %ge3A_473 = arith.cmpi sge, %add3A_471, %ge3A_472 : i32
      %convert_element_type3A_474 = arith.extui %ge3A_473 : i1 to i32
      %cond3A_475 = arith.constant 0 : i32
      %cond3A_476 = arith.cmpi ne, %convert_element_type3A_474, %cond3A_475 : i32
      scf.if %cond3A_476 {
        %dma_wait3A_562 = arith.constant 0 : i32
        %dma_wait3A_563 = arith.constant 0 : i32
        %dma_wait3A_564 = tpu.memref_slice %arg16[%dma_wait3A_562, %dma_wait3A_563] : memref<10240x64xf32, #tpu.memory_space<vmem_shared>> -> memref<256x64xf32, #tpu.memory_space<vmem_shared>>
        %dma_wait3A_565 = arith.constant 0 : i32
        %dma_wait3A_566 = arith.constant 0 : i32
        %dma_wait3A_567 = tpu.memref_slice %arg16[%dma_wait3A_565, %dma_wait3A_566] : memref<10240x64xf32, #tpu.memory_space<vmem_shared>> -> memref<256x64xf32, #tpu.memory_space<vmem_shared>>
        tpu.wait_dma2 semaphore(%arg21 : memref<!tpu.dma_semaphore, #tpu.memory_space<semaphore_mem>>) src(%arg14 : memref<256x64xf32, #tpu.memory_space<vmem>>) dst(%dma_wait3A_567 : memref<256x64xf32, #tpu.memory_space<vmem_shared>>)
      } else {
      }
      %scan3A_477 = arith.constant 0 : i32
      %scan3A_478 = arith.constant 0 : i32
      %scan3A_479 = arith.constant 256 : i32
      %scan3A_480 = arith.addi %scan3A_478, %scan3A_479 : i32
      %scan3A_481 = arith.constant 1 : i32
      %scan3A_482 = scf.for %scan3A_562 = %scan3A_478 to %scan3A_480 step %scan3A_481 iter_args(%scan3A_563 = %scan3A_477) -> (i32)  : i32 {
        %get3A = arith.index_cast %scan3A_562 : i32 to index
        %get3A_564 = arith.constant 0 : index
        %get3A_565 = tpu.vector_load %arg12[%get3A, %get3A_564] {strides = array<i32>} : memref<256x32xi32, #tpu.memory_space<vmem>>, vector<16xi32>,
        %shift_left3A = arith.constant 16 : i32
        %shift_left3A_566 = vector.broadcast %shift_left3A : i32 to vector<16xi32>
        %shift_left3A_567 = arith.shli %get3A_565, %shift_left3A_566 : vector<16xi32>
        %bitcast3A = vector.bitcast %shift_left3A_567 : vector<16xi32> to vector<16xf32>
        %and3A_568 = vector.broadcast %scan3A_57 : i32 to vector<16xi32>
        %and3A_569 = arith.andi %get3A_565, %and3A_568 : vector<16xi32>
        %bitcast3A_570 = vector.bitcast %and3A_569 : vector<16xi32> to vector<16xf32>
        %swap3A = arith.index_cast %scan3A_562 : i32 to index
        %swap3A_571 = arith.constant 0 : index
        %swap3A_572 = tpu.vector_load %arg14[%swap3A, %swap3A_571] {strides = array<i32>} : memref<256x64xf32, #tpu.memory_space<vmem>>, vector<16xf32>,
        tpu.vector_store %arg14[%swap3A, %swap3A_571], %bitcast3A {strides = array<i32>} : memref<256x64xf32, #tpu.memory_space<vmem>>, vector<16xf32>,
        %swap3A_573 = arith.index_cast %scan3A_562 : i32 to index
        %swap3A_574 = arith.constant 16 : index
        %swap3A_575 = tpu.vector_load %arg14[%swap3A_573, %swap3A_574] {strides = array<i32>} : memref<256x64xf32, #tpu.memory_space<vmem>>, vector<16xf32>,
        tpu.vector_store %arg14[%swap3A_573, %swap3A_574], %bitcast3A_570 {strides = array<i32>} : memref<256x64xf32, #tpu.memory_space<vmem>>, vector<16xf32>,
        %get3A_576 = arith.index_cast %scan3A_562 : i32 to index
        %get3A_577 = arith.constant 16 : index
        %get3A_578 = tpu.vector_load %arg12[%get3A_576, %get3A_577] {strides = array<i32>} : memref<256x32xi32, #tpu.memory_space<vmem>>, vector<16xi32>,
        %shift_left3A_579 = arith.constant 16 : i32
        %shift_left3A_580 = vector.broadcast %shift_left3A_579 : i32 to vector<16xi32>
        %shift_left3A_581 = arith.shli %get3A_578, %shift_left3A_580 : vector<16xi32>
        %bitcast3A_582 = vector.bitcast %shift_left3A_581 : vector<16xi32> to vector<16xf32>
        %and3A_583 = vector.broadcast %scan3A_57 : i32 to vector<16xi32>
        %and3A_584 = arith.andi %get3A_578, %and3A_583 : vector<16xi32>
        %bitcast3A_585 = vector.bitcast %and3A_584 : vector<16xi32> to vector<16xf32>
        %swap3A_586 = arith.index_cast %scan3A_562 : i32 to index
        %swap3A_587 = arith.constant 32 : index
        %swap3A_588 = tpu.vector_load %arg14[%swap3A_586, %swap3A_587] {strides = array<i32>} : memref<256x64xf32, #tpu.memory_space<vmem>>, vector<16xf32>,
        tpu.vector_store %arg14[%swap3A_586, %swap3A_587], %bitcast3A_582 {strides = array<i32>} : memref<256x64xf32, #tpu.memory_space<vmem>>, vector<16xf32>,
        %swap3A_589 = arith.index_cast %scan3A_562 : i32 to index
        %swap3A_590 = arith.constant 48 : index
        %swap3A_591 = tpu.vector_load %arg14[%swap3A_589, %swap3A_590] {strides = array<i32>} : memref<256x64xf32, #tpu.memory_space<vmem>>, vector<16xf32>,
        tpu.vector_store %arg14[%swap3A_589, %swap3A_590], %bitcast3A_585 {strides = array<i32>} : memref<256x64xf32, #tpu.memory_space<vmem>>, vector<16xf32>,
        %scan3A_592 = arith.constant 0 : i32
        scf.yield %scan3A_592 : i32
      }
      %scan3A_483 = arith.constant 256 : i32
      %add3A_484 = arith.constant 2 : i32
      %add3A_485 = arith.addi %mul3A_330, %add3A_484 : i32
      %jit3A_486 = arith.constant 4 : i32
      %eq3A_487 = arith.constant 0 : i32
      %eq3A_488 = arith.cmpi eq, %jit3A_486, %eq3A_487 : i32
      %jit3A_489 = arith.constant 1 : i32
      %select_n3A_490 = arith.select %eq3A_488, %jit3A_489, %jit3A_486 : i32
      %rem3A_491 = arith.remsi %add3A_485, %select_n3A_490 : i32
      %ne3A_492 = arith.constant 0 : i32
      %ne3A_493 = arith.cmpi ne, %rem3A_491, %ne3A_492 : i32
      %lt3A_494 = arith.constant 0 : i32
      %lt3A_495 = arith.cmpi slt, %rem3A_491, %lt3A_494 : i32
      %lt3A_496 = arith.constant 0 : i32
      %lt3A_497 = arith.cmpi slt, %select_n3A_490, %lt3A_496 : i32
      %ne3A_498 = arith.xori %lt3A_495, %lt3A_497 : i1
      %and3A_499 = arith.andi %ne3A_498, %ne3A_493 : i1
      %add3A_500 = arith.addi %rem3A_491, %select_n3A_490 : i32
      %select_n3A_501 = arith.select %and3A_499, %add3A_500, %rem3A_491 : i32
      %dma_start3A_502 = arith.constant 0 : i32
      %dma_start3A_503 = tpu.memref_slice %arg9[%select_n3A_501, %dma_start3A_502] : memref<4x256xi32, #tpu.memory_space<vmem>> -> memref<1x256xi32, #tpu.memory_space<vmem>>
      %dma_start3A_504 = tpu.memref_squeeze %dma_start3A_503 : memref<1x256xi32, #tpu.memory_space<vmem>> -> memref<256xi32, #tpu.memory_space<vmem>>
      %dma_start3A_505 = arith.constant 0 : i32
      %dma_start3A_506 = arith.constant 0 : i32
      %dma_start3A_507 = tpu.memref_slice %arg16[%dma_start3A_505, %dma_start3A_506] : memref<10240x64xf32, #tpu.memory_space<vmem_shared>> -> memref<10240x64xf32, #tpu.memory_space<vmem_shared>>
      tpu.enqueue_indirect_dma source(%arg14 : memref<256x64xf32, #tpu.memory_space<vmem>>) target(%dma_start3A_507 : memref<10240x64xf32, #tpu.memory_space<vmem_shared>>) offsets(%dma_start3A_504 : memref<256xi32, #tpu.memory_space<vmem>>) semaphore(%arg21 : memref<!tpu.dma_semaphore, #tpu.memory_space<semaphore_mem>>) {add = true}
      %dma_wait3A_508 = arith.constant 0 : i32
      %dma_wait3A_509 = arith.constant 0 : i32
      %dma_wait3A_510 = tpu.memref_slice %arg2[%dma_wait3A_508, %dma_wait3A_509] : memref<20480x32xi32, #tpu.memory_space<hbm>> -> memref<256x32xi32, #tpu.memory_space<hbm>>
      %dma_wait3A_511 = arith.constant 0 : i32
      %dma_wait3A_512 = arith.constant 0 : i32
      %dma_wait3A_513 = tpu.memref_slice %arg2[%dma_wait3A_511, %dma_wait3A_512] : memref<20480x32xi32, #tpu.memory_space<hbm>> -> memref<256x32xi32, #tpu.memory_space<hbm>>
      tpu.wait_dma2 semaphore(%arg20 : memref<!tpu.dma_semaphore, #tpu.memory_space<semaphore_mem>>) src(%dma_wait3A_513 : memref<256x32xi32, #tpu.memory_space<hbm>>) dst(%arg13 : memref<256x32xi32, #tpu.memory_space<vmem>>)
      %add3A_514 = arith.constant 3 : i32
      %add3A_515 = arith.addi %mul3A_330, %add3A_514 : i32
      %add3A_516 = arith.constant 3 : i32
      %add3A_517 = arith.addi %add3A_515, %add3A_516 : i32
      %lt3A_518 = arith.constant 80 : i32
      %lt3A_519 = arith.cmpi slt, %add3A_517, %lt3A_518 : i32
      %convert_element_type3A_520 = arith.extui %lt3A_519 : i1 to i32
      %cond3A_521 = arith.constant 0 : i32
      %cond3A_522 = arith.cmpi ne, %convert_element_type3A_520, %cond3A_521 : i32
      scf.if %cond3A_522 {
        %add3A_562 = arith.constant 3 : i32
        %add3A_563 = arith.addi %mul3A_330, %add3A_562 : i32
        %add3A_564 = arith.constant 3 : i32
        %add3A_565 = arith.addi %add3A_563, %add3A_564 : i32
        %jit3A_566 = arith.constant 4 : i32
        %eq3A_567 = arith.constant 0 : i32
        %eq3A_568 = arith.cmpi eq, %jit3A_566, %eq3A_567 : i32
        %jit3A_569 = arith.constant 1 : i32
        %select_n3A_570 = arith.select %eq3A_568, %jit3A_569, %jit3A_566 : i32
        %rem3A_571 = arith.remsi %add3A_565, %select_n3A_570 : i32
        %ne3A_572 = arith.constant 0 : i32
        %ne3A_573 = arith.cmpi ne, %rem3A_571, %ne3A_572 : i32
        %lt3A_574 = arith.constant 0 : i32
        %lt3A_575 = arith.cmpi slt, %rem3A_571, %lt3A_574 : i32
        %lt3A_576 = arith.constant 0 : i32
        %lt3A_577 = arith.cmpi slt, %select_n3A_570, %lt3A_576 : i32
        %ne3A_578 = arith.xori %lt3A_575, %lt3A_577 : i1
        %and3A_579 = arith.andi %ne3A_578, %ne3A_573 : i1
        %add3A_580 = arith.addi %rem3A_571, %select_n3A_570 : i32
        %select_n3A_581 = arith.select %and3A_579, %add3A_580, %rem3A_571 : i32
        %dma_start3A_582 = arith.constant 0 : i32
        %dma_start3A_583 = tpu.memref_slice %arg6[%select_n3A_581, %dma_start3A_582] : memref<4x256xi32, #tpu.memory_space<vmem>> -> memref<1x256xi32, #tpu.memory_space<vmem>>
        %dma_start3A_584 = tpu.memref_squeeze %dma_start3A_583 : memref<1x256xi32, #tpu.memory_space<vmem>> -> memref<256xi32, #tpu.memory_space<vmem>>
        %dma_start3A_585 = arith.constant 0 : i32
        %dma_start3A_586 = arith.constant 0 : i32
        %dma_start3A_587 = tpu.memref_slice %arg2[%dma_start3A_585, %dma_start3A_586] : memref<20480x32xi32, #tpu.memory_space<hbm>> -> memref<20480x32xi32, #tpu.memory_space<hbm>>
        tpu.enqueue_indirect_dma source(%dma_start3A_587 : memref<20480x32xi32, #tpu.memory_space<hbm>>) target(%arg12 : memref<256x32xi32, #tpu.memory_space<vmem>>) offsets(%dma_start3A_584 : memref<256xi32, #tpu.memory_space<vmem>>) semaphore(%arg19 : memref<!tpu.dma_semaphore, #tpu.memory_space<semaphore_mem>>)
      } else {
      }
      %add3A_523 = arith.constant 3 : i32
      %add3A_524 = arith.addi %mul3A_330, %add3A_523 : i32
      %ge3A_525 = arith.constant 2 : i32
      %ge3A_526 = arith.cmpi sge, %add3A_524, %ge3A_525 : i32
      %convert_element_type3A_527 = arith.extui %ge3A_526 : i1 to i32
      %cond3A_528 = arith.constant 0 : i32
      %cond3A_529 = arith.cmpi ne, %convert_element_type3A_527, %cond3A_528 : i32
      scf.if %cond3A_529 {
        %dma_wait3A_562 = arith.constant 0 : i32
        %dma_wait3A_563 = arith.constant 0 : i32
        %dma_wait3A_564 = tpu.memref_slice %arg16[%dma_wait3A_562, %dma_wait3A_563] : memref<10240x64xf32, #tpu.memory_space<vmem_shared>> -> memref<256x64xf32, #tpu.memory_space<vmem_shared>>
        %dma_wait3A_565 = arith.constant 0 : i32
        %dma_wait3A_566 = arith.constant 0 : i32
        %dma_wait3A_567 = tpu.memref_slice %arg16[%dma_wait3A_565, %dma_wait3A_566] : memref<10240x64xf32, #tpu.memory_space<vmem_shared>> -> memref<256x64xf32, #tpu.memory_space<vmem_shared>>
        tpu.wait_dma2 semaphore(%arg22 : memref<!tpu.dma_semaphore, #tpu.memory_space<semaphore_mem>>) src(%arg15 : memref<256x64xf32, #tpu.memory_space<vmem>>) dst(%dma_wait3A_567 : memref<256x64xf32, #tpu.memory_space<vmem_shared>>)
      } else {
      }
      %scan3A_530 = arith.constant 0 : i32
      %scan3A_531 = arith.constant 0 : i32
      %scan3A_532 = arith.constant 256 : i32
      %scan3A_533 = arith.addi %scan3A_531, %scan3A_532 : i32
      %scan3A_534 = arith.constant 1 : i32
      %scan3A_535 = scf.for %scan3A_562 = %scan3A_531 to %scan3A_533 step %scan3A_534 iter_args(%scan3A_563 = %scan3A_530) -> (i32)  : i32 {
        %get3A = arith.index_cast %scan3A_562 : i32 to index
        %get3A_564 = arith.constant 0 : index
        %get3A_565 = tpu.vector_load %arg13[%get3A, %get3A_564] {strides = array<i32>} : memref<256x32xi32, #tpu.memory_space<vmem>>, vector<16xi32>,
        %shift_left3A = arith.constant 16 : i32
        %shift_left3A_566 = vector.broadcast %shift_left3A : i32 to vector<16xi32>
        %shift_left3A_567 = arith.shli %get3A_565, %shift_left3A_566 : vector<16xi32>
        %bitcast3A = vector.bitcast %shift_left3A_567 : vector<16xi32> to vector<16xf32>
        %and3A_568 = vector.broadcast %scan3A_57 : i32 to vector<16xi32>
        %and3A_569 = arith.andi %get3A_565, %and3A_568 : vector<16xi32>
        %bitcast3A_570 = vector.bitcast %and3A_569 : vector<16xi32> to vector<16xf32>
        %swap3A = arith.index_cast %scan3A_562 : i32 to index
        %swap3A_571 = arith.constant 0 : index
        %swap3A_572 = tpu.vector_load %arg15[%swap3A, %swap3A_571] {strides = array<i32>} : memref<256x64xf32, #tpu.memory_space<vmem>>, vector<16xf32>,
        tpu.vector_store %arg15[%swap3A, %swap3A_571], %bitcast3A {strides = array<i32>} : memref<256x64xf32, #tpu.memory_space<vmem>>, vector<16xf32>,
        %swap3A_573 = arith.index_cast %scan3A_562 : i32 to index
        %swap3A_574 = arith.constant 16 : index
        %swap3A_575 = tpu.vector_load %arg15[%swap3A_573, %swap3A_574] {strides = array<i32>} : memref<256x64xf32, #tpu.memory_space<vmem>>, vector<16xf32>,
        tpu.vector_store %arg15[%swap3A_573, %swap3A_574], %bitcast3A_570 {strides = array<i32>} : memref<256x64xf32, #tpu.memory_space<vmem>>, vector<16xf32>,
        %get3A_576 = arith.index_cast %scan3A_562 : i32 to index
        %get3A_577 = arith.constant 16 : index
        %get3A_578 = tpu.vector_load %arg13[%get3A_576, %get3A_577] {strides = array<i32>} : memref<256x32xi32, #tpu.memory_space<vmem>>, vector<16xi32>,
        %shift_left3A_579 = arith.constant 16 : i32
        %shift_left3A_580 = vector.broadcast %shift_left3A_579 : i32 to vector<16xi32>
        %shift_left3A_581 = arith.shli %get3A_578, %shift_left3A_580 : vector<16xi32>
        %bitcast3A_582 = vector.bitcast %shift_left3A_581 : vector<16xi32> to vector<16xf32>
        %and3A_583 = vector.broadcast %scan3A_57 : i32 to vector<16xi32>
        %and3A_584 = arith.andi %get3A_578, %and3A_583 : vector<16xi32>
        %bitcast3A_585 = vector.bitcast %and3A_584 : vector<16xi32> to vector<16xf32>
        %swap3A_586 = arith.index_cast %scan3A_562 : i32 to index
        %swap3A_587 = arith.constant 32 : index
        %swap3A_588 = tpu.vector_load %arg15[%swap3A_586, %swap3A_587] {strides = array<i32>} : memref<256x64xf32, #tpu.memory_space<vmem>>, vector<16xf32>,
        tpu.vector_store %arg15[%swap3A_586, %swap3A_587], %bitcast3A_582 {strides = array<i32>} : memref<256x64xf32, #tpu.memory_space<vmem>>, vector<16xf32>,
        %swap3A_589 = arith.index_cast %scan3A_562 : i32 to index
        %swap3A_590 = arith.constant 48 : index
        %swap3A_591 = tpu.vector_load %arg15[%swap3A_589, %swap3A_590] {strides = array<i32>} : memref<256x64xf32, #tpu.memory_space<vmem>>, vector<16xf32>,
        tpu.vector_store %arg15[%swap3A_589, %swap3A_590], %bitcast3A_585 {strides = array<i32>} : memref<256x64xf32, #tpu.memory_space<vmem>>, vector<16xf32>,
        %scan3A_592 = arith.constant 0 : i32
        scf.yield %scan3A_592 : i32
      }
      %scan3A_536 = arith.constant 256 : i32
      %add3A_537 = arith.constant 3 : i32
      %add3A_538 = arith.addi %mul3A_330, %add3A_537 : i32
      %jit3A_539 = arith.constant 4 : i32
      %eq3A_540 = arith.constant 0 : i32
      %eq3A_541 = arith.cmpi eq, %jit3A_539, %eq3A_540 : i32
      %jit3A_542 = arith.constant 1 : i32
      %select_n3A_543 = arith.select %eq3A_541, %jit3A_542, %jit3A_539 : i32
      %rem3A_544 = arith.remsi %add3A_538, %select_n3A_543 : i32
      %ne3A_545 = arith.constant 0 : i32
      %ne3A_546 = arith.cmpi ne, %rem3A_544, %ne3A_545 : i32
      %lt3A_547 = arith.constant 0 : i32
      %lt3A_548 = arith.cmpi slt, %rem3A_544, %lt3A_547 : i32
      %lt3A_549 = arith.constant 0 : i32
      %lt3A_550 = arith.cmpi slt, %select_n3A_543, %lt3A_549 : i32
      %ne3A_551 = arith.xori %lt3A_548, %lt3A_550 : i1
      %and3A_552 = arith.andi %ne3A_551, %ne3A_546 : i1
      %add3A_553 = arith.addi %rem3A_544, %select_n3A_543 : i32
      %select_n3A_554 = arith.select %and3A_552, %add3A_553, %rem3A_544 : i32
      %dma_start3A_555 = arith.constant 0 : i32
      %dma_start3A_556 = tpu.memref_slice %arg9[%select_n3A_554, %dma_start3A_555] : memref<4x256xi32, #tpu.memory_space<vmem>> -> memref<1x256xi32, #tpu.memory_space<vmem>>
      %dma_start3A_557 = tpu.memref_squeeze %dma_start3A_556 : memref<1x256xi32, #tpu.memory_space<vmem>> -> memref<256xi32, #tpu.memory_space<vmem>>
      %dma_start3A_558 = arith.constant 0 : i32
      %dma_start3A_559 = arith.constant 0 : i32
      %dma_start3A_560 = tpu.memref_slice %arg16[%dma_start3A_558, %dma_start3A_559] : memref<10240x64xf32, #tpu.memory_space<vmem_shared>> -> memref<10240x64xf32, #tpu.memory_space<vmem_shared>>
      tpu.enqueue_indirect_dma source(%arg15 : memref<256x64xf32, #tpu.memory_space<vmem>>) target(%dma_start3A_560 : memref<10240x64xf32, #tpu.memory_space<vmem_shared>>) offsets(%dma_start3A_557 : memref<256xi32, #tpu.memory_space<vmem>>) semaphore(%arg22 : memref<!tpu.dma_semaphore, #tpu.memory_space<semaphore_mem>>) {add = true}
      %scan3A_561 = arith.constant 0 : i32
      scf.yield %scan3A_561 : i32
    }
    %scan3A_64 = arith.constant 10 : i32
    %dma_wait3A = arith.constant 0 : i32
    %dma_wait3A_65 = arith.constant 0 : i32
    %dma_wait3A_66 = tpu.memref_slice %arg16[%dma_wait3A, %dma_wait3A_65] : memref<10240x64xf32, #tpu.memory_space<vmem_shared>> -> memref<256x64xf32, #tpu.memory_space<vmem_shared>>
    %dma_wait3A_67 = arith.constant 0 : i32
    %dma_wait3A_68 = arith.constant 0 : i32
    %dma_wait3A_69 = tpu.memref_slice %arg16[%dma_wait3A_67, %dma_wait3A_68] : memref<10240x64xf32, #tpu.memory_space<vmem_shared>> -> memref<256x64xf32, #tpu.memory_space<vmem_shared>>
    tpu.wait_dma2 semaphore(%arg21 : memref<!tpu.dma_semaphore, #tpu.memory_space<semaphore_mem>>) src(%arg14 : memref<256x64xf32, #tpu.memory_space<vmem>>) dst(%dma_wait3A_69 : memref<256x64xf32, #tpu.memory_space<vmem_shared>>)
    %dma_wait3A_70 = arith.constant 0 : i32
    %dma_wait3A_71 = arith.constant 0 : i32
    %dma_wait3A_72 = tpu.memref_slice %arg16[%dma_wait3A_70, %dma_wait3A_71] : memref<10240x64xf32, #tpu.memory_space<vmem_shared>> -> memref<256x64xf32, #tpu.memory_space<vmem_shared>>
    %dma_wait3A_73 = arith.constant 0 : i32
    %dma_wait3A_74 = arith.constant 0 : i32
    %dma_wait3A_75 = tpu.memref_slice %arg16[%dma_wait3A_73, %dma_wait3A_74] : memref<10240x64xf32, #tpu.memory_space<vmem_shared>> -> memref<256x64xf32, #tpu.memory_space<vmem_shared>>
    tpu.wait_dma2 semaphore(%arg22 : memref<!tpu.dma_semaphore, #tpu.memory_space<semaphore_mem>>) src(%arg15 : memref<256x64xf32, #tpu.memory_space<vmem>>) dst(%dma_wait3A_75 : memref<256x64xf32, #tpu.memory_space<vmem_shared>>)
    %barrier3A_76 = arith.constant 0 : index
    tpu.barrier barrier_id(%barrier3A_76)
    %mul3A_77 = arith.constant 640 : i32
    %mul3A_78 = arith.muli %arg1, %mul3A_77 : i32
    %add3A_79 = arith.constant 0 : i32
    %add3A_80 = arith.addi %mul3A_78, %add3A_79 : i32
    "tpu.region"() ({
      %run_scoped3A = tpu.sem_alloc : memref<!tpu.dma_semaphore, #tpu.memory_space<semaphore_mem>>
      %dma_start3A_97 = arith.constant 0 : i32
      %dma_start3A_98 = tpu.memref_slice %arg5[%arg0, %add3A_80, %dma_start3A_97] : memref<2x10240x64xf32, #tpu.memory_space<hbm>> -> memref<1x128x64xf32, #tpu.memory_space<hbm>>
      %dma_start3A_99 = tpu.memref_squeeze %dma_start3A_98 : memref<1x128x64xf32, #tpu.memory_space<hbm>> -> memref<128x64xf32, #tpu.memory_space<hbm>>
      %dma_start3A_100 = arith.constant 0 : i32
      %dma_start3A_101 = tpu.memref_slice %arg16[%add3A_80, %dma_start3A_100] : memref<10240x64xf32, #tpu.memory_space<vmem_shared>> -> memref<128x64xf32, #tpu.memory_space<vmem_shared>>
      tpu.enqueue_dma source(%dma_start3A_101 : memref<128x64xf32, #tpu.memory_space<vmem_shared>>) target(%dma_start3A_99 : memref<128x64xf32, #tpu.memory_space<hbm>>) target_semaphore(%run_scoped3A : memref<!tpu.dma_semaphore, #tpu.memory_space<semaphore_mem>>)
      %dma_wait3A_102 = arith.constant 0 : i32
      %dma_wait3A_103 = tpu.memref_slice %arg5[%arg0, %add3A_80, %dma_wait3A_102] : memref<2x10240x64xf32, #tpu.memory_space<hbm>> -> memref<1x128x64xf32, #tpu.memory_space<hbm>>
      %dma_wait3A_104 = tpu.memref_squeeze %dma_wait3A_103 : memref<1x128x64xf32, #tpu.memory_space<hbm>> -> memref<128x64xf32, #tpu.memory_space<hbm>>
      %dma_wait3A_105 = arith.constant 0 : i32
      %dma_wait3A_106 = tpu.memref_slice %arg16[%add3A_80, %dma_wait3A_105] : memref<10240x64xf32, #tpu.memory_space<vmem_shared>> -> memref<128x64xf32, #tpu.memory_space<vmem_shared>>
      tpu.wait_dma2 semaphore(%run_scoped3A : memref<!tpu.dma_semaphore, #tpu.memory_space<semaphore_mem>>) src(%dma_wait3A_106 : memref<128x64xf32, #tpu.memory_space<vmem_shared>>) dst(%dma_wait3A_104 : memref<128x64xf32, #tpu.memory_space<hbm>>)
      tpu.yield
    }) : () -> ()
    %mul3A_81 = arith.constant 640 : i32
    %mul3A_82 = arith.muli %arg1, %mul3A_81 : i32
    %add3A_83 = arith.constant 128 : i32
    %add3A_84 = arith.addi %mul3A_82, %add3A_83 : i32
    "tpu.region"() ({
      %run_scoped3A = tpu.sem_alloc : memref<!tpu.dma_semaphore, #tpu.memory_space<semaphore_mem>>
      %dma_start3A_97 = arith.constant 0 : i32
      %dma_start3A_98 = tpu.memref_slice %arg5[%arg0, %add3A_84, %dma_start3A_97] : memref<2x10240x64xf32, #tpu.memory_space<hbm>> -> memref<1x128x64xf32, #tpu.memory_space<hbm>>
      %dma_start3A_99 = tpu.memref_squeeze %dma_start3A_98 : memref<1x128x64xf32, #tpu.memory_space<hbm>> -> memref<128x64xf32, #tpu.memory_space<hbm>>
      %dma_start3A_100 = arith.constant 0 : i32
      %dma_start3A_101 = tpu.memref_slice %arg16[%add3A_84, %dma_start3A_100] : memref<10240x64xf32, #tpu.memory_space<vmem_shared>> -> memref<128x64xf32, #tpu.memory_space<vmem_shared>>
      tpu.enqueue_dma source(%dma_start3A_101 : memref<128x64xf32, #tpu.memory_space<vmem_shared>>) target(%dma_start3A_99 : memref<128x64xf32, #tpu.memory_space<hbm>>) target_semaphore(%run_scoped3A : memref<!tpu.dma_semaphore, #tpu.memory_space<semaphore_mem>>)
      %dma_wait3A_102 = arith.constant 0 : i32
      %dma_wait3A_103 = tpu.memref_slice %arg5[%arg0, %add3A_84, %dma_wait3A_102] : memref<2x10240x64xf32, #tpu.memory_space<hbm>> -> memref<1x128x64xf32, #tpu.memory_space<hbm>>
      %dma_wait3A_104 = tpu.memref_squeeze %dma_wait3A_103 : memref<1x128x64xf32, #tpu.memory_space<hbm>> -> memref<128x64xf32, #tpu.memory_space<hbm>>
      %dma_wait3A_105 = arith.constant 0 : i32
      %dma_wait3A_106 = tpu.memref_slice %arg16[%add3A_84, %dma_wait3A_105] : memref<10240x64xf32, #tpu.memory_space<vmem_shared>> -> memref<128x64xf32, #tpu.memory_space<vmem_shared>>
      tpu.wait_dma2 semaphore(%run_scoped3A : memref<!tpu.dma_semaphore, #tpu.memory_space<semaphore_mem>>) src(%dma_wait3A_106 : memref<128x64xf32, #tpu.memory_space<vmem_shared>>) dst(%dma_wait3A_104 : memref<128x64xf32, #tpu.memory_space<hbm>>)
      tpu.yield
    }) : () -> ()
    %mul3A_85 = arith.constant 640 : i32
    %mul3A_86 = arith.muli %arg1, %mul3A_85 : i32
    %add3A_87 = arith.constant 256 : i32
    %add3A_88 = arith.addi %mul3A_86, %add3A_87 : i32
    "tpu.region"() ({
      %run_scoped3A = tpu.sem_alloc : memref<!tpu.dma_semaphore, #tpu.memory_space<semaphore_mem>>
      %dma_start3A_97 = arith.constant 0 : i32
      %dma_start3A_98 = tpu.memref_slice %arg5[%arg0, %add3A_88, %dma_start3A_97] : memref<2x10240x64xf32, #tpu.memory_space<hbm>> -> memref<1x128x64xf32, #tpu.memory_space<hbm>>
      %dma_start3A_99 = tpu.memref_squeeze %dma_start3A_98 : memref<1x128x64xf32, #tpu.memory_space<hbm>> -> memref<128x64xf32, #tpu.memory_space<hbm>>
      %dma_start3A_100 = arith.constant 0 : i32
      %dma_start3A_101 = tpu.memref_slice %arg16[%add3A_88, %dma_start3A_100] : memref<10240x64xf32, #tpu.memory_space<vmem_shared>> -> memref<128x64xf32, #tpu.memory_space<vmem_shared>>
      tpu.enqueue_dma source(%dma_start3A_101 : memref<128x64xf32, #tpu.memory_space<vmem_shared>>) target(%dma_start3A_99 : memref<128x64xf32, #tpu.memory_space<hbm>>) target_semaphore(%run_scoped3A : memref<!tpu.dma_semaphore, #tpu.memory_space<semaphore_mem>>)
      %dma_wait3A_102 = arith.constant 0 : i32
      %dma_wait3A_103 = tpu.memref_slice %arg5[%arg0, %add3A_88, %dma_wait3A_102] : memref<2x10240x64xf32, #tpu.memory_space<hbm>> -> memref<1x128x64xf32, #tpu.memory_space<hbm>>
      %dma_wait3A_104 = tpu.memref_squeeze %dma_wait3A_103 : memref<1x128x64xf32, #tpu.memory_space<hbm>> -> memref<128x64xf32, #tpu.memory_space<hbm>>
      %dma_wait3A_105 = arith.constant 0 : i32
      %dma_wait3A_106 = tpu.memref_slice %arg16[%add3A_88, %dma_wait3A_105] : memref<10240x64xf32, #tpu.memory_space<vmem_shared>> -> memref<128x64xf32, #tpu.memory_space<vmem_shared>>
      tpu.wait_dma2 semaphore(%run_scoped3A : memref<!tpu.dma_semaphore, #tpu.memory_space<semaphore_mem>>) src(%dma_wait3A_106 : memref<128x64xf32, #tpu.memory_space<vmem_shared>>) dst(%dma_wait3A_104 : memref<128x64xf32, #tpu.memory_space<hbm>>)
      tpu.yield
    }) : () -> ()
    %mul3A_89 = arith.constant 640 : i32
    %mul3A_90 = arith.muli %arg1, %mul3A_89 : i32
    %add3A_91 = arith.constant 384 : i32
    %add3A_92 = arith.addi %mul3A_90, %add3A_91 : i32
    "tpu.region"() ({
      %run_scoped3A = tpu.sem_alloc : memref<!tpu.dma_semaphore, #tpu.memory_space<semaphore_mem>>
      %dma_start3A_97 = arith.constant 0 : i32
      %dma_start3A_98 = tpu.memref_slice %arg5[%arg0, %add3A_92, %dma_start3A_97] : memref<2x10240x64xf32, #tpu.memory_space<hbm>> -> memref<1x128x64xf32, #tpu.memory_space<hbm>>
      %dma_start3A_99 = tpu.memref_squeeze %dma_start3A_98 : memref<1x128x64xf32, #tpu.memory_space<hbm>> -> memref<128x64xf32, #tpu.memory_space<hbm>>
      %dma_start3A_100 = arith.constant 0 : i32
      %dma_start3A_101 = tpu.memref_slice %arg16[%add3A_92, %dma_start3A_100] : memref<10240x64xf32, #tpu.memory_space<vmem_shared>> -> memref<128x64xf32, #tpu.memory_space<vmem_shared>>
      tpu.enqueue_dma source(%dma_start3A_101 : memref<128x64xf32, #tpu.memory_space<vmem_shared>>) target(%dma_start3A_99 : memref<128x64xf32, #tpu.memory_space<hbm>>) target_semaphore(%run_scoped3A : memref<!tpu.dma_semaphore, #tpu.memory_space<semaphore_mem>>)
      %dma_wait3A_102 = arith.constant 0 : i32
      %dma_wait3A_103 = tpu.memref_slice %arg5[%arg0, %add3A_92, %dma_wait3A_102] : memref<2x10240x64xf32, #tpu.memory_space<hbm>> -> memref<1x128x64xf32, #tpu.memory_space<hbm>>
      %dma_wait3A_104 = tpu.memref_squeeze %dma_wait3A_103 : memref<1x128x64xf32, #tpu.memory_space<hbm>> -> memref<128x64xf32, #tpu.memory_space<hbm>>
      %dma_wait3A_105 = arith.constant 0 : i32
      %dma_wait3A_106 = tpu.memref_slice %arg16[%add3A_92, %dma_wait3A_105] : memref<10240x64xf32, #tpu.memory_space<vmem_shared>> -> memref<128x64xf32, #tpu.memory_space<vmem_shared>>
      tpu.wait_dma2 semaphore(%run_scoped3A : memref<!tpu.dma_semaphore, #tpu.memory_space<semaphore_mem>>) src(%dma_wait3A_106 : memref<128x64xf32, #tpu.memory_space<vmem_shared>>) dst(%dma_wait3A_104 : memref<128x64xf32, #tpu.memory_space<hbm>>)
      tpu.yield
    }) : () -> ()
    %mul3A_93 = arith.constant 640 : i32
    %mul3A_94 = arith.muli %arg1, %mul3A_93 : i32
    %add3A_95 = arith.constant 512 : i32
    %add3A_96 = arith.addi %mul3A_94, %add3A_95 : i32
    "tpu.region"() ({
      %run_scoped3A = tpu.sem_alloc : memref<!tpu.dma_semaphore, #tpu.memory_space<semaphore_mem>>
      %dma_start3A_97 = arith.constant 0 : i32
      %dma_start3A_98 = tpu.memref_slice %arg5[%arg0, %add3A_96, %dma_start3A_97] : memref<2x10240x64xf32, #tpu.memory_space<hbm>> -> memref<1x128x64xf32, #tpu.memory_space<hbm>>
      %dma_start3A_99 = tpu.memref_squeeze %dma_start3A_98 : memref<1x128x64xf32, #tpu.memory_space<hbm>> -> memref<128x64xf32, #tpu.memory_space<hbm>>
      %dma_start3A_100 = arith.constant 0 : i32
      %dma_start3A_101 = tpu.memref_slice %arg16[%add3A_96, %dma_start3A_100] : memref<10240x64xf32, #tpu.memory_space<vmem_shared>> -> memref<128x64xf32, #tpu.memory_space<vmem_shared>>
      tpu.enqueue_dma source(%dma_start3A_101 : memref<128x64xf32, #tpu.memory_space<vmem_shared>>) target(%dma_start3A_99 : memref<128x64xf32, #tpu.memory_space<hbm>>) target_semaphore(%run_scoped3A : memref<!tpu.dma_semaphore, #tpu.memory_space<semaphore_mem>>)
      %dma_wait3A_102 = arith.constant 0 : i32
      %dma_wait3A_103 = tpu.memref_slice %arg5[%arg0, %add3A_96, %dma_wait3A_102] : memref<2x10240x64xf32, #tpu.memory_space<hbm>> -> memref<1x128x64xf32, #tpu.memory_space<hbm>>
      %dma_wait3A_104 = tpu.memref_squeeze %dma_wait3A_103 : memref<1x128x64xf32, #tpu.memory_space<hbm>> -> memref<128x64xf32, #tpu.memory_space<hbm>>
      %dma_wait3A_105 = arith.constant 0 : i32
      %dma_wait3A_106 = tpu.memref_slice %arg16[%add3A_96, %dma_wait3A_105] : memref<10240x64xf32, #tpu.memory_space<vmem_shared>> -> memref<128x64xf32, #tpu.memory_space<vmem_shared>>
      tpu.wait_dma2 semaphore(%run_scoped3A : memref<!tpu.dma_semaphore, #tpu.memory_space<semaphore_mem>>) src(%dma_wait3A_106 : memref<128x64xf32, #tpu.memory_space<vmem_shared>>) dst(%dma_wait3A_104 : memref<128x64xf32, #tpu.memory_space<hbm>>)
      tpu.yield
    }) : () -> ()
    return
  }
}

module attributes {stable_mosaic.version = 14 : i64} {
  func.func @_prep_body(%arg0: i32, %arg1: memref<1024x2xf32, #tpu.memory_space<vmem>>, %arg2: memref<1024x128xf32, #tpu.memory_space<vmem>>, %arg3: memref<2x1024x32xi32, #tpu.memory_space<vmem>>) attributes {dimension_semantics = [#tpu.dimension_semantics<arbitrary>], iteration_bounds = array<i64: 10>, scalar_prefetch = 0 : i64, scratch_operands = 0 : i64, tpu.core_type = #tpu.core_type<tc>, window_params = [{transform_indices = @transform_0, window_bounds = array<i64: 1024, 2>}, {transform_indices = @transform_1, window_bounds = array<i64: 1024, 128>}, {transform_indices = @transform_2, window_bounds = array<i64: 2, 1024, 32>}]} {
    %get3A = arith.constant 0 : index
    %get3A_0 = arith.constant 0 : index
    %get3A_1 = vector.load %arg1[%get3A, %get3A_0] : memref<1024x2xf32, #tpu.memory_space<vmem>>, vector<1024x1xf32>
    %get3A_2 = arith.constant 0 : index
    %get3A_3 = arith.constant 1 : index
    %get3A_4 = vector.load %arg1[%get3A_2, %get3A_3] : memref<1024x2xf32, #tpu.memory_space<vmem>>, vector<1024x1xf32>
    %add3A = arith.addf %get3A_1, %get3A_4 : vector<1024x1xf32>
    %add3A_5 = arith.constant 1.000000e+00 : f32
    %add3A_6 = vector.broadcast %add3A_5 : f32 to vector<1024x1xf32>
    %add3A_7 = arith.addf %add3A, %add3A_6 : vector<1024x1xf32>
    %rsqrt3A = math.rsqrt %add3A_7 : vector<1024x1xf32>
    %get3A_8 = arith.constant 0 : index
    %get3A_9 = arith.constant 0 : index
    %get3A_10 = vector.load %arg2[%get3A_8, %get3A_9] : memref<1024x128xf32, #tpu.memory_space<vmem>>, vector<1024x128xf32>
    %mul3A = vector.broadcast %rsqrt3A : vector<1024x1xf32> to vector<1024x128xf32>
    %mul3A_11 = arith.mulf %get3A_10, %mul3A : vector<1024x128xf32>
    %slice3A = vector.extract_strided_slice %mul3A_11 {offsets = [0, 0], sizes = [1024, 64], strides = [1, 1]} : vector<1024x128xf32> to vector<1024x64xf32>
    %bitcast_convert_type3A = tpu.bitcast %slice3A : vector<1024x64xf32> -> vector<1024x64xi32>
    %slice3A_12 = vector.extract_strided_slice %bitcast_convert_type3A {offsets = [0, 0], sizes = [1024, 16], strides = [1, 1]} : vector<1024x64xi32> to vector<1024x16xi32>
    %slice3A_13 = vector.extract_strided_slice %bitcast_convert_type3A {offsets = [0, 16], sizes = [1024, 16], strides = [1, 1]} : vector<1024x64xi32> to vector<1024x16xi32>
    %shift_right_logical3A = arith.constant 16 : i32
    %shift_right_logical3A_14 = vector.broadcast %shift_right_logical3A : i32 to vector<1024x16xi32>
    %shift_right_logical3A_15 = arith.shrui %slice3A_12, %shift_right_logical3A_14 : vector<1024x16xi32>
    %and3A = arith.constant -65536 : i32
    %and3A_16 = vector.broadcast %and3A : i32 to vector<1024x16xi32>
    %and3A_17 = arith.andi %slice3A_13, %and3A_16 : vector<1024x16xi32>
    %or3A = arith.ori %shift_right_logical3A_15, %and3A_17 : vector<1024x16xi32>
    %slice3A_18 = vector.extract_strided_slice %bitcast_convert_type3A {offsets = [0, 32], sizes = [1024, 16], strides = [1, 1]} : vector<1024x64xi32> to vector<1024x16xi32>
    %slice3A_19 = vector.extract_strided_slice %bitcast_convert_type3A {offsets = [0, 48], sizes = [1024, 16], strides = [1, 1]} : vector<1024x64xi32> to vector<1024x16xi32>
    %shift_right_logical3A_20 = arith.constant 16 : i32
    %shift_right_logical3A_21 = vector.broadcast %shift_right_logical3A_20 : i32 to vector<1024x16xi32>
    %shift_right_logical3A_22 = arith.shrui %slice3A_18, %shift_right_logical3A_21 : vector<1024x16xi32>
    %and3A_23 = arith.constant -65536 : i32
    %and3A_24 = vector.broadcast %and3A_23 : i32 to vector<1024x16xi32>
    %and3A_25 = arith.andi %slice3A_19, %and3A_24 : vector<1024x16xi32>
    %or3A_26 = arith.ori %shift_right_logical3A_22, %and3A_25 : vector<1024x16xi32>
    %concatenate3A = tpu.concatenate %or3A, %or3A_26 in 1 : vector<1024x16xi32>, vector<1024x16xi32> -> vector<1024x32xi32>
    %swap3A = arith.constant 0 : index
    %swap3A_27 = arith.constant 0 : index
    %swap3A_28 = arith.constant 0 : index
    %swap3A_29 = vector.load %arg3[%swap3A, %swap3A_27, %swap3A_28] : memref<2x1024x32xi32, #tpu.memory_space<vmem>>, vector<1x1024x32xi32>
    %swap3A_30 = vector.shape_cast %swap3A_29 : vector<1x1024x32xi32> to vector<1024x32xi32>
    %swap3A_31 = vector.shape_cast %concatenate3A : vector<1024x32xi32> to vector<1x1024x32xi32>
    tpu.vector_store %arg3[%swap3A, %swap3A_27, %swap3A_28], %swap3A_31 {strides = array<i32>} : memref<2x1024x32xi32, #tpu.memory_space<vmem>>, vector<1x1024x32xi32>,
    %slice3A_32 = vector.extract_strided_slice %mul3A_11 {offsets = [0, 64], sizes = [1024, 64], strides = [1, 1]} : vector<1024x128xf32> to vector<1024x64xf32>
    %bitcast_convert_type3A_33 = tpu.bitcast %slice3A_32 : vector<1024x64xf32> -> vector<1024x64xi32>
    %slice3A_34 = vector.extract_strided_slice %bitcast_convert_type3A_33 {offsets = [0, 0], sizes = [1024, 16], strides = [1, 1]} : vector<1024x64xi32> to vector<1024x16xi32>
    %slice3A_35 = vector.extract_strided_slice %bitcast_convert_type3A_33 {offsets = [0, 16], sizes = [1024, 16], strides = [1, 1]} : vector<1024x64xi32> to vector<1024x16xi32>
    %shift_right_logical3A_36 = arith.constant 16 : i32
    %shift_right_logical3A_37 = vector.broadcast %shift_right_logical3A_36 : i32 to vector<1024x16xi32>
    %shift_right_logical3A_38 = arith.shrui %slice3A_34, %shift_right_logical3A_37 : vector<1024x16xi32>
    %and3A_39 = arith.constant -65536 : i32
    %and3A_40 = vector.broadcast %and3A_39 : i32 to vector<1024x16xi32>
    %and3A_41 = arith.andi %slice3A_35, %and3A_40 : vector<1024x16xi32>
    %or3A_42 = arith.ori %shift_right_logical3A_38, %and3A_41 : vector<1024x16xi32>
    %slice3A_43 = vector.extract_strided_slice %bitcast_convert_type3A_33 {offsets = [0, 32], sizes = [1024, 16], strides = [1, 1]} : vector<1024x64xi32> to vector<1024x16xi32>
    %slice3A_44 = vector.extract_strided_slice %bitcast_convert_type3A_33 {offsets = [0, 48], sizes = [1024, 16], strides = [1, 1]} : vector<1024x64xi32> to vector<1024x16xi32>
    %shift_right_logical3A_45 = arith.constant 16 : i32
    %shift_right_logical3A_46 = vector.broadcast %shift_right_logical3A_45 : i32 to vector<1024x16xi32>
    %shift_right_logical3A_47 = arith.shrui %slice3A_43, %shift_right_logical3A_46 : vector<1024x16xi32>
    %and3A_48 = arith.constant -65536 : i32
    %and3A_49 = vector.broadcast %and3A_48 : i32 to vector<1024x16xi32>
    %and3A_50 = arith.andi %slice3A_44, %and3A_49 : vector<1024x16xi32>
    %or3A_51 = arith.ori %shift_right_logical3A_47, %and3A_50 : vector<1024x16xi32>
    %concatenate3A_52 = tpu.concatenate %or3A_42, %or3A_51 in 1 : vector<1024x16xi32>, vector<1024x16xi32> -> vector<1024x32xi32>
    %swap3A_53 = arith.constant 1 : index
    %swap3A_54 = arith.constant 0 : index
    %swap3A_55 = arith.constant 0 : index
    %swap3A_56 = vector.load %arg3[%swap3A_53, %swap3A_54, %swap3A_55] : memref<2x1024x32xi32, #tpu.memory_space<vmem>>, vector<1x1024x32xi32>
    %swap3A_57 = vector.shape_cast %swap3A_56 : vector<1x1024x32xi32> to vector<1024x32xi32>
    %swap3A_58 = vector.shape_cast %concatenate3A_52 : vector<1024x32xi32> to vector<1x1024x32xi32>
    tpu.vector_store %arg3[%swap3A_53, %swap3A_54, %swap3A_55], %swap3A_58 {strides = array<i32>} : memref<2x1024x32xi32, #tpu.memory_space<vmem>>, vector<1x1024x32xi32>,
    return
  }
  func.func @transform_0(%arg0: i32) -> (i32, i32) {
    %c0_i32 = arith.constant 0 : i32
    %c0_i32_0 = arith.constant 0 : i32
    return %arg0, %c0_i32 : i32, i32
  }
  func.func @transform_1(%arg0: i32) -> (i32, i32) {
    %c0_i32 = arith.constant 0 : i32
    %c0_i32_0 = arith.constant 0 : i32
    return %arg0, %c0_i32 : i32, i32
  }
  func.func @transform_2(%arg0: i32) -> (i32, i32, i32) {
    %c0_i32 = arith.constant 0 : i32
    %c0_i32_0 = arith.constant 0 : i32
    %c0_i32_1 = arith.constant 0 : i32
    return %c0_i32, %arg0, %c0_i32_0 : i32, i32, i32
  }
}

module attributes {stable_mosaic.version = 14 : i64} {
  func.func @_final_body(%arg0: i32, %arg1: memref<2x1000x64xf32, #tpu.memory_space<vmem>>, %arg2: memref<2x1000x32xi32, #tpu.memory_space<vmem>>, %arg3: memref<1000x2xf32, #tpu.memory_space<vmem>>, %arg4: memref<1000x128xf32, #tpu.memory_space<vmem>>) attributes {dimension_semantics = [#tpu.dimension_semantics<arbitrary>], iteration_bounds = array<i64: 10>, scalar_prefetch = 0 : i64, scratch_operands = 0 : i64, tpu.core_type = #tpu.core_type<tc>, window_params = [{transform_indices = @transform_0, window_bounds = array<i64: 2, 1000, 64>}, {transform_indices = @transform_1, window_bounds = array<i64: 2, 1000, 32>}, {transform_indices = @transform_2, window_bounds = array<i64: 1000, 2>}, {transform_indices = @transform_3, window_bounds = array<i64: 1000, 128>}]} {
    %get3A = arith.constant 0 : index
    %get3A_0 = arith.constant 0 : index
    %get3A_1 = vector.load %arg3[%get3A, %get3A_0] : memref<1000x2xf32, #tpu.memory_space<vmem>>, vector<1000x1xf32>
    %get3A_2 = arith.constant 0 : index
    %get3A_3 = arith.constant 1 : index
    %get3A_4 = vector.load %arg3[%get3A_2, %get3A_3] : memref<1000x2xf32, #tpu.memory_space<vmem>>, vector<1000x1xf32>
    %add3A = arith.addf %get3A_1, %get3A_4 : vector<1000x1xf32>
    %add3A_5 = arith.constant 1.000000e+00 : f32
    %add3A_6 = vector.broadcast %add3A_5 : f32 to vector<1000x1xf32>
    %add3A_7 = arith.addf %add3A, %add3A_6 : vector<1000x1xf32>
    %rsqrt3A = math.rsqrt %add3A_7 : vector<1000x1xf32>
    %get3A_8 = arith.constant 0 : index
    %get3A_9 = arith.constant 0 : index
    %get3A_10 = arith.constant 0 : index
    %get3A_11 = vector.load %arg1[%get3A_8, %get3A_9, %get3A_10] : memref<2x1000x64xf32, #tpu.memory_space<vmem>>, vector<1x1000x64xf32>
    %get3A_12 = vector.shape_cast %get3A_11 : vector<1x1000x64xf32> to vector<1000x64xf32>
    %get3A_13 = arith.constant 0 : index
    %get3A_14 = arith.constant 0 : index
    %get3A_15 = arith.constant 0 : index
    %get3A_16 = vector.load %arg2[%get3A_13, %get3A_14, %get3A_15] : memref<2x1000x32xi32, #tpu.memory_space<vmem>>, vector<1x1000x32xi32>
    %get3A_17 = vector.shape_cast %get3A_16 : vector<1x1000x32xi32> to vector<1000x32xi32>
    %slice3A = vector.extract_strided_slice %get3A_17 {offsets = [0, 0], sizes = [1000, 16], strides = [1, 1]} : vector<1000x32xi32> to vector<1000x16xi32>
    %shift_left3A = arith.constant 16 : i32
    %shift_left3A_18 = vector.broadcast %shift_left3A : i32 to vector<1000x16xi32>
    %shift_left3A_19 = arith.shli %slice3A, %shift_left3A_18 : vector<1000x16xi32>
    %bitcast_convert_type3A = tpu.bitcast %shift_left3A_19 : vector<1000x16xi32> -> vector<1000x16xf32>
    %and3A = arith.constant -65536 : i32
    %and3A_20 = vector.broadcast %and3A : i32 to vector<1000x16xi32>
    %and3A_21 = arith.andi %slice3A, %and3A_20 : vector<1000x16xi32>
    %bitcast_convert_type3A_22 = tpu.bitcast %and3A_21 : vector<1000x16xi32> -> vector<1000x16xf32>
    %slice3A_23 = vector.extract_strided_slice %get3A_17 {offsets = [0, 16], sizes = [1000, 16], strides = [1, 1]} : vector<1000x32xi32> to vector<1000x16xi32>
    %shift_left3A_24 = arith.constant 16 : i32
    %shift_left3A_25 = vector.broadcast %shift_left3A_24 : i32 to vector<1000x16xi32>
    %shift_left3A_26 = arith.shli %slice3A_23, %shift_left3A_25 : vector<1000x16xi32>
    %bitcast_convert_type3A_27 = tpu.bitcast %shift_left3A_26 : vector<1000x16xi32> -> vector<1000x16xf32>
    %and3A_28 = arith.constant -65536 : i32
    %and3A_29 = vector.broadcast %and3A_28 : i32 to vector<1000x16xi32>
    %and3A_30 = arith.andi %slice3A_23, %and3A_29 : vector<1000x16xi32>
    %bitcast_convert_type3A_31 = tpu.bitcast %and3A_30 : vector<1000x16xi32> -> vector<1000x16xf32>
    %concatenate3A = tpu.concatenate %bitcast_convert_type3A, %bitcast_convert_type3A_22, %bitcast_convert_type3A_27, %bitcast_convert_type3A_31 in 1 : vector<1000x16xf32>, vector<1000x16xf32>, vector<1000x16xf32>, vector<1000x16xf32> -> vector<1000x64xf32>
    %add3A_32 = arith.addf %get3A_12, %concatenate3A : vector<1000x64xf32>
    %get3A_33 = arith.constant 1 : index
    %get3A_34 = arith.constant 0 : index
    %get3A_35 = arith.constant 0 : index
    %get3A_36 = vector.load %arg1[%get3A_33, %get3A_34, %get3A_35] : memref<2x1000x64xf32, #tpu.memory_space<vmem>>, vector<1x1000x64xf32>
    %get3A_37 = vector.shape_cast %get3A_36 : vector<1x1000x64xf32> to vector<1000x64xf32>
    %get3A_38 = arith.constant 1 : index
    %get3A_39 = arith.constant 0 : index
    %get3A_40 = arith.constant 0 : index
    %get3A_41 = vector.load %arg2[%get3A_38, %get3A_39, %get3A_40] : memref<2x1000x32xi32, #tpu.memory_space<vmem>>, vector<1x1000x32xi32>
    %get3A_42 = vector.shape_cast %get3A_41 : vector<1x1000x32xi32> to vector<1000x32xi32>
    %slice3A_43 = vector.extract_strided_slice %get3A_42 {offsets = [0, 0], sizes = [1000, 16], strides = [1, 1]} : vector<1000x32xi32> to vector<1000x16xi32>
    %shift_left3A_44 = arith.constant 16 : i32
    %shift_left3A_45 = vector.broadcast %shift_left3A_44 : i32 to vector<1000x16xi32>
    %shift_left3A_46 = arith.shli %slice3A_43, %shift_left3A_45 : vector<1000x16xi32>
    %bitcast_convert_type3A_47 = tpu.bitcast %shift_left3A_46 : vector<1000x16xi32> -> vector<1000x16xf32>
    %and3A_48 = arith.constant -65536 : i32
    %and3A_49 = vector.broadcast %and3A_48 : i32 to vector<1000x16xi32>
    %and3A_50 = arith.andi %slice3A_43, %and3A_49 : vector<1000x16xi32>
    %bitcast_convert_type3A_51 = tpu.bitcast %and3A_50 : vector<1000x16xi32> -> vector<1000x16xf32>
    %slice3A_52 = vector.extract_strided_slice %get3A_42 {offsets = [0, 16], sizes = [1000, 16], strides = [1, 1]} : vector<1000x32xi32> to vector<1000x16xi32>
    %shift_left3A_53 = arith.constant 16 : i32
    %shift_left3A_54 = vector.broadcast %shift_left3A_53 : i32 to vector<1000x16xi32>
    %shift_left3A_55 = arith.shli %slice3A_52, %shift_left3A_54 : vector<1000x16xi32>
    %bitcast_convert_type3A_56 = tpu.bitcast %shift_left3A_55 : vector<1000x16xi32> -> vector<1000x16xf32>
    %and3A_57 = arith.constant -65536 : i32
    %and3A_58 = vector.broadcast %and3A_57 : i32 to vector<1000x16xi32>
    %and3A_59 = arith.andi %slice3A_52, %and3A_58 : vector<1000x16xi32>
    %bitcast_convert_type3A_60 = tpu.bitcast %and3A_59 : vector<1000x16xi32> -> vector<1000x16xf32>
    %concatenate3A_61 = tpu.concatenate %bitcast_convert_type3A_47, %bitcast_convert_type3A_51, %bitcast_convert_type3A_56, %bitcast_convert_type3A_60 in 1 : vector<1000x16xf32>, vector<1000x16xf32>, vector<1000x16xf32>, vector<1000x16xf32> -> vector<1000x64xf32>
    %add3A_62 = arith.addf %get3A_37, %concatenate3A_61 : vector<1000x64xf32>
    %concatenate3A_63 = tpu.concatenate %add3A_32, %add3A_62 in 1 : vector<1000x64xf32>, vector<1000x64xf32> -> vector<1000x128xf32>
    %mul3A = vector.broadcast %rsqrt3A : vector<1000x1xf32> to vector<1000x128xf32>
    %mul3A_64 = arith.mulf %concatenate3A_63, %mul3A : vector<1000x128xf32>
    %swap3A = arith.constant 0 : index
    %swap3A_65 = arith.constant 0 : index
    %swap3A_66 = vector.load %arg4[%swap3A, %swap3A_65] : memref<1000x128xf32, #tpu.memory_space<vmem>>, vector<1000x128xf32>
    tpu.vector_store %arg4[%swap3A, %swap3A_65], %mul3A_64 {strides = array<i32>} : memref<1000x128xf32, #tpu.memory_space<vmem>>, vector<1000x128xf32>,
    return
  }
  func.func @transform_0(%arg0: i32) -> (i32, i32, i32) {
    %c0_i32 = arith.constant 0 : i32
    %c0_i32_0 = arith.constant 0 : i32
    %c0_i32_1 = arith.constant 0 : i32
    return %c0_i32, %arg0, %c0_i32_0 : i32, i32, i32
  }
  func.func @transform_1(%arg0: i32) -> (i32, i32, i32) {
    %c0_i32 = arith.constant 0 : i32
    %c0_i32_0 = arith.constant 0 : i32
    %c0_i32_1 = arith.constant 0 : i32
    return %c0_i32, %arg0, %c0_i32_0 : i32, i32, i32
  }
  func.func @transform_2(%arg0: i32) -> (i32, i32) {
    %c0_i32 = arith.constant 0 : i32
    %c0_i32_0 = arith.constant 0 : i32
    return %arg0, %c0_i32 : i32, i32
  }
  func.func @transform_3(%arg0: i32) -> (i32, i32) {
    %c0_i32 = arith.constant 0 : i32
    %c0_i32_0 = arith.constant 0 : i32
    return %arg0, %c0_i32 : i32, i32
  }
}

</mosaic_0001>

<sc_bundles>
// kernel: kernel.6.cloned.1.call-start
scs
__scs_entry_jumppad:
0x0: {  	(pc) =	sbr.rel $0x88, $3  }
0x1: {  	(tag) =	ssettag $0x0;
	lr =	simm.s32 $0x1  }
0x2: {  	[smem:$0x3F9F] =	sst lr;
	_ =	strace $0xD0000000  }
0x3: {  	_ = 	snop  }
0x4: {  	_ = 	snop  }
0x5: {  	_ = 	snop  }
0x6: {  	_ = 	snop  }
0x7: {  	_ = 	snop  }
__scs_overlays_trampoline_lowered:
0x8: {  	[smem:$0x3FAE] =	sst s0  }
0x9: {  	[smem:$0x3FAF] =	sst s1  }
0xa: {  	[smem:$0x3FB0] =	sst s2  }
0xb: {  	[smem:$0x3FB1] =	sst s3  }
0xc: {  	[smem:$0x3FB2] =	sst s4  }
0xd: {  	[smem:$0x3FB3] =	sst s5  }
0xe: {  	[smem:$0x3FB4] =	sst s6  }
0xf: {  	[smem:$0x3FB5] =	sst s7  }
0x10: {  	[smem:$0x3FB6] =	sst s8  }
0x11: {  	[smem:$0x3FB7] =	sst s9;
	s0 =	simm.s32 @!p0 $0x0  }
0x12: {  	s1 =	sld [smem:$0x3F9D];
	s0 =	simm.s32 @p0 $0x1  }
0x13: {  	[smem:$0x3FB8] =	sst s0;
	s0 =	simm.s32 @!p1 $0x0  }
0x14: {  	s2 =	sld [smem:$0x3F9C];
	s0 =	simm.s32 @p1 $0x1  }
0x15: {  	[smem:$0x3FB9] =	sst s0;
	s0 =	simm.s32 @!p2 $0x0  }
0x16: {  	s3 =	sld [smem:$0x3FDB];
	s0 =	simm.s32 @p2 $0x1  }
0x17: {  	s4 =	simm.s32 $0x1BF5;
	[smem:$0x3FBB] =	sst s0  }
0x18: {  	s0 =	sld [smem:$0x3F9E];
	_ =	swait.ge [sflag:s4], $0x0  }
0x19: {  	s7 =	sld [smem:$0x3F9F]  }
0x1a: {  	s8 =	sadd.s32 $0xFFFFE003, lr  }
0x1b: {  	s9 =	sadd.s32 $0xFFFFFEF7, lr;
	s5 =	simm.s32 $0xFFFFFFFF;
	p2 =	slt.u32 s8, $0xFFFFF086  }
0x1c: {  	p1 =	slt.u32 s9, $0xF7A;
	s5 =	simm.s32 @!p2 $0x0  }
0x1d: {  	s5 =	simm.s32 @p1 $0x1;
	p0 =	seq.s32 s7, s2  }
0x1e: {  	s7 =	smul.u32 @!p0 $0xF7A, s2;
	p2 =	seq.s32 @!p0 s5, $0x0  }
0x1f: {  	s9 =	smul.u32 $0xF7A, s1;
	s8 =	simm.s32 @!p0 $0x1BF5;
	p2 =	por !p2, p0  }
0x20: {  	[sflag:s8] =	ssyncset.s32 @!p0 $0xFFFFF086;
	s6 =	sadd.s32 @!p0 s3, s7;
	s7 =	simm.s32 @!p0 $0x108  }
0x21: {  	s3 =	sadd.s32 s3, s9;
	s6 =	sadd.s32 @!p0 $0x88, s6;
	s7 =	simm.s32 @p2 $0x1082  }
0x22: {  	[simem:s7], [sflag:s8] =	dma.local @!p0 [hbm:s6], $0xF7A  }
0x23: {  	s9 =	sor.u32 $0xD0000000, s2;
	s6 =	simm.s32 $0x108;
	_ =	swait.ge @!p0 [sflag:s8], $0x0  }
0x24: {  	s3 =	sadd.s32 $0x88, s3;
	s6 =	simm.s32 @!p1 $0x1082;
	[sflag:s4] =	ssyncset.s32 $0xFFFFF086  }
0x25: {  	[simem:s6], [sflag:s4] =	dma.local [hbm:s3], $0xF7A  }
0x26: {  	[smem:$0x3F9F] =	sst s1;
	(tag) =	ssettag s2;
	_ =	strace s9  }
0x27: {  	s1 =	sld [smem:$0x3FAF]  }
0x28: {  	s2 =	sld [smem:$0x3FB0]  }
0x29: {  	s4 =	sld [smem:$0x3FB2]  }
0x2a: {  	p0 =	seq.s32 s5, $0x0;
	s5 =	sld [smem:$0x3FB3]  }
0x2b: {  	s6 =	sld [smem:$0x3FB4]  }
0x2c: {  	s7 =	sld [smem:$0x3FB5]  }
0x2d: {  	s3 =	simm.s32 $0x108;
	s8 =	sld [smem:$0x3FB6]  }
0x2e: {  	s3 =	simm.s32 @!p0 $0x1082;
	s9 =	sld [smem:$0x3FB7]  }
0x2f: {  	lr =	sadd.s32 s0, s3;
	s0 =	sld [smem:$0x3FAE]  }
0x30: {  	s3 =	sld [smem:$0x3FB1]  }
0x31: {  	[smem:$0x3FBA] =	sst s10  }
0x32: {  	s10 =	sld [smem:$0x3FB8];
	_ =	sdelay $0x3  }
0x33: {  	p0 =	seq.s32 s10, $0x1;
	s10 =	sld [smem:$0x3FBA];
	_ =	sdelay $0x3  }
0x34: {  	[smem:$0x3FBA] =	sst s10  }
0x35: {  	s10 =	sld [smem:$0x3FB9];
	_ =	sdelay $0x3  }
0x36: {  	p1 =	seq.s32 s10, $0x1;
	s10 =	sld [smem:$0x3FBA];
	_ =	sdelay $0x3  }
0x37: {  	[smem:$0x3FBA] =	sst s10  }
0x38: {  	s10 =	sld [smem:$0x3FBB]  }
0x39: {  	_ = 	snop;
	(pc) =	sbr.ind lr, $3  }
0x3a: {  	_ = 	snop  }
0x3b: {  	_ = 	snop  }
0x3c: {  	p2 =	seq.s32 s10, $0x1;
	s10 =	sld [smem:$0x3FBA]  }
0x3d: {  	_ =	shalt  }
0x3e: {  	_ =	shalt  }
0x3f: {  	_ =	shalt  }
0x40: {  	_ =	shalt  }
0x41: {  	_ =	shalt  }
0x42: {  	_ =	shalt  }
0x43: {  	_ =	shalt  }
0x44: {  	_ =	shalt  }
0x45: {  	_ =	shalt  }
0x46: {  	_ =	shalt  }
0x47: {  	_ =	shalt  }
0x48: {  	_ =	shalt  }
0x49: {  	_ =	shalt  }
0x4a: {  	_ =	shalt  }
0x4b: {  	_ =	shalt  }
0x4c: {  	_ =	shalt  }
0x4d: {  	_ =	shalt  }
0x4e: {  	_ =	shalt  }
0x4f: {  	_ =	shalt  }
0x50: {  	_ =	shalt  }
0x51: {  	_ =	shalt  }
0x52: {  	_ =	shalt  }
0x53: {  	_ =	shalt  }
0x54: {  	_ =	shalt  }
0x55: {  	_ =	shalt  }
0x56: {  	_ =	shalt  }
0x57: {  	_ =	shalt  }
0x58: {  	_ =	shalt  }
0x59: {  	_ =	shalt  }
0x5a: {  	_ =	shalt  }
0x5b: {  	_ =	shalt  }
0x5c: {  	_ =	shalt  }
0x5d: {  	_ =	shalt  }
0x5e: {  	_ =	shalt  }
0x5f: {  	_ =	shalt  }
0x60: {  	_ =	shalt  }
0x61: {  	_ =	shalt  }
0x62: {  	_ =	shalt  }
0x63: {  	_ =	shalt  }
0x64: {  	_ =	shalt  }
0x65: {  	_ =	shalt  }
0x66: {  	_ =	shalt  }
0x67: {  	_ =	shalt  }
0x68: {  	_ =	shalt  }
0x69: {  	_ =	shalt  }
0x6a: {  	_ =	shalt  }
0x6b: {  	_ =	shalt  }
0x6c: {  	_ =	shalt  }
0x6d: {  	_ =	shalt  }
0x6e: {  	_ =	shalt  }
0x6f: {  	_ =	shalt  }
0x70: {  	_ =	shalt  }
0x71: {  	_ =	shalt  }
0x72: {  	_ =	shalt  }
0x73: {  	_ =	shalt  }
0x74: {  	_ =	shalt  }
0x75: {  	_ =	shalt  }
0x76: {  	_ =	shalt  }
0x77: {  	_ =	shalt  }
0x78: {  	_ =	shalt  }
0x79: {  	_ =	shalt  }
0x7a: {  	_ =	shalt  }
0x7b: {  	_ =	shalt  }
0x7c: {  	_ =	shalt  }
0x7d: {  	_ =	shalt  }
0x7e: {  	_ =	shalt  }
0x7f: {  	_ =	shalt  }
0x80: {  	_ =	shalt  }
0x81: {  	_ =	shalt  }
0x82: {  	_ =	shalt  }
0x83: {  	_ =	shalt  }
0x84: {  	_ =	shalt  }
0x85: {  	_ =	shalt  }
0x86: {  	_ =	shalt  }
0x87: {  	_ =	shalt  }
.Lfunc_end0:
.L_simem_size_0:
called_computation_lowered:
.L_overlay_start_0:
0x88: {  	s2 =	sld [smem:$0x3FD9]  }
0x89: {  	s3 =	sld [smem:$0x3FFE];
	_ =	sdelay $0x1  }
0x8a: {  	s1 =	srdreg.scid  }
0x8b: {  	s0 =	sand.u32 $0x1, s1  }
0x8c: {  	s17 =	sshll.u32 s0, $0xA;
	s2 =	sadd.s32 s3, s2  }
0x8d: {  	s2 =	sadd.s32 s2, s17  }
0x8e: {  	[smem:$0x3FC6] =	sst s2  }
0x8f: {  	_ = 	snop  }
0x90: {  	s2 =	sld [smem:$0x3FD0];
	(tm) =	ssettm $0x1  }
0x91: {  	s18 =	sld [smem:$0x3FFB];
	_ =	sdelay $0x3  }
0x92: {  	_ =	strace s18  }
0x93: {  	s3 =	sld [smem:$0x3FFC];
	_ =	sdelay $0x3  }
0x94: {  	_ =	strace s3  }
0x95: {  	s3 =	sld [smem:$0x3FFD];
	_ =	sdelay $0x3  }
0x96: {  	_ =	strace s3  }
0x97: {  	_ =	strace $0x8FFFFFFF  }
0x98: {  	s19 =	sld [smem:$0x3FDB];
	_ =	sdelay $0x1  }
0x99: {  	s4 =	simm.s32 $_scs_section_size  }
0x9a: {  	s5 =	simm.s32 $_size__tile_overlayer_lowered;
	s6 =	simm.s32 $_tile_overlayer_lowered  }
0x9b: {  	s22 =	simm.s32 $0x1BFF;
	s21 =	sshll.u32 s6, $0x1;
	s3 =	sadd.s32 s4, s19  }
0x9c: {  	s7 =	simm.s32 $0x0;
	s20 =	sshll.u32 s5, $0x1;
	s5 =	sadd.s32 s21, s3  }
0x9d: {  	[timem:s7], [sflag:s22] =	dma.local [hbm:s5], s20  }
0x9e: {  	_ =	swait.ge [sflag:s22], s20  }
0x9f: {  	s4 =	ssub.s32 $0x0, s20;
	[sflag:s22] =	ssyncset.done $0x0  }
0xa0: {  	[sflag:s22] =	ssyncadd.s32 s4;
	_ =	sdelay $0x1  }
0xa1: {  	s23 =	simm.s32 $0x1B8B  }
0xa2: {  	_ =	swait.ge [sflag:s23], $0x1  }
0xa3: {  	[sflag:s23] =	ssyncset.done $0x0  }
0xa4: {  	s25 =	simm.s32 $0x1B8E;
	s24 =	sld [smem:$0x3FFE];
	[sflag:s23] =	ssyncadd.s32 $0xFFFFFFFF  }
0xa5: {  	s26 =	simm.s32 $execute0_lowered;
	[smem:$0x3FD2] =	sst s25  }
0xa6: {  	s5 =	sshll.u32 s26, $0x1;
	_ =	strace $0x80000046;
	[dreg:$0x1] =	wrdreg $0xFFFFFFFF  }
0xa7: {  	s28 =	simm.s32 $_size_execute0_lowered;
	s3 =	sadd.s32 s3, s5;
	[dreg:$0x0] =	wrdreg $0x0  }
0xa8: {  	s5 =	sshll.u32 s28, $0x1;
	[dreg:$0x2] =	wrdreg s3  }
0xa9: {  	[dreg:$0x3] =	wrdreg s5  }
0xaa: {  	[dreg:$0x4] =	wrdreg $0xC0  }
0xab: {  	_ =	task [dreg:s7], $0x5FFFF  }
0xac: {  	[dreg:$0x1] =	wrdreg $0xFFFFFFFF  }
0xad: {  	[dreg:$0x0] =	wrdreg $0x60  }
0xae: {  	[dreg:$0x2] =	wrdreg s24  }
0xaf: {  	[dreg:$0x3] =	wrdreg s2  }
0xb0: {  	[dreg:$0x4] =	wrdreg $0xCA800  }
0xb1: {  	[dreg:$0x5] =	wrdreg $0x9  }
0xb2: {  	_ =	task.clear_ibuf [dreg:s7], $0x6FFFF;
	_ =	strace $0x90000046  }
0xb3: {  	s29 =	simm.s32 $0x9;
	_ =	strace $0x80000048  }
0xb4: {  	_ =	swait.ge [sflag:s29], $0x1  }
0xb5: {  	[sflag:s29] =	ssyncadd.s32 $0xFFFFFFFF  }
0xb6: {  	_ =	strace $0x90000048  }
0xb7: {  	_ =	sfence  }
0xb8: {  	s30 =	sld [smem:$0x0];
	_ =	sdelay $0x2  }
0xb9: {  	s31 =	sshll.u32 s1, $0xD;
	s1 =	sshrl.u32 s1, $0x2  }
0xba: {  	s3 =	sand.u32 $0x4000, s31;
	s1 =	sadd.s32 s1, s30  }
0xbb: {  	s0 =	sor.u32 s3, s0;
	s1 =	sshll.u32 s1, $0x11  }
0xbc: {  	s0 =	sor.u32 s1, s0  }
0xbd: {  	s0 =	sadd.s32 $0x8F2B, s0  }
0xbe: {  	[sflag:s0] =	ssyncadd.remote.s32 $0x1  }
0xbf: {  	_ =	sfence.sel $0xFFFF  }
0xc0: {  	[dreg:$0x0] =	wrdreg $0xFFFFFFFF;
	(pc) =	sbr.abs _section_cstart, $3  }
0xc1: {  	[dreg:$0x1] =	wrdreg $0xFFFFFFFF  }
0xc2: {  	_ =	task.clear_ibuf [dreg:s7], $0x2FFFF;
	_ =	strace $0x9FFFFFFF  }
0xc3: {  	(tm) =	ssettm $0x7FFFFFFF  }
tec
execute0_lowered:
.L_overlay_start_1:
0x0: {  	(tag) =	ssettag $0x1  }
0x1: {  	s3 =	rddreg [dreg:$0x0]  }
0x2: {  	s1 =	srdreg.scid;
	s8 =	rddreg [dreg:$0x1]  }
0x3: {  	s0 =	stileid.u32;
	s7 =	rddreg [dreg:$0x2]  }
0x4: {  	s2 =	simm.s32 $0x0;
	s12 =	simm.s32 $0x2;
	s13 =	simm.s32 $0x2800  }
0x5: {  	s14 =	simm.s32 $0x5000;
	s15 =	simm.s32 $0x7800;
	s16 =	simm.s32 $0x280  }
0x6: {  	s17 =	simm.s32 $0xA000;
	s18 =	simm.s32 $0x1;
	s19 =	simm.s32 $0xC800  }
0x7: {  	s20 =	simm.s32 $0x0;
	s4 =	sand.u32 $0x1, s1;
	s6 =	smul.u32 $0x14000, s0  }
0x8: {  	s30 =	sshll.u32 s0, $0x1;
	s10 =	smul.u32 $0x280, s0;
	[smem:$0x7FF] =	sst s2  }
0x9: {  	s1 =	sor.u32 s4, s30;
	s9 =	ssub.s32 $0x2, s4;
	s4 =	smul.u32 $0x5000, s4  }
0xa: {  	s5 =	smul.u32 $0x500, s1;
	s1 =	rddreg [dreg:$0x3];
	s11 =	sshrl.u32 s9, $0x1  }
0xb: {  	_ =	strace $0x80000047;
	s6 =	sshrl.u32 s6, $0x2;
	s31 =	sadd.s32 s10, s4  }
0xc: {  	s11 =	ssub.s32 s9, s11;
	s5 =	sadd.s32 s5, s3;
	s9 =	sshrl.u32 s31, $0x3  }
0xd: {  	s11 =	smax.u32 s11, $0x1;
	s3 =	sadd.s32 $0xAC00, s5;
	s4 =	sadd.s32 $0xC00, s5  }
0xe: {  	s5 =	sadd.s32 s6, s7;
	s7 =	sadd.s32 s10, s7;
	s8 =	sadd.s32 s8, s9  }
0xf: {  	v0 =	vimm.f32 $0.0e+00;
	v1 =	vimm.f32 $1.000000000e+00;
	s6 =	sadd.s32 $0x2800, s5;
	s9 =	sadd.s32 $0x2800, s7;
	s10 =	sadd.s32 $0x500, s8  }
.LBB2_1:
0x10: {  	s21 =	simm.s32 $0x40;
	s22 =	simm.s32 $0x0  }
.LBB2_2:
0x11: {  	p0 =	sne.s32 s21, $0x9FC0;
	[tilespmem:s22+$0x5000] =	vst v0;
	s23 =	smov.u32 s21;
	s21 =	sadd.s32 $0x40, s21  }
.Ltmp0:
0x12: {  	[tilespmem:s22+$0x7800] =	vst v0;
	(pc) =	sbr.rel @p0 .LBB2_2-.Ltmp0, $2  }
0x13: {  	_ =	sdelay $0x2  }
0x14: {  	s22 =	sshra.s32 s23, $0x2  }
0x15: {  	[tilespmem:s22+$0x5000] =	vst v0  }
0x16: {  	[tilespmem:s22+$0x7800] =	vst v0;
	s21 =	simm.s32 $0x0  }
0x17: {  	[tilespmem:s21], [sflag:$0x2] =	stream.linear.gather [hbm4b:s3+s21], $0x2800, $0x38;
	[tilespmem:$0x11A80] =	vst v63  }
0x18: {  	_ =	swait.ge [sflag:s12], $0x2800  }
0x19: {  	[sflag:s12] =	ssyncset.done $0x0  }
0x1a: {  	[sflag:s12] =	ssyncadd.s32 $0xFFFFD800  }
0x1b: {  	[tilespmem:s13], [sflag:$0x2] =	stream.linear.gather [hbm4b:s4+s21], $0x2800, $0x38;
	[tilespmem:$0x11A80] =	vst v63  }
0x1c: {  	_ =	swait.ge [sflag:s12], $0x2800  }
0x1d: {  	[sflag:s12] =	ssyncset.done $0x0  }
0x1e: {  	[sflag:s12] =	ssyncadd.s32 $0xFFFFD800  }
.LBB2_4:
0x1f: {  	s22 =	sshra.s32 s21, $0x2  }
0x20: {  	v2 =	vld [tilespmem:s22+$0x0];
	_ =	sdelay $0x7  }
0x21: {  	[tilespmem:v2+s14+$0x0] =	vst.idx.add.f32.msk $0xffff, v1  }
0x22: {  	v2 =	vld [tilespmem:s22+$0x2800];
	_ =	sdelay $0x7  }
0x23: {  	[tilespmem:v2+s15+$0x0] =	vst.idx.add.f32.msk $0xffff, v1  }
0x24: {  	v2 =	vld [tilespmem:s22+$0x10];
	_ =	sdelay $0x7  }
0x25: {  	[tilespmem:v2+s14+$0x0] =	vst.idx.add.f32.msk $0xffff, v1  }
0x26: {  	v2 =	vld [tilespmem:s22+$0x2810];
	_ =	sdelay $0x7  }
0x27: {  	[tilespmem:v2+s15+$0x0] =	vst.idx.add.f32.msk $0xffff, v1  }
0x28: {  	v2 =	vld [tilespmem:s22+$0x20];
	_ =	sdelay $0x7  }
0x29: {  	[tilespmem:v2+s14+$0x0] =	vst.idx.add.f32.msk $0xffff, v1  }
0x2a: {  	v2 =	vld [tilespmem:s22+$0x2820];
	_ =	sdelay $0x7  }
0x2b: {  	[tilespmem:v2+s15+$0x0] =	vst.idx.add.f32.msk $0xffff, v1  }
0x2c: {  	v2 =	vld [tilespmem:s22+$0x30];
	_ =	sdelay $0x7  }
0x2d: {  	[tilespmem:v2+s14+$0x0] =	vst.idx.add.f32.msk $0xffff, v1  }
0x2e: {  	v2 =	vld [tilespmem:s22+$0x2830];
	_ =	sdelay $0x7  }
0x2f: {  	[tilespmem:v2+s15+$0x0] =	vst.idx.add.f32.msk $0xffff, v1  }
0x30: {  	v2 =	vld [tilespmem:s22+$0x40];
	_ =	sdelay $0x7  }
0x31: {  	[tilespmem:v2+s14+$0x0] =	vst.idx.add.f32.msk $0xffff, v1  }
0x32: {  	v2 =	vld [tilespmem:s22+$0x2840];
	_ =	sdelay $0x7  }
0x33: {  	[tilespmem:v2+s15+$0x0] =	vst.idx.add.f32.msk $0xffff, v1  }
0x34: {  	v2 =	vld [tilespmem:s22+$0x50];
	_ =	sdelay $0x7  }
0x35: {  	[tilespmem:v2+s14+$0x0] =	vst.idx.add.f32.msk $0xffff, v1  }
0x36: {  	v2 =	vld [tilespmem:s22+$0x2850];
	_ =	sdelay $0x7  }
0x37: {  	[tilespmem:v2+s15+$0x0] =	vst.idx.add.f32.msk $0xffff, v1  }
0x38: {  	v2 =	vld [tilespmem:s22+$0x60];
	_ =	sdelay $0x7  }
0x39: {  	[tilespmem:v2+s14+$0x0] =	vst.idx.add.f32.msk $0xffff, v1  }
0x3a: {  	v2 =	vld [tilespmem:s22+$0x2860];
	_ =	sdelay $0x7  }
0x3b: {  	[tilespmem:v2+s15+$0x0] =	vst.idx.add.f32.msk $0xffff, v1  }
0x3c: {  	v2 =	vld [tilespmem:s22+$0x70];
	_ =	sdelay $0x7  }
0x3d: {  	[tilespmem:v2+s14+$0x0] =	vst.idx.add.f32.msk $0xffff, v1  }
0x3e: {  	v2 =	vld [tilespmem:s22+$0x2870];
	_ =	sdelay $0x2  }
0x3f: {  	p0 =	sne.s32 s21, $0x9E00  }
.Ltmp1:
0x40: {  	_ = 	snop;
	(pc) =	sbr.rel @p0 .LBB2_4-.Ltmp1, $2  }
0x41: {  	_ =	sdelay $0x2  }
0x42: {  	s21 =	sadd.s32 $0x200, s21;
	[tilespmem:v2+s15+$0x0] =	vst.idx.add.f32.msk $0xffff, v1  }
0x43: {  	[spmem:s5] =	stream.linear.scatter [tilespmem:s14], [sflag:$0x2], $0x2800, $0x38;
	[tilespmem:$0x11A80] =	vst v63  }
0x44: {  	_ =	swait.ge [sflag:s12], $0x2800  }
0x45: {  	[sflag:s12] =	ssyncset.done $0x0  }
0x46: {  	[sflag:s12] =	ssyncadd.s32 $0xFFFFD800  }
0x47: {  	[spmem:s6] =	stream.linear.scatter [tilespmem:s15], [sflag:$0x2], $0x2800, $0x38;
	[tilespmem:$0x11A80] =	vst v63  }
0x48: {  	_ =	swait.ge [sflag:s12], $0x2800  }
0x49: {  	[sflag:s12] =	ssyncset.done $0x0  }
0x4a: {  	[sflag:s12] =	ssyncadd.s32 $0xFFFFD800  }
0x4b: {  	[bflag:$0x0] =	sbarrier.arrive $0xFFFF  }
0x4c: {  	[tilespmem:s17], [sflag:$0x1] =	stream.strided.gather [spmem:s7], $0x2800, s14, s16, $0x38;
	[tilespmem:$0x11A80] =	vst v63  }
0x4d: {  	_ =	swait.ge [sflag:s18], $0x2800  }
0x4e: {  	[sflag:s18] =	ssyncset.done $0x0  }
0x4f: {  	s22 =	simm.s32 $0x0;
	[sflag:s18] =	ssyncadd.s32 $0xFFFFD800  }
0x50: {  	v2 =	vld [tilespmem:s22+$0xA000]  }
0x51: {  	v3 =	vld [tilespmem:s22+$0xA280];
	_ =	sdelay $0x1  }
0x52: {  	v4 =	vld [tilespmem:s22+$0xA500];
	_ =	sdelay $0x1  }
0x53: {  	v5 =	vld [tilespmem:s22+$0xA780]  }
0x54: {  	v2 =	vadd.f32 v3, v2  }
0x55: {  	v3 =	vld [tilespmem:s22+$0xAA00]  }
0x56: {  	v2 =	vadd.f32 v4, v2  }
0x57: {  	v4 =	vld [tilespmem:s22+$0xAC80]  }
0x58: {  	v2 =	vadd.f32 v5, v2  }
0x59: {  	v5 =	vld [tilespmem:s22+$0xAF00]  }
0x5a: {  	v2 =	vadd.f32 v3, v2  }
0x5b: {  	v3 =	vld [tilespmem:s22+$0xB180]  }
0x5c: {  	s21 =	simm.s32 $0x10;
	v6 =	vld [tilespmem:s22+$0xB400];
	v2 =	vadd.f32 v4, v2  }
0x5d: {  	v7 =	vld [tilespmem:s21+$0xA000]  }
0x5e: {  	v4 =	vld [tilespmem:s22+$0xB680];
	v2 =	vadd.f32 v5, v2  }
0x5f: {  	v5 =	vld [tilespmem:s21+$0xA280]  }
0x60: {  	v8 =	vld [tilespmem:s21+$0xA500];
	v2 =	vadd.f32 v3, v2  }
0x61: {  	v3 =	vld [tilespmem:s22+$0xB900]  }
0x62: {  	v9 =	vld [tilespmem:s21+$0xA780];
	v2 =	vadd.f32 v6, v2  }
0x63: {  	v6 =	vld [tilespmem:s22+$0xBB80]  }
0x64: {  	v5 =	vadd.f32 v5, v7;
	v7 =	vld [tilespmem:s21+$0xAA00];
	v2 =	vadd.f32 v4, v2  }
0x65: {  	v4 =	vld [tilespmem:s22+$0xBE00]  }
0x66: {  	v5 =	vadd.f32 v8, v5;
	v8 =	vld [tilespmem:s21+$0xAC80];
	v2 =	vadd.f32 v3, v2  }
0x67: {  	v3 =	vld [tilespmem:s22+$0xC080]  }
0x68: {  	v10 =	vld [tilespmem:s21+$0xAF00];
	v5 =	vadd.f32 v9, v5;
	v2 =	vadd.f32 v6, v2  }
0x69: {  	v9 =	vld [tilespmem:s22+$0xC300]  }
0x6a: {  	v6 =	vadd.f32 v7, v5;
	v5 =	vld [tilespmem:s21+$0xB180];
	v7 =	vadd.f32 v4, v2  }
0x6b: {  	v4 =	vld [tilespmem:s22+$0xC580]  }
0x6c: {  	v2 =	vld [tilespmem:s21+$0xB680];
	v8 =	vadd.f32 v8, v6;
	v11 =	vadd.f32 v3, v7  }
0x6d: {  	s23 =	simm.s32 $0x20;
	v6 =	vld [tilespmem:s21+$0xB400]  }
0x6e: {  	s24 =	simm.s32 $0xC0;
	v3 =	vld [tilespmem:s23+$0xA000];
	v7 =	vadd.f32 v10, v8;
	v8 =	vadd.f32 v9, v11  }
.LBB2_6:
0x6f: {  	p0 =	sne.s32 s24, $0x9C0;
	v9 =	vld [tilespmem:s23+$0xA280]  }
0x70: {  	v5 =	vadd.f32 v5, v7;
	v7 =	vld [tilespmem:s21+$0xB900];
	v4 =	vadd.f32 v4, v8  }
0x71: {  	v8 =	vld [tilespmem:s23+$0xA500]  }
0x72: {  	v5 =	vadd.f32 v6, v5;
	v6 =	vld [tilespmem:s21+$0xBB80];
	[tilespmem:s22+$0xC800] =	vst v4;
	s22 =	smov.u32 s21;
	s21 =	smov.u32 s23  }
0x73: {  	v4 =	vld [tilespmem:s21+$0xA780]  }
0x74: {  	v3 =	vadd.f32 v9, v3;
	v2 =	vadd.f32 v2, v5;
	v5 =	vld [tilespmem:s22+$0xBE00]  }
0x75: {  	v9 =	vld [tilespmem:s21+$0xAA00]  }
0x76: {  	v3 =	vadd.f32 v8, v3;
	v2 =	vadd.f32 v7, v2;
	v7 =	vld [tilespmem:s22+$0xC080]  }
0x77: {  	v8 =	vld [tilespmem:s21+$0xAC80]  }
0x78: {  	v3 =	vadd.f32 v4, v3;
	v2 =	vadd.f32 v6, v2;
	v10 =	vld [tilespmem:s22+$0xC300]  }
0x79: {  	v11 =	vld [tilespmem:s21+$0xAF00]  }
.Ltmp2:
0x7a: {  	v3 =	vadd.f32 v9, v3;
	v6 =	vadd.f32 v5, v2;
	v4 =	vld [tilespmem:s22+$0xC580];
	(pc) =	sbr.rel @p0 .LBB2_6-.Ltmp2, $4  }
0x7b: {  	v5 =	vld [tilespmem:s21+$0xB180]  }
0x7c: {  	v8 =	vadd.f32 v8, v3;
	v2 =	vld [tilespmem:s21+$0xB680];
	v9 =	vadd.f32 v7, v6  }
0x7d: {  	s23 =	sshra.s32 s24, $0x2;
	v6 =	vld [tilespmem:s21+$0xB400]  }
0x7e: {  	s24 =	sadd.s32 $0x40, s24;
	v3 =	vld [tilespmem:s23+$0xA000];
	v7 =	vadd.f32 v11, v8;
	v8 =	vadd.f32 v10, v9  }
0x7f: {  	v9 =	vld [tilespmem:s23+$0xA280]  }
0x80: {  	v10 =	vld [tilespmem:s21+$0xB900];
	v4 =	vadd.f32 v4, v8  }
0x81: {  	v8 =	vld [tilespmem:s23+$0xA500]  }
0x82: {  	v11 =	vld [tilespmem:s21+$0xBB80];
	v5 =	vadd.f32 v5, v7;
	[tilespmem:s22+$0xC800] =	vst v4  }
0x83: {  	v4 =	vld [tilespmem:s23+$0xA780]  }
0x84: {  	v5 =	vadd.f32 v6, v5;
	v3 =	vadd.f32 v9, v3  }
0x85: {  	v6 =	vld [tilespmem:s23+$0xAA00]  }
0x86: {  	v7 =	vld [tilespmem:s23+$0xAC80];
	v2 =	vadd.f32 v2, v5;
	v3 =	vadd.f32 v8, v3  }
0x87: {  	v5 =	vld [tilespmem:s21+$0xBE00]  }
0x88: {  	v2 =	vadd.f32 v10, v2;
	v8 =	vld [tilespmem:s21+$0xC080];
	v3 =	vadd.f32 v4, v3  }
0x89: {  	v4 =	vld [tilespmem:s23+$0xAF00]  }
0x8a: {  	v9 =	vld [tilespmem:s21+$0xC300];
	v2 =	vadd.f32 v11, v2;
	v3 =	vadd.f32 v6, v3  }
0x8b: {  	v6 =	vld [tilespmem:s23+$0xB180]  }
0x8c: {  	v2 =	vadd.f32 v5, v2;
	v5 =	vld [tilespmem:s21+$0xC580];
	v3 =	vadd.f32 v7, v3  }
0x8d: {  	v7 =	vld [tilespmem:s23+$0xB400]  }
0x8e: {  	v2 =	vadd.f32 v8, v2;
	v3 =	vadd.f32 v4, v3  }
0x8f: {  	v4 =	vld [tilespmem:s23+$0xB680]  }
0x90: {  	v2 =	vadd.f32 v9, v2;
	v3 =	vadd.f32 v6, v3  }
0x91: {  	v6 =	vld [tilespmem:s23+$0xB900]  }
0x92: {  	v2 =	vadd.f32 v5, v2;
	v3 =	vadd.f32 v7, v3  }
0x93: {  	v5 =	vld [tilespmem:s23+$0xBB80]  }
0x94: {  	[tilespmem:s21+$0xC800] =	vst v2;
	v2 =	vadd.f32 v4, v3  }
0x95: {  	v3 =	vld [tilespmem:s23+$0xBE00]  }
0x96: {  	v2 =	vadd.f32 v6, v2  }
0x97: {  	v4 =	vld [tilespmem:s23+$0xC080]  }
0x98: {  	v2 =	vadd.f32 v5, v2  }
0x99: {  	v5 =	vld [tilespmem:s23+$0xC300]  }
0x9a: {  	v2 =	vadd.f32 v3, v2  }
0x9b: {  	v3 =	vld [tilespmem:s23+$0xC580]  }
0x9c: {  	v2 =	vadd.f32 v4, v2;
	_ =	sdelay $0x1  }
0x9d: {  	v2 =	vadd.f32 v5, v2;
	_ =	sdelay $0x1  }
0x9e: {  	v2 =	vadd.f32 v3, v2;
	_ =	sdelay $0x1  }
0x9f: {  	s31 =	simm.s32 $0x0;
	[tilespmem:s23+$0xC800] =	vst v2  }
0xa0: {  	[hbm4b:s8+s31] =	stream.linear.scatter [tilespmem:s19], [sflag:$0x2], $0x280, $0x38;
	[tilespmem:$0x11A80] =	vst v63  }
0xa1: {  	_ =	swait.ge [sflag:s12], $0x280  }
0xa2: {  	[sflag:s12] =	ssyncset.done $0x0  }
0xa3: {  	[sflag:s12] =	ssyncadd.s32 $0xFFFFFD80  }
0xa4: {  	[tilespmem:s17], [sflag:$0x1] =	stream.strided.gather [spmem:s9], $0x2800, s14, s16, $0x38;
	[tilespmem:$0x11A80] =	vst v63  }
0xa5: {  	_ =	swait.ge [sflag:s18], $0x2800  }
0xa6: {  	[sflag:s18] =	ssyncset.done $0x0  }
0xa7: {  	s22 =	simm.s32 $0x0;
	[sflag:s18] =	ssyncadd.s32 $0xFFFFD800  }
0xa8: {  	v2 =	vld [tilespmem:s22+$0xA000]  }
0xa9: {  	v3 =	vld [tilespmem:s22+$0xA280];
	_ =	sdelay $0x1  }
0xaa: {  	v4 =	vld [tilespmem:s22+$0xA500];
	_ =	sdelay $0x1  }
0xab: {  	v5 =	vld [tilespmem:s22+$0xA780]  }
0xac: {  	v2 =	vadd.f32 v3, v2  }
0xad: {  	v3 =	vld [tilespmem:s22+$0xAA00]  }
0xae: {  	v2 =	vadd.f32 v4, v2  }
0xaf: {  	v4 =	vld [tilespmem:s22+$0xAC80]  }
0xb0: {  	v2 =	vadd.f32 v5, v2  }
0xb1: {  	v5 =	vld [tilespmem:s22+$0xAF00]  }
0xb2: {  	v2 =	vadd.f32 v3, v2  }
0xb3: {  	v3 =	vld [tilespmem:s22+$0xB180]  }
0xb4: {  	s21 =	simm.s32 $0x10;
	v6 =	vld [tilespmem:s22+$0xB400];
	v2 =	vadd.f32 v4, v2  }
0xb5: {  	v7 =	vld [tilespmem:s21+$0xA000]  }
0xb6: {  	v4 =	vld [tilespmem:s22+$0xB680];
	v2 =	vadd.f32 v5, v2  }
0xb7: {  	v5 =	vld [tilespmem:s21+$0xA280]  }
0xb8: {  	v8 =	vld [tilespmem:s21+$0xA500];
	v2 =	vadd.f32 v3, v2  }
0xb9: {  	v3 =	vld [tilespmem:s22+$0xB900]  }
0xba: {  	v9 =	vld [tilespmem:s21+$0xA780];
	v2 =	vadd.f32 v6, v2  }
0xbb: {  	v6 =	vld [tilespmem:s22+$0xBB80]  }
0xbc: {  	v5 =	vadd.f32 v5, v7;
	v7 =	vld [tilespmem:s21+$0xAA00];
	v2 =	vadd.f32 v4, v2  }
0xbd: {  	v4 =	vld [tilespmem:s22+$0xBE00]  }
0xbe: {  	v5 =	vadd.f32 v8, v5;
	v8 =	vld [tilespmem:s21+$0xAC80];
	v2 =	vadd.f32 v3, v2  }
0xbf: {  	v3 =	vld [tilespmem:s22+$0xC080]  }
0xc0: {  	v10 =	vld [tilespmem:s21+$0xAF00];
	v5 =	vadd.f32 v9, v5;
	v2 =	vadd.f32 v6, v2  }
0xc1: {  	v9 =	vld [tilespmem:s22+$0xC300]  }
0xc2: {  	v6 =	vadd.f32 v7, v5;
	v5 =	vld [tilespmem:s21+$0xB180];
	v7 =	vadd.f32 v4, v2  }
0xc3: {  	v4 =	vld [tilespmem:s22+$0xC580]  }
0xc4: {  	v2 =	vld [tilespmem:s21+$0xB680];
	v8 =	vadd.f32 v8, v6;
	v11 =	vadd.f32 v3, v7  }
0xc5: {  	s23 =	simm.s32 $0x20;
	v6 =	vld [tilespmem:s21+$0xB400]  }
0xc6: {  	s24 =	simm.s32 $0xC0;
	v3 =	vld [tilespmem:s23+$0xA000];
	v7 =	vadd.f32 v10, v8;
	v8 =	vadd.f32 v9, v11  }
.LBB2_8:
0xc7: {  	p0 =	sne.s32 s24, $0x9C0;
	v9 =	vld [tilespmem:s23+$0xA280]  }
0xc8: {  	v5 =	vadd.f32 v5, v7;
	v7 =	vld [tilespmem:s21+$0xB900];
	v4 =	vadd.f32 v4, v8  }
0xc9: {  	v8 =	vld [tilespmem:s23+$0xA500]  }
0xca: {  	v5 =	vadd.f32 v6, v5;
	v6 =	vld [tilespmem:s21+$0xBB80];
	[tilespmem:s22+$0xC800] =	vst v4;
	s22 =	smov.u32 s21;
	s21 =	smov.u32 s23  }
0xcb: {  	v4 =	vld [tilespmem:s21+$0xA780]  }
0xcc: {  	v3 =	vadd.f32 v9, v3;
	v2 =	vadd.f32 v2, v5;
	v5 =	vld [tilespmem:s22+$0xBE00]  }
0xcd: {  	v9 =	vld [tilespmem:s21+$0xAA00]  }
0xce: {  	v3 =	vadd.f32 v8, v3;
	v2 =	vadd.f32 v7, v2;
	v7 =	vld [tilespmem:s22+$0xC080]  }
0xcf: {  	v8 =	vld [tilespmem:s21+$0xAC80]  }
0xd0: {  	v3 =	vadd.f32 v4, v3;
	v2 =	vadd.f32 v6, v2;
	v10 =	vld [tilespmem:s22+$0xC300]  }
0xd1: {  	v11 =	vld [tilespmem:s21+$0xAF00]  }
.Ltmp3:
0xd2: {  	v3 =	vadd.f32 v9, v3;
	v6 =	vadd.f32 v5, v2;
	v4 =	vld [tilespmem:s22+$0xC580];
	(pc) =	sbr.rel @p0 .LBB2_8-.Ltmp3, $4  }
0xd3: {  	v5 =	vld [tilespmem:s21+$0xB180]  }
0xd4: {  	v8 =	vadd.f32 v8, v3;
	v2 =	vld [tilespmem:s21+$0xB680];
	v9 =	vadd.f32 v7, v6  }
0xd5: {  	s23 =	sshra.s32 s24, $0x2;
	v6 =	vld [tilespmem:s21+$0xB400]  }
0xd6: {  	s24 =	sadd.s32 $0x40, s24;
	v3 =	vld [tilespmem:s23+$0xA000];
	v7 =	vadd.f32 v11, v8;
	v8 =	vadd.f32 v10, v9  }
0xd7: {  	v9 =	vld [tilespmem:s23+$0xA280]  }
0xd8: {  	v10 =	vld [tilespmem:s21+$0xB900];
	v4 =	vadd.f32 v4, v8  }
0xd9: {  	v49 =	vld [tilespmem:s23+$0xA500]  }
0xda: {  	v11 =	vld [tilespmem:s21+$0xBB80];
	v5 =	vadd.f32 v5, v7;
	[tilespmem:s22+$0xC800] =	vst v4  }
0xdb: {  	v4 =	vld [tilespmem:s23+$0xA780]  }
0xdc: {  	v5 =	vadd.f32 v6, v5;
	v3 =	vadd.f32 v9, v3  }
0xdd: {  	v50 =	vld [tilespmem:s23+$0xAA00]  }
0xde: {  	v51 =	vld [tilespmem:s21+$0xBE00];
	v2 =	vadd.f32 v2, v5;
	v3 =	vadd.f32 v49, v3  }
0xdf: {  	v52 =	vld [tilespmem:s23+$0xAC80]  }
0xe0: {  	v53 =	vld [tilespmem:s21+$0xC080];
	v2 =	vadd.f32 v10, v2;
	v3 =	vadd.f32 v4, v3  }
0xe1: {  	v54 =	vld [tilespmem:s23+$0xAF00]  }
0xe2: {  	v55 =	vld [tilespmem:s21+$0xC300];
	v2 =	vadd.f32 v11, v2;
	v3 =	vadd.f32 v50, v3  }
0xe3: {  	v56 =	vld [tilespmem:s23+$0xB180]  }
0xe4: {  	v57 =	vld [tilespmem:s21+$0xC580];
	v2 =	vadd.f32 v51, v2;
	v3 =	vadd.f32 v52, v3  }
0xe5: {  	v58 =	vld [tilespmem:s23+$0xB400]  }
0xe6: {  	v2 =	vadd.f32 v53, v2;
	v3 =	vadd.f32 v54, v3  }
0xe7: {  	v59 =	vld [tilespmem:s23+$0xB680]  }
0xe8: {  	v2 =	vadd.f32 v55, v2;
	v3 =	vadd.f32 v56, v3  }
0xe9: {  	v60 =	vld [tilespmem:s23+$0xB900]  }
0xea: {  	v2 =	vadd.f32 v57, v2;
	v3 =	vadd.f32 v58, v3  }
0xeb: {  	v61 =	vld [tilespmem:s23+$0xBB80]  }
0xec: {  	[tilespmem:s21+$0xC800] =	vst v2;
	v2 =	vadd.f32 v59, v3  }
0xed: {  	v3 =	vld [tilespmem:s23+$0xBE00]  }
0xee: {  	v2 =	vadd.f32 v60, v2  }
0xef: {  	v62 =	vld [tilespmem:s23+$0xC080]  }
0xf0: {  	v2 =	vadd.f32 v61, v2  }
0xf1: {  	v63 =	vld [tilespmem:s23+$0xC300]  }
0xf2: {  	v2 =	vadd.f32 v3, v2  }
0xf3: {  	v3 =	vld [tilespmem:s23+$0xC580]  }
0xf4: {  	v2 =	vadd.f32 v62, v2;
	_ =	sdelay $0x1  }
0xf5: {  	v2 =	vadd.f32 v63, v2;
	_ =	sdelay $0x1  }
0xf6: {  	s20 =	sadd.s32 $0x1, s20;
	v2 =	vadd.f32 v3, v2  }
0xf7: {  	p0 =	sne.s32 s20, s11  }
.Ltmp4:
0xf8: {  	[tilespmem:s23+$0xC800] =	vst v2;
	(pc) =	sbr.rel @p0 .LBB2_1-.Ltmp4, $4  }
0xf9: {  	[hbm4b:s10+s2] =	stream.linear.scatter [tilespmem:s19], [sflag:$0x2], $0x280, $0x38;
	[tilespmem:$0x11A80] =	vst v63  }
0xfa: {  	_ =	swait.ge [sflag:s12], $0x280  }
0xfb: {  	[sflag:s12] =	ssyncset.done $0x0  }
0xfc: {  	[sflag:s12] =	ssyncadd.s32 $0xFFFFFD80  }
0xfd: {  	_ =	sfence.sel $0x180000  }
0xfe: {  	[bflag:$0x0] =	sbarrier.arrive $0xFFFF  }
0xff: {  	p0 =	sne.s32 s0, $0x0;
	_ =	strace $0x90000047  }
0x100: {  	s0 =	sadd.s32 @!p0 $0x100000, s1;
	[bflag:$0x2] =	sbarrier.arrive $0xFFFF  }
0x101: {  	[sflag:s0] =	ssyncadd.tile.s32 @!p0 $0x1;
	_ =	shalt  }
.Lfunc_end2:
_tile_overlayer_lowered:
.L_overlay_start_2:
0x102: {  	(tag) =	ssettag $0x2  }
0x103: {  	s0 =	rddreg [dreg:$0x0];
	s2 =	stileid.u32  }
0x104: {  	s1 =	rddreg [dreg:$0x1];
	p0 =	sne.s32 s2, $0x0  }
0x105: {  	s3 =	rddreg [dreg:$0x2];
	[bflag:$0x3] =	sbarrier.arrive $0xFFFF;
	s2 =	simm.s32 @!p0 $0x1C02  }
0x106: {  	[timem:s3], [sflag:s2] =	dma.local @!p0 [hbm:s0], s1  }
0x107: {  	s0 =	simm.s32 @!p0 $0x2  }
0x108: {  	_ =	swait.ge @!p0 [sflag:s0], s1  }
0x109: {  	s1 =	ssub.s32 @!p0 $0x0, s1;
	[sflag:s0] =	ssyncset.done @!p0 $0x0  }
0x10a: {  	[sflag:s0] =	ssyncadd.s32 @!p0 s1  }
0x10b: {  	[bflag:$0x3] =	sbarrier.arrive $0xFFFF  }
0x10c: {  	_ =	shalt  }

// kernel: kernel.9.cloned.1.call-start
scs
__scs_entry_jumppad:
0x0: {  	(pc) =	sbr.rel $0x88, $3  }
0x1: {  	(tag) =	ssettag $0x0;
	lr =	simm.s32 $0x1  }
0x2: {  	[smem:$0x3F9F] =	sst lr;
	_ =	strace $0xD0000000  }
0x3: {  	_ = 	snop  }
0x4: {  	_ = 	snop  }
0x5: {  	_ = 	snop  }
0x6: {  	_ = 	snop  }
0x7: {  	_ = 	snop  }
__scs_overlays_trampoline_lowered:
0x8: {  	[smem:$0x3FAE] =	sst s0  }
0x9: {  	[smem:$0x3FAF] =	sst s1  }
0xa: {  	[smem:$0x3FB0] =	sst s2  }
0xb: {  	[smem:$0x3FB1] =	sst s3  }
0xc: {  	[smem:$0x3FB2] =	sst s4  }
0xd: {  	[smem:$0x3FB3] =	sst s5  }
0xe: {  	[smem:$0x3FB4] =	sst s6  }
0xf: {  	[smem:$0x3FB5] =	sst s7  }
0x10: {  	[smem:$0x3FB6] =	sst s8  }
0x11: {  	[smem:$0x3FB7] =	sst s9;
	s0 =	simm.s32 @!p0 $0x0  }
0x12: {  	s1 =	sld [smem:$0x3F9D];
	s0 =	simm.s32 @p0 $0x1  }
0x13: {  	[smem:$0x3FB8] =	sst s0;
	s0 =	simm.s32 @!p1 $0x0  }
0x14: {  	s2 =	sld [smem:$0x3F9C];
	s0 =	simm.s32 @p1 $0x1  }
0x15: {  	[smem:$0x3FB9] =	sst s0;
	s0 =	simm.s32 @!p2 $0x0  }
0x16: {  	s3 =	sld [smem:$0x3FDB];
	s0 =	simm.s32 @p2 $0x1  }
0x17: {  	s4 =	simm.s32 $0x1BF5;
	[smem:$0x3FBB] =	sst s0  }
0x18: {  	s0 =	sld [smem:$0x3F9E];
	_ =	swait.ge [sflag:s4], $0x0  }
0x19: {  	s7 =	sld [smem:$0x3F9F]  }
0x1a: {  	s8 =	sadd.s32 $0xFFFFE003, lr  }
0x1b: {  	s9 =	sadd.s32 $0xFFFFFEF7, lr;
	s5 =	simm.s32 $0xFFFFFFFF;
	p2 =	slt.u32 s8, $0xFFFFF086  }
0x1c: {  	p1 =	slt.u32 s9, $0xF7A;
	s5 =	simm.s32 @!p2 $0x0  }
0x1d: {  	s5 =	simm.s32 @p1 $0x1;
	p0 =	seq.s32 s7, s2  }
0x1e: {  	s7 =	smul.u32 @!p0 $0xF7A, s2;
	p2 =	seq.s32 @!p0 s5, $0x0  }
0x1f: {  	s9 =	smul.u32 $0xF7A, s1;
	s8 =	simm.s32 @!p0 $0x1BF5;
	p2 =	por !p2, p0  }
0x20: {  	[sflag:s8] =	ssyncset.s32 @!p0 $0xFFFFF086;
	s6 =	sadd.s32 @!p0 s3, s7;
	s7 =	simm.s32 @!p0 $0x108  }
0x21: {  	s3 =	sadd.s32 s3, s9;
	s6 =	sadd.s32 @!p0 $0x88, s6;
	s7 =	simm.s32 @p2 $0x1082  }
0x22: {  	[simem:s7], [sflag:s8] =	dma.local @!p0 [hbm:s6], $0xF7A  }
0x23: {  	s9 =	sor.u32 $0xD0000000, s2;
	s6 =	simm.s32 $0x108;
	_ =	swait.ge @!p0 [sflag:s8], $0x0  }
0x24: {  	s3 =	sadd.s32 $0x88, s3;
	s6 =	simm.s32 @!p1 $0x1082;
	[sflag:s4] =	ssyncset.s32 $0xFFFFF086  }
0x25: {  	[simem:s6], [sflag:s4] =	dma.local [hbm:s3], $0xF7A  }
0x26: {  	[smem:$0x3F9F] =	sst s1;
	(tag) =	ssettag s2;
	_ =	strace s9  }
0x27: {  	s1 =	sld [smem:$0x3FAF]  }
0x28: {  	s2 =	sld [smem:$0x3FB0]  }
0x29: {  	s4 =	sld [smem:$0x3FB2]  }
0x2a: {  	p0 =	seq.s32 s5, $0x0;
	s5 =	sld [smem:$0x3FB3]  }
0x2b: {  	s6 =	sld [smem:$0x3FB4]  }
0x2c: {  	s7 =	sld [smem:$0x3FB5]  }
0x2d: {  	s3 =	simm.s32 $0x108;
	s8 =	sld [smem:$0x3FB6]  }
0x2e: {  	s3 =	simm.s32 @!p0 $0x1082;
	s9 =	sld [smem:$0x3FB7]  }
0x2f: {  	lr =	sadd.s32 s0, s3;
	s0 =	sld [smem:$0x3FAE]  }
0x30: {  	s3 =	sld [smem:$0x3FB1]  }
0x31: {  	[smem:$0x3FBA] =	sst s10  }
0x32: {  	s10 =	sld [smem:$0x3FB8];
	_ =	sdelay $0x3  }
0x33: {  	p0 =	seq.s32 s10, $0x1;
	s10 =	sld [smem:$0x3FBA];
	_ =	sdelay $0x3  }
0x34: {  	[smem:$0x3FBA] =	sst s10  }
0x35: {  	s10 =	sld [smem:$0x3FB9];
	_ =	sdelay $0x3  }
0x36: {  	p1 =	seq.s32 s10, $0x1;
	s10 =	sld [smem:$0x3FBA];
	_ =	sdelay $0x3  }
0x37: {  	[smem:$0x3FBA] =	sst s10  }
0x38: {  	s10 =	sld [smem:$0x3FBB]  }
0x39: {  	_ = 	snop;
	(pc) =	sbr.ind lr, $3  }
0x3a: {  	_ = 	snop  }
0x3b: {  	_ = 	snop  }
0x3c: {  	p2 =	seq.s32 s10, $0x1;
	s10 =	sld [smem:$0x3FBA]  }
0x3d: {  	_ =	shalt  }
0x3e: {  	_ =	shalt  }
0x3f: {  	_ =	shalt  }
0x40: {  	_ =	shalt  }
0x41: {  	_ =	shalt  }
0x42: {  	_ =	shalt  }
0x43: {  	_ =	shalt  }
0x44: {  	_ =	shalt  }
0x45: {  	_ =	shalt  }
0x46: {  	_ =	shalt  }
0x47: {  	_ =	shalt  }
0x48: {  	_ =	shalt  }
0x49: {  	_ =	shalt  }
0x4a: {  	_ =	shalt  }
0x4b: {  	_ =	shalt  }
0x4c: {  	_ =	shalt  }
0x4d: {  	_ =	shalt  }
0x4e: {  	_ =	shalt  }
0x4f: {  	_ =	shalt  }
0x50: {  	_ =	shalt  }
0x51: {  	_ =	shalt  }
0x52: {  	_ =	shalt  }
0x53: {  	_ =	shalt  }
0x54: {  	_ =	shalt  }
0x55: {  	_ =	shalt  }
0x56: {  	_ =	shalt  }
0x57: {  	_ =	shalt  }
0x58: {  	_ =	shalt  }
0x59: {  	_ =	shalt  }
0x5a: {  	_ =	shalt  }
0x5b: {  	_ =	shalt  }
0x5c: {  	_ =	shalt  }
0x5d: {  	_ =	shalt  }
0x5e: {  	_ =	shalt  }
0x5f: {  	_ =	shalt  }
0x60: {  	_ =	shalt  }
0x61: {  	_ =	shalt  }
0x62: {  	_ =	shalt  }
0x63: {  	_ =	shalt  }
0x64: {  	_ =	shalt  }
0x65: {  	_ =	shalt  }
0x66: {  	_ =	shalt  }
0x67: {  	_ =	shalt  }
0x68: {  	_ =	shalt  }
0x69: {  	_ =	shalt  }
0x6a: {  	_ =	shalt  }
0x6b: {  	_ =	shalt  }
0x6c: {  	_ =	shalt  }
0x6d: {  	_ =	shalt  }
0x6e: {  	_ =	shalt  }
0x6f: {  	_ =	shalt  }
0x70: {  	_ =	shalt  }
0x71: {  	_ =	shalt  }
0x72: {  	_ =	shalt  }
0x73: {  	_ =	shalt  }
0x74: {  	_ =	shalt  }
0x75: {  	_ =	shalt  }
0x76: {  	_ =	shalt  }
0x77: {  	_ =	shalt  }
0x78: {  	_ =	shalt  }
0x79: {  	_ =	shalt  }
0x7a: {  	_ =	shalt  }
0x7b: {  	_ =	shalt  }
0x7c: {  	_ =	shalt  }
0x7d: {  	_ =	shalt  }
0x7e: {  	_ =	shalt  }
0x7f: {  	_ =	shalt  }
0x80: {  	_ =	shalt  }
0x81: {  	_ =	shalt  }
0x82: {  	_ =	shalt  }
0x83: {  	_ =	shalt  }
0x84: {  	_ =	shalt  }
0x85: {  	_ =	shalt  }
0x86: {  	_ =	shalt  }
0x87: {  	_ =	shalt  }
.Lfunc_end0:
.L_simem_size_0:
called_computation.1_lowered:
.L_overlay_start_0:
0x88: {  	s2 =	sld [smem:$0x3FD9]  }
0x89: {  	s3 =	sld [smem:$0x3FFE];
	_ =	sdelay $0x1  }
0x8a: {  	s1 =	srdreg.scid  }
0x8b: {  	s0 =	sand.u32 $0x1, s1  }
0x8c: {  	s17 =	sshll.u32 s0, $0xA;
	s2 =	sadd.s32 s3, s2  }
0x8d: {  	s2 =	sadd.s32 s2, s17  }
0x8e: {  	[smem:$0x3FC6] =	sst s2  }
0x8f: {  	_ = 	snop  }
0x90: {  	s2 =	sld [smem:$0x3FD0];
	(tm) =	ssettm $0x1  }
0x91: {  	s18 =	sld [smem:$0x3FFB];
	_ =	sdelay $0x3  }
0x92: {  	_ =	strace s18  }
0x93: {  	s3 =	sld [smem:$0x3FFC];
	_ =	sdelay $0x3  }
0x94: {  	_ =	strace s3  }
0x95: {  	s3 =	sld [smem:$0x3FFD];
	_ =	sdelay $0x3  }
0x96: {  	_ =	strace s3  }
0x97: {  	_ =	strace $0x8FFFFFFF  }
0x98: {  	s19 =	sld [smem:$0x3FDB];
	_ =	sdelay $0x1  }
0x99: {  	s4 =	simm.s32 $_scs_section_size  }
0x9a: {  	s5 =	simm.s32 $_size__tile_overlayer_lowered;
	s6 =	simm.s32 $_tile_overlayer_lowered  }
0x9b: {  	s22 =	simm.s32 $0x1BFF;
	s21 =	sshll.u32 s6, $0x1;
	s3 =	sadd.s32 s4, s19  }
0x9c: {  	s7 =	simm.s32 $0x0;
	s20 =	sshll.u32 s5, $0x1;
	s5 =	sadd.s32 s21, s3  }
0x9d: {  	[timem:s7], [sflag:s22] =	dma.local [hbm:s5], s20  }
0x9e: {  	_ =	swait.ge [sflag:s22], s20  }
0x9f: {  	s4 =	ssub.s32 $0x0, s20;
	[sflag:s22] =	ssyncset.done $0x0  }
0xa0: {  	[sflag:s22] =	ssyncadd.s32 s4;
	_ =	sdelay $0x1  }
0xa1: {  	s23 =	simm.s32 $0x1B8B  }
0xa2: {  	_ =	swait.ge [sflag:s23], $0x1  }
0xa3: {  	[sflag:s23] =	ssyncset.done $0x0  }
0xa4: {  	s25 =	simm.s32 $0x1B8E;
	s24 =	sld [smem:$0x3FFE];
	[sflag:s23] =	ssyncadd.s32 $0xFFFFFFFF  }
0xa5: {  	s26 =	simm.s32 $execute0_lowered;
	[smem:$0x3FD2] =	sst s25  }
0xa6: {  	s5 =	sshll.u32 s26, $0x1;
	_ =	strace $0x80000049;
	[dreg:$0x1] =	wrdreg $0xFFFFFFFF  }
0xa7: {  	s28 =	simm.s32 $_size_execute0_lowered;
	s3 =	sadd.s32 s3, s5;
	[dreg:$0x0] =	wrdreg $0x0  }
0xa8: {  	s5 =	sshll.u32 s28, $0x1;
	[dreg:$0x2] =	wrdreg s3  }
0xa9: {  	[dreg:$0x3] =	wrdreg s5  }
0xaa: {  	[dreg:$0x4] =	wrdreg $0xC0  }
0xab: {  	_ =	task [dreg:s7], $0x5FFFF  }
0xac: {  	[dreg:$0x1] =	wrdreg $0xFFFFFFFF  }
0xad: {  	[dreg:$0x0] =	wrdreg $0x60  }
0xae: {  	[dreg:$0x2] =	wrdreg s2  }
0xaf: {  	[dreg:$0x3] =	wrdreg s24  }
0xb0: {  	[dreg:$0x4] =	wrdreg $0x110000  }
0xb1: {  	[dreg:$0x5] =	wrdreg $0x9  }
0xb2: {  	_ =	task.clear_ibuf [dreg:s7], $0x6FFFF;
	_ =	strace $0x90000049  }
0xb3: {  	s29 =	simm.s32 $0x9;
	_ =	strace $0x8000004B  }
0xb4: {  	_ =	swait.ge [sflag:s29], $0x1  }
0xb5: {  	[sflag:s29] =	ssyncadd.s32 $0xFFFFFFFF  }
0xb6: {  	_ =	strace $0x9000004B  }
0xb7: {  	_ =	sfence  }
0xb8: {  	s30 =	sld [smem:$0x0];
	_ =	sdelay $0x2  }
0xb9: {  	s31 =	sshll.u32 s1, $0xD;
	s1 =	sshrl.u32 s1, $0x2  }
0xba: {  	s3 =	sand.u32 $0x4000, s31;
	s1 =	sadd.s32 s1, s30  }
0xbb: {  	s0 =	sor.u32 s3, s0;
	s1 =	sshll.u32 s1, $0x11  }
0xbc: {  	s0 =	sor.u32 s1, s0  }
0xbd: {  	s0 =	sadd.s32 $0x8F2B, s0  }
0xbe: {  	[sflag:s0] =	ssyncadd.remote.s32 $0x1  }
0xbf: {  	_ =	sfence.sel $0xFFFF  }
0xc0: {  	[dreg:$0x0] =	wrdreg $0xFFFFFFFF;
	(pc) =	sbr.abs _section_cstart, $3  }
0xc1: {  	[dreg:$0x1] =	wrdreg $0xFFFFFFFF  }
0xc2: {  	_ =	task.clear_ibuf [dreg:s7], $0x2FFFF;
	_ =	strace $0x9FFFFFFF  }
0xc3: {  	(tm) =	ssettm $0x7FFFFFFF  }
tec
execute0_lowered:
.L_overlay_start_1:
0x0: {  	(tag) =	ssettag $0x1  }
0x1: {  	s1 =	rddreg [dreg:$0x0]  }
0x2: {  	s0 =	rddreg [dreg:$0x1]  }
0x3: {  	s2 =	rddreg [dreg:$0x2];
	s3 =	simm.s32 $0x0;
	s15 =	srdreg.scid  }
0x4: {  	s13 =	stileid.u32;
	s28 =	simm.s32 $0x3000;
	s30 =	simm.s32 $0x5000  }
0x5: {  	s31 =	simm.s32 $0x1;
	s29 =	simm.s32 $0x7000;
	[smem:$0x7FF] =	sst s3  }
0x6: {  	s3 =	sand.u32 $0x1, s15;
	s5 =	sadd.s32 $0xAC00, s0;
	s8 =	smul.u32 $0xA000, s13  }
0x7: {  	s6 =	sadd.s32 $0xC00, s0;
	s0 =	sadd.s32 $0x64C00, s0;
	s18 =	smul.u32 $0xA00, s13  }
0x8: {  	s13 =	smul.u32 $0x5000, s13;
	_ =	strace $0x8000004A;
	s4 =	ssub.s32 $0x2, s3  }
0x9: {  	s7 =	sshrl.u32 s4, $0x1;
	s9 =	sadd.s32 s8, s2;
	s16 =	sadd.s32 $0x2000, s8  }
0xa: {  	s10 =	sadd.s32 $0x4000, s8;
	s20 =	sadd.s32 s5, s18;
	[dreg:$0x4] =	wrdreg s9  }
0xb: {  	s12 =	sadd.s32 $0x6000, s8;
	s21 =	sor.u32 $0x800, s13;
	[dreg:$0x9] =	wrdreg s20  }
0xc: {  	s14 =	sadd.s32 $0x8000, s8;
	s11 =	sadd.s32 s16, s2;
	[dreg:$0xb] =	wrdreg s21  }
0xd: {  	s4 =	ssub.s32 s4, s7;
	s17 =	sadd.s32 s10, s2;
	[dreg:$0x5] =	wrdreg s11  }
0xe: {  	s7 =	smul.u32 $0x2800, s3;
	s15 =	sadd.s32 s12, s2;
	[dreg:$0x6] =	wrdreg s17  }
0xf: {  	s3 =	smul.u32 $0xA0000, s3;
	s19 =	sadd.s32 s14, s2;
	[dreg:$0x7] =	wrdreg s15  }
0x10: {  	s21 =	simm.s32 $0x4;
	[dreg:$0x8] =	wrdreg s19;
	s11 =	sadd.s32 s6, s18  }
0x11: {  	s26 =	smax.u32 s4, $0x1;
	s4 =	simm.s32 $0x400;
	s17 =	simm.s32 $0x3  }
0x12: {  	s19 =	simm.s32 $0x5;
	s15 =	simm.s32 $0xE00;
	s8 =	sadd.s32 s8, s3  }
0x13: {  	s9 =	sadd.s32 s3, s16;
	[dreg:$0xa] =	wrdreg s11;
	s23 =	sadd.s32 s3, s10  }
0x14: {  	s24 =	sadd.s32 s3, s12;
	s3 =	sadd.s32 s3, s14;
	[dreg:$0x11] =	wrdreg s26  }
0x15: {  	s26 =	simm.s32 $0x1000;
	s12 =	simm.s32 $0x2;
	s16 =	simm.s32 $0xD000  }
0x16: {  	s11 =	simm.s32 $0xD00;
	s8 =	sshrl.u32 s8, $0x3;
	s9 =	sshrl.u32 s9, $0x3  }
0x17: {  	s3 =	sshrl.u32 s3, $0x3;
	s8 =	sadd.s32 s0, s8;
	s22 =	sadd.s32 s0, s9  }
0x18: {  	s9 =	sshrl.u32 s24, $0x3;
	s24 =	simm.s32 $0x800;
	[dreg:$0xc] =	wrdreg s8  }
0x19: {  	[dreg:$0xd] =	wrdreg s22;
	s8 =	sshrl.u32 s23, $0x3;
	s25 =	sadd.s32 s0, s9  }
0x1a: {  	s22 =	simm.s32 $0x9000;
	s23 =	simm.s32 $0x7;
	s9 =	simm.s32 $0x0  }
0x1b: {  	s8 =	sadd.s32 s0, s8;
	[dreg:$0xf] =	wrdreg s25;
	s0 =	sadd.s32 s0, s3  }
0x1c: {  	s25 =	simm.s32 $0x100;
	s3 =	simm.s32 $0xC00;
	[dreg:$0xe] =	wrdreg s8  }
0x1d: {  	v1 =	vimm.f32 $0.0e+00;
	v0 =	vmov s7;
	[dreg:$0x10] =	wrdreg s0;
	s8 =	simm.s32 $0x6;
	s0 =	simm.s32 $0xF00  }
.LBB2_1:
0x1e: {  	s20 =	simm.s32 $0x0  }
0x1f: {  	s7 =	sand.u32 $0x7F00, s20  }
0x20: {  	[dreg:$0x12] =	wrdreg s9;
	s9 =	sand.u32 $0x30, s20;
	s14 =	sshrl.u32 s7, $0x2  }
0x21: {  	s7 =	simm.s32 $0x40;
	s14 =	sor.u32 s9, s14;
	s9 =	simm.s32 $0x0  }
.LBB2_2:
0x22: {  	p0 =	sne.s32 s7, $0x7FC0  }
0x23: {  	[tilespmem:s14+$0x9000] =	vst v1;
	s9 =	sadd.s32 $0x10, s9;
	s14 =	smov.u32 s7;
	s7 =	sadd.s32 $0x40, s7  }
.Ltmp0:
0x24: {  	(pc) =	sbr.rel @p0 .LBB2_2-.Ltmp0, $4  }
0x25: {  	_ = 	snop  }
0x26: {  	s14 =	sand.u32 $0x7F00, s14  }
0x27: {  	s18 =	sand.u32 $0x30, s9;
	s14 =	sshrl.u32 s14, $0x2  }
0x28: {  	s14 =	sor.u32 s18, s14  }
0x29: {  	[tilespmem:s14+$0x9000] =	vst v1;
	s7 =	rddreg [dreg:$0x4]  }
0x2a: {  	[spmem:s7] =	stream.linear.scatter [tilespmem:s22], [sflag:$0x7], $0x2000, $0x38;
	[tilespmem:$0x1B000] =	vst v63  }
0x2b: {  	_ =	swait.ge [sflag:s23], $0x2000  }
0x2c: {  	[sflag:s23] =	ssyncset.done $0x0  }
0x2d: {  	s20 =	rddreg [dreg:$0x5];
	[sflag:s23] =	ssyncadd.s32 $0xFFFFE000  }
0x2e: {  	[spmem:s20] =	stream.linear.scatter [tilespmem:s22], [sflag:$0x7], $0x2000, $0x38;
	[tilespmem:$0x1B000] =	vst v63  }
0x2f: {  	_ =	swait.ge [sflag:s23], $0x2000  }
0x30: {  	[sflag:s23] =	ssyncset.done $0x0  }
0x31: {  	s9 =	rddreg [dreg:$0x6];
	[sflag:s23] =	ssyncadd.s32 $0xFFFFE000  }
0x32: {  	[spmem:s9] =	stream.linear.scatter [tilespmem:s22], [sflag:$0x7], $0x2000, $0x38;
	[tilespmem:$0x1B000] =	vst v63  }
0x33: {  	_ =	swait.ge [sflag:s23], $0x2000  }
0x34: {  	[sflag:s23] =	ssyncset.done $0x0  }
0x35: {  	s10 =	rddreg [dreg:$0x7];
	[sflag:s23] =	ssyncadd.s32 $0xFFFFE000  }
0x36: {  	[spmem:s10] =	stream.linear.scatter [tilespmem:s22], [sflag:$0x7], $0x2000, $0x38;
	[tilespmem:$0x1B000] =	vst v63  }
0x37: {  	_ =	swait.ge [sflag:s23], $0x2000  }
0x38: {  	[sflag:s23] =	ssyncset.done $0x0  }
0x39: {  	s14 =	rddreg [dreg:$0x8];
	[sflag:s23] =	ssyncadd.s32 $0xFFFFE000  }
0x3a: {  	[spmem:s14] =	stream.linear.scatter [tilespmem:s22], [sflag:$0x7], $0x2000, $0x38;
	[tilespmem:$0x1B000] =	vst v63  }
0x3b: {  	_ =	swait.ge [sflag:s23], $0x2000  }
0x3c: {  	[sflag:s23] =	ssyncset.done $0x0  }
0x3d: {  	[sflag:s23] =	ssyncadd.s32 $0xFFFFE000  }
0x3e: {  	[bflag:$0x0] =	sbarrier.arrive $0xFFFF  }
0x3f: {  	s18 =	simm.s32 $0x0;
	s9 =	rddreg [dreg:$0x9]  }
0x40: {  	[tilespmem:s18], [sflag:$0x7] =	stream.linear.gather [hbm4b:s9+s18], $0x400, $0x38;
	[tilespmem:$0x1B000] =	vst v63  }
0x41: {  	_ =	swait.ge [sflag:s23], $0x400  }
0x42: {  	[sflag:s23] =	ssyncset.done $0x0  }
0x43: {  	s20 =	rddreg [dreg:$0xa];
	[sflag:s23] =	ssyncadd.s32 $0xFFFFFC00  }
0x44: {  	[tilespmem:s24], [sflag:$0x7] =	stream.linear.gather [hbm4b:s20+s18], $0x400, $0x38;
	[tilespmem:$0x1B000] =	vst v63  }
0x45: {  	_ =	swait.ge [sflag:s23], $0x400  }
0x46: {  	[sflag:s23] =	ssyncset.done $0x0  }
0x47: {  	s14 =	simm.s32 $0x0;
	[sflag:s23] =	ssyncadd.s32 $0xFFFFFC00  }
0x48: {  	v2 =	vld [tilespmem:s14+$0x0]  }
0x49: {  	v3 =	vld [tilespmem:s14+$0x10]  }
0x4a: {  	v4 =	vld [tilespmem:s14+$0x20]  }
0x4b: {  	v5 =	vld [tilespmem:s14+$0x30]  }
0x4c: {  	v6 =	vld [tilespmem:s14+$0x40]  }
0x4d: {  	v7 =	vld [tilespmem:s14+$0x50];
	v2 =	vadd.s32 v0, v2  }
0x4e: {  	v8 =	vld [tilespmem:s14+$0x60];
	[tilespmem:s14+$0x0] =	vst v2;
	v2 =	vadd.s32 v0, v3  }
0x4f: {  	[tilespmem:s14+$0x10] =	vst v2;
	v2 =	vadd.s32 v0, v4;
	v4 =	vld [tilespmem:s14+$0x70]  }
0x50: {  	[tilespmem:s14+$0x20] =	vst v2;
	v2 =	vadd.s32 v0, v5;
	v5 =	vld [tilespmem:s14+$0x80]  }
0x51: {  	[tilespmem:s14+$0x30] =	vst v2;
	v2 =	vadd.s32 v0, v6;
	v6 =	vld [tilespmem:s14+$0x90]  }
0x52: {  	v3 =	vld [tilespmem:s14+$0xA0];
	[tilespmem:s14+$0x40] =	vst v2;
	v2 =	vadd.s32 v0, v7  }
0x53: {  	v7 =	vadd.s32 v0, v8;
	[tilespmem:s14+$0x50] =	vst v2;
	v2 =	vld [tilespmem:s14+$0xB0]  }
0x54: {  	[tilespmem:s14+$0x60] =	vst v7;
	v7 =	vadd.s32 v0, v4;
	v4 =	vld [tilespmem:s14+$0xC0]  }
0x55: {  	[tilespmem:s14+$0x70] =	vst v7;
	v7 =	vadd.s32 v0, v5;
	v5 =	vld [tilespmem:s14+$0xD0]  }
0x56: {  	s18 =	simm.s32 $0x400;
	[tilespmem:s14+$0x80] =	vst v7;
	v7 =	vadd.s32 v0, v6;
	v6 =	vld [tilespmem:s14+$0xE0]  }
.LBB2_4:
0x57: {  	s7 =	sshra.s32 s18, $0x2;
	p0 =	sne.s32 s18, $0xC00;
	[tilespmem:s14+$0x90] =	vst v7;
	v3 =	vadd.s32 v0, v3;
	v7 =	vld [tilespmem:s14+$0xF0]  }
0x58: {  	v8 =	vld [tilespmem:s7+$0x0];
	[tilespmem:s14+$0xA0] =	vst v3;
	v2 =	vadd.s32 v0, v2  }
0x59: {  	v3 =	vld [tilespmem:s7+$0x10];
	[tilespmem:s14+$0xB0] =	vst v2;
	v2 =	vadd.s32 v0, v4  }
0x5a: {  	v4 =	vld [tilespmem:s7+$0x20];
	[tilespmem:s14+$0xC0] =	vst v2;
	v2 =	vadd.s32 v0, v5  }
0x5b: {  	v5 =	vld [tilespmem:s7+$0x30];
	[tilespmem:s14+$0xD0] =	vst v2;
	v2 =	vadd.s32 v0, v6  }
0x5c: {  	v6 =	vld [tilespmem:s7+$0x40];
	[tilespmem:s14+$0xE0] =	vst v2;
	v2 =	vadd.s32 v0, v7  }
0x5d: {  	v7 =	vadd.s32 v0, v8;
	v8 =	vld [tilespmem:s7+$0x50];
	[tilespmem:s14+$0xF0] =	vst v2;
	s14 =	smov.u32 s7  }
0x5e: {  	[tilespmem:s14+$0x0] =	vst v7;
	v2 =	vadd.s32 v0, v3;
	v7 =	vld [tilespmem:s14+$0x60]  }
0x5f: {  	[tilespmem:s14+$0x10] =	vst v2;
	v2 =	vadd.s32 v0, v4;
	v4 =	vld [tilespmem:s14+$0x70]  }
0x60: {  	[tilespmem:s14+$0x20] =	vst v2;
	v2 =	vadd.s32 v0, v5;
	v5 =	vld [tilespmem:s14+$0x80]  }
0x61: {  	[tilespmem:s14+$0x30] =	vst v2;
	v2 =	vadd.s32 v0, v6;
	v6 =	vld [tilespmem:s14+$0x90]  }
.Ltmp1:
0x62: {  	[tilespmem:s14+$0x40] =	vst v2;
	v2 =	vadd.s32 v0, v8;
	v3 =	vld [tilespmem:s14+$0xA0];
	(pc) =	sbr.rel @p0 .LBB2_4-.Ltmp1, $4  }
0x63: {  	[tilespmem:s14+$0x50] =	vst v2;
	v7 =	vadd.s32 v0, v7;
	v2 =	vld [tilespmem:s14+$0xB0]  }
0x64: {  	[tilespmem:s14+$0x60] =	vst v7;
	v7 =	vadd.s32 v0, v4;
	v4 =	vld [tilespmem:s14+$0xC0]  }
0x65: {  	[tilespmem:s14+$0x70] =	vst v7;
	v7 =	vadd.s32 v0, v5;
	v5 =	vld [tilespmem:s14+$0xD0]  }
0x66: {  	s18 =	sadd.s32 $0x400, s18;
	[tilespmem:s14+$0x80] =	vst v7;
	v7 =	vadd.s32 v0, v6;
	v6 =	vld [tilespmem:s14+$0xE0]  }
0x67: {  	[tilespmem:s14+$0x90] =	vst v7;
	v3 =	vadd.s32 v0, v3;
	v63 =	vld [tilespmem:s14+$0xF0]  }
0x68: {  	[tilespmem:s14+$0xA0] =	vst v3;
	v2 =	vadd.s32 v0, v2  }
0x69: {  	[tilespmem:s14+$0xB0] =	vst v2;
	v2 =	vadd.s32 v0, v4  }
0x6a: {  	[tilespmem:s14+$0xC0] =	vst v2;
	v2 =	vadd.s32 v0, v5  }
0x6b: {  	[tilespmem:s14+$0xD0] =	vst v2;
	v2 =	vadd.s32 v0, v6  }
0x6c: {  	[tilespmem:s14+$0xE0] =	vst v2;
	v2 =	vadd.s32 v0, v63  }
0x6d: {  	[tilespmem:s14+$0xF0] =	vst v2;
	s14 =	simm.s32 $0x0  }
0x6e: {  	[tilespmem:s26], [sflag:$0x1] =	stream.indirect.gather [hbm4b:s1+s25], $0x20, s14, s25, $0xb8;
	[tilespmem:$0x1B000] =	vst v63  }
0x6f: {  	_ = 	snop  }
0x70: {  	[tilespmem:s28], [sflag:$0x2] =	stream.indirect.gather [hbm4b:s1+s25], $0x20, s25, s25, $0xb8;
	[tilespmem:$0x1B000] =	vst v63  }
0x71: {  	s7 =	simm.s32 $0x200  }
0x72: {  	[tilespmem:s30], [sflag:$0x3] =	stream.indirect.gather [hbm4b:s1+s25], $0x20, s7, s25, $0xb8;
	[tilespmem:$0x1B000] =	vst v63  }
.LBB2_6:
0x73: {  	_ =	swait.ge [sflag:s31], $0x2000  }
0x74: {  	[sflag:s31] =	ssyncset.done $0x0  }
0x75: {  	s7 =	simm.s32 $0x300;
	p0 =	seq.s32 s14, $0x0;
	[sflag:s31] =	ssyncadd.s32 $0xFFFFE000  }
0x76: {  	[tilespmem:s29], [sflag:$0x4] =	stream.indirect.gather [hbm4b:s1+s25], $0x20, s7, s25, $0xb8;
	[tilespmem:$0x1B000] =	vst v63  }
0x77: {  	s7 =	simm.s32 @!p0 $0x5  }
0x78: {  	_ =	swait.ge @!p0 [sflag:s7], $0x4000  }
0x79: {  	[sflag:s7] =	ssyncset.done @!p0 $0x0  }
0x7a: {  	s20 =	simm.s32 $0x0;
	[sflag:s7] =	ssyncadd.s32 @!p0 $0xFFFFC000  }
0x7b: {  	v2 =	vld [tilespmem:s20+$0x1000];
	_ =	sdelay $0x4  }
0x7c: {  	s18 =	simm.s32 $0x9020;
	v3 =	vshll.u32 v2, $0x10  }
0x7d: {  	v2 =	vand.u32 $0xFFFF0000, v2;
	[tilespmem:s18+$0xFFFFFFE0] =	vst v3  }
0x7e: {  	[tilespmem:s18+$0xFFFFFFF0] =	vst v2  }
0x7f: {  	s9 =	simm.s32 $0x80;
	s7 =	sshll.u32 s14, $0x1;
	v2 =	vld [tilespmem:s20+$0x1010];
	s20 =	simm.s32 $0x9020  }
.LBB2_7:
0x80: {  	_ =	sdelay $0x2  }
0x81: {  	p1 =	sne.s32 s9, $0x7F80  }
0x82: {  	s18 =	sadd.s32 $0x40, s18;
	s10 =	smov.u32 s9;
	s9 =	sadd.s32 $0x80, s9;
	v3 =	vshll.u32 v2, $0x10;
	v2 =	vand.u32 $0xFFFF0000, v2  }
0x83: {  	[tilespmem:s20+$0x0] =	vst v3  }
0x84: {  	s10 =	sshra.s32 s10, $0x2;
	[tilespmem:s20+$0x10] =	vst v2;
	s20 =	smov.u32 s18  }
0x85: {  	v2 =	vld [tilespmem:s10+$0x1000];
	_ =	sdelay $0x3  }
.Ltmp2:
0x86: {  	(pc) =	sbr.rel @p1 .LBB2_7-.Ltmp2, $4  }
0x87: {  	v3 =	vshll.u32 v2, $0x10;
	v2 =	vand.u32 $0xFFFF0000, v2  }
0x88: {  	[tilespmem:s18+$0xFFFFFFE0] =	vst v3  }
0x89: {  	[tilespmem:s18+$0xFFFFFFF0] =	vst v2  }
0x8a: {  	v2 =	vld [tilespmem:s10+$0x1010]  }
0x8b: {  	_ =	sdelay $0x2  }
0x8c: {  	s18 =	sor.u32 $0x1, s7  }
0x8d: {  	s7 =	sshll.u32 s18, $0xA;
	v3 =	vshll.u32 v2, $0x10  }
0x8e: {  	s7 =	sadd.s32 s13, s7;
	v2 =	vand.u32 $0xFFFF0000, v2;
	[tilespmem:s20+$0x0] =	vst v3  }
0x8f: {  	s7 =	sshrl.u32 s7, $0x3;
	[tilespmem:s20+$0x10] =	vst v2  }
0x90: {  	[spmem:s2] =	stream.indirect.scatter.add.f32 [tilespmem:s22], [sflag:$0x5], $0x40, s24, s25, $0xb8;
	[tilespmem:$0x1B000] =	vst v63  }
0x91: {  	s10 =	simm.s32 $0x0;
	s9 =	sadd.s32 s5, s7  }
0x92: {  	[tilespmem:s4], [sflag:$0x7] =	stream.linear.gather [hbm4b:s9+s10], $0x400, $0x38;
	[tilespmem:$0x1B000] =	vst v63  }
0x93: {  	_ =	swait.ge [sflag:s23], $0x400  }
0x94: {  	[sflag:s23] =	ssyncset.done $0x0  }
0x95: {  	s7 =	sadd.s32 s6, s7;
	[sflag:s23] =	ssyncadd.s32 $0xFFFFFC00  }
0x96: {  	[tilespmem:s3], [sflag:$0x7] =	stream.linear.gather [hbm4b:s7+s10], $0x400, $0x38;
	[tilespmem:$0x1B000] =	vst v63  }
0x97: {  	_ =	swait.ge [sflag:s23], $0x400  }
0x98: {  	[sflag:s23] =	ssyncset.done $0x0  }
0x99: {  	s20 =	simm.s32 $0x0;
	[sflag:s23] =	ssyncadd.s32 $0xFFFFFC00  }
0x9a: {  	v2 =	vld [tilespmem:s20+$0x400]  }
0x9b: {  	v3 =	vld [tilespmem:s20+$0x410]  }
0x9c: {  	v4 =	vld [tilespmem:s20+$0x420]  }
0x9d: {  	v5 =	vld [tilespmem:s20+$0x430]  }
0x9e: {  	v6 =	vld [tilespmem:s20+$0x440]  }
0x9f: {  	v7 =	vld [tilespmem:s20+$0x450];
	v2 =	vadd.s32 v0, v2  }
0xa0: {  	v8 =	vld [tilespmem:s20+$0x460];
	[tilespmem:s20+$0x400] =	vst v2;
	v2 =	vadd.s32 v0, v3  }
0xa1: {  	[tilespmem:s20+$0x410] =	vst v2;
	v2 =	vadd.s32 v0, v4;
	v4 =	vld [tilespmem:s20+$0x470]  }
0xa2: {  	[tilespmem:s20+$0x420] =	vst v2;
	v2 =	vadd.s32 v0, v5;
	v5 =	vld [tilespmem:s20+$0x480]  }
0xa3: {  	[tilespmem:s20+$0x430] =	vst v2;
	v2 =	vadd.s32 v0, v6;
	v6 =	vld [tilespmem:s20+$0x490]  }
0xa4: {  	v3 =	vld [tilespmem:s20+$0x4A0];
	[tilespmem:s20+$0x440] =	vst v2;
	v2 =	vadd.s32 v0, v7  }
0xa5: {  	v7 =	vadd.s32 v0, v8;
	[tilespmem:s20+$0x450] =	vst v2;
	v2 =	vld [tilespmem:s20+$0x4B0]  }
0xa6: {  	[tilespmem:s20+$0x460] =	vst v7;
	v7 =	vadd.s32 v0, v4;
	v4 =	vld [tilespmem:s20+$0x4C0]  }
0xa7: {  	[tilespmem:s20+$0x470] =	vst v7;
	v7 =	vadd.s32 v0, v5;
	v5 =	vld [tilespmem:s20+$0x4D0]  }
0xa8: {  	s7 =	simm.s32 $0x400;
	[tilespmem:s20+$0x480] =	vst v7;
	v7 =	vadd.s32 v0, v6;
	v6 =	vld [tilespmem:s20+$0x4E0]  }
.LBB2_9:
0xa9: {  	s9 =	sshra.s32 s7, $0x2;
	p1 =	sne.s32 s7, $0xC00;
	[tilespmem:s20+$0x490] =	vst v7;
	v3 =	vadd.s32 v0, v3;
	v7 =	vld [tilespmem:s20+$0x4F0]  }
0xaa: {  	v8 =	vld [tilespmem:s9+$0x400];
	[tilespmem:s20+$0x4A0] =	vst v3;
	v2 =	vadd.s32 v0, v2  }
0xab: {  	v3 =	vld [tilespmem:s9+$0x410];
	[tilespmem:s20+$0x4B0] =	vst v2;
	v2 =	vadd.s32 v0, v4  }
0xac: {  	v4 =	vld [tilespmem:s9+$0x420];
	[tilespmem:s20+$0x4C0] =	vst v2;
	v2 =	vadd.s32 v0, v5  }
0xad: {  	v5 =	vld [tilespmem:s9+$0x430];
	[tilespmem:s20+$0x4D0] =	vst v2;
	v2 =	vadd.s32 v0, v6  }
0xae: {  	v6 =	vld [tilespmem:s9+$0x440];
	[tilespmem:s20+$0x4E0] =	vst v2;
	v2 =	vadd.s32 v0, v7  }
0xaf: {  	v7 =	vadd.s32 v0, v8;
	v8 =	vld [tilespmem:s9+$0x450];
	[tilespmem:s20+$0x4F0] =	vst v2;
	s20 =	smov.u32 s9  }
0xb0: {  	[tilespmem:s20+$0x400] =	vst v7;
	v2 =	vadd.s32 v0, v3;
	v7 =	vld [tilespmem:s20+$0x460]  }
0xb1: {  	[tilespmem:s20+$0x410] =	vst v2;
	v2 =	vadd.s32 v0, v4;
	v4 =	vld [tilespmem:s20+$0x470]  }
0xb2: {  	[tilespmem:s20+$0x420] =	vst v2;
	v2 =	vadd.s32 v0, v5;
	v5 =	vld [tilespmem:s20+$0x480]  }
0xb3: {  	[tilespmem:s20+$0x430] =	vst v2;
	v2 =	vadd.s32 v0, v6;
	v6 =	vld [tilespmem:s20+$0x490]  }
.Ltmp3:
0xb4: {  	[tilespmem:s20+$0x440] =	vst v2;
	v2 =	vadd.s32 v0, v8;
	v3 =	vld [tilespmem:s20+$0x4A0];
	(pc) =	sbr.rel @p1 .LBB2_9-.Ltmp3, $4  }
0xb5: {  	[tilespmem:s20+$0x450] =	vst v2;
	v7 =	vadd.s32 v0, v7;
	v2 =	vld [tilespmem:s20+$0x4B0]  }
0xb6: {  	[tilespmem:s20+$0x460] =	vst v7;
	v7 =	vadd.s32 v0, v4;
	v4 =	vld [tilespmem:s20+$0x4C0]  }
0xb7: {  	[tilespmem:s20+$0x470] =	vst v7;
	v7 =	vadd.s32 v0, v5;
	v5 =	vld [tilespmem:s20+$0x4D0]  }
0xb8: {  	s7 =	sadd.s32 $0x400, s7;
	[tilespmem:s20+$0x480] =	vst v7;
	v7 =	vadd.s32 v0, v6;
	v6 =	vld [tilespmem:s20+$0x4E0]  }
0xb9: {  	[tilespmem:s20+$0x490] =	vst v7;
	v3 =	vadd.s32 v0, v3;
	v63 =	vld [tilespmem:s20+$0x4F0]  }
0xba: {  	[tilespmem:s20+$0x4A0] =	vst v3;
	v2 =	vadd.s32 v0, v2  }
0xbb: {  	[tilespmem:s20+$0x4B0] =	vst v2;
	v2 =	vadd.s32 v0, v4  }
0xbc: {  	[tilespmem:s20+$0x4C0] =	vst v2;
	v2 =	vadd.s32 v0, v5  }
0xbd: {  	[tilespmem:s20+$0x4D0] =	vst v2;
	v2 =	vadd.s32 v0, v6  }
0xbe: {  	[tilespmem:s20+$0x4E0] =	vst v2;
	v2 =	vadd.s32 v0, v63  }
0xbf: {  	[tilespmem:s20+$0x4F0] =	vst v2  }
0xc0: {  	_ =	swait.ge [sflag:s12], $0x2000  }
0xc1: {  	[sflag:s12] =	ssyncset.done $0x0  }
0xc2: {  	s7 =	simm.s32 @!p0 $0x6;
	[sflag:s12] =	ssyncadd.s32 $0xFFFFE000  }
0xc3: {  	[tilespmem:s26], [sflag:$0x1] =	stream.indirect.gather [hbm4b:s1+s25], $0x20, s4, s25, $0xb8;
	[tilespmem:$0x1B000] =	vst v63  }
0xc4: {  	_ =	swait.ge @!p0 [sflag:s7], $0x4000  }
0xc5: {  	[sflag:s7] =	ssyncset.done @!p0 $0x0  }
0xc6: {  	s10 =	simm.s32 $0x0;
	[sflag:s7] =	ssyncadd.s32 @!p0 $0xFFFFC000  }
0xc7: {  	v2 =	vld [tilespmem:s10+$0x3000];
	_ =	sdelay $0x4  }
0xc8: {  	s7 =	simm.s32 $0xD020;
	v3 =	vshll.u32 v2, $0x10  }
0xc9: {  	v2 =	vand.u32 $0xFFFF0000, v2;
	[tilespmem:s7+$0xFFFFFFE0] =	vst v3  }
0xca: {  	[tilespmem:s7+$0xFFFFFFF0] =	vst v2  }
0xcb: {  	s9 =	simm.s32 $0x80;
	s20 =	simm.s32 $0xD020;
	v2 =	vld [tilespmem:s10+$0x3010]  }
.LBB2_11:
0xcc: {  	_ =	sdelay $0x2  }
0xcd: {  	p0 =	sne.s32 s9, $0x7F80  }
0xce: {  	s7 =	sadd.s32 $0x40, s7;
	s10 =	smov.u32 s9;
	s9 =	sadd.s32 $0x80, s9;
	v3 =	vshll.u32 v2, $0x10;
	v2 =	vand.u32 $0xFFFF0000, v2  }
0xcf: {  	[tilespmem:s20+$0x0] =	vst v3  }
0xd0: {  	s10 =	sshra.s32 s10, $0x2;
	[tilespmem:s20+$0x10] =	vst v2;
	s20 =	smov.u32 s7  }
0xd1: {  	v2 =	vld [tilespmem:s10+$0x3000];
	_ =	sdelay $0x3  }
.Ltmp4:
0xd2: {  	(pc) =	sbr.rel @p0 .LBB2_11-.Ltmp4, $4  }
0xd3: {  	v3 =	vshll.u32 v2, $0x10;
	v2 =	vand.u32 $0xFFFF0000, v2  }
0xd4: {  	[tilespmem:s7+$0xFFFFFFE0] =	vst v3  }
0xd5: {  	[tilespmem:s7+$0xFFFFFFF0] =	vst v2  }
0xd6: {  	v2 =	vld [tilespmem:s10+$0x3010]  }
0xd7: {  	_ =	sdelay $0x3  }
0xd8: {  	v3 =	vshll.u32 v2, $0x10  }
0xd9: {  	v2 =	vand.u32 $0xFFFF0000, v2;
	[tilespmem:s20+$0x0] =	vst v3  }
0xda: {  	s7 =	simm.s32 $0x900;
	[tilespmem:s20+$0x10] =	vst v2  }
0xdb: {  	[spmem:s2] =	stream.indirect.scatter.add.f32 [tilespmem:s16], [sflag:$0x6], $0x40, s7, s25, $0xb8;
	[tilespmem:$0x1B000] =	vst v63  }
0xdc: {  	_ =	swait.ge [sflag:s17], $0x2000  }
0xdd: {  	[sflag:s17] =	ssyncset.done $0x0  }
0xde: {  	s20 =	simm.s32 $0x500;
	[sflag:s17] =	ssyncadd.s32 $0xFFFFE000  }
0xdf: {  	[tilespmem:s28], [sflag:$0x2] =	stream.indirect.gather [hbm4b:s1+s25], $0x20, s20, s25, $0xb8;
	[tilespmem:$0x1B000] =	vst v63  }
0xe0: {  	_ =	swait.ge [sflag:s19], $0x4000  }
0xe1: {  	[sflag:s19] =	ssyncset.done $0x0  }
0xe2: {  	s10 =	simm.s32 $0x0;
	[sflag:s19] =	ssyncadd.s32 $0xFFFFC000  }
0xe3: {  	v2 =	vld [tilespmem:s10+$0x5000];
	_ =	sdelay $0x4  }
0xe4: {  	s7 =	simm.s32 $0x9020;
	v3 =	vshll.u32 v2, $0x10  }
0xe5: {  	v2 =	vand.u32 $0xFFFF0000, v2;
	[tilespmem:s7+$0xFFFFFFE0] =	vst v3  }
0xe6: {  	[tilespmem:s7+$0xFFFFFFF0] =	vst v2  }
0xe7: {  	s9 =	simm.s32 $0x80;
	s20 =	simm.s32 $0x9020;
	v2 =	vld [tilespmem:s10+$0x5010]  }
.LBB2_13:
0xe8: {  	_ =	sdelay $0x2  }
0xe9: {  	p0 =	sne.s32 s9, $0x7F80  }
0xea: {  	s7 =	sadd.s32 $0x40, s7;
	s10 =	smov.u32 s9;
	s9 =	sadd.s32 $0x80, s9;
	v3 =	vshll.u32 v2, $0x10;
	v2 =	vand.u32 $0xFFFF0000, v2  }
0xeb: {  	[tilespmem:s20+$0x0] =	vst v3  }
0xec: {  	s10 =	sshra.s32 s10, $0x2;
	[tilespmem:s20+$0x10] =	vst v2;
	s20 =	smov.u32 s7  }
0xed: {  	v2 =	vld [tilespmem:s10+$0x5000];
	_ =	sdelay $0x3  }
.Ltmp5:
0xee: {  	(pc) =	sbr.rel @p0 .LBB2_13-.Ltmp5, $4  }
0xef: {  	v3 =	vshll.u32 v2, $0x10;
	v2 =	vand.u32 $0xFFFF0000, v2  }
0xf0: {  	[tilespmem:s7+$0xFFFFFFE0] =	vst v3  }
0xf1: {  	[tilespmem:s7+$0xFFFFFFF0] =	vst v2  }
0xf2: {  	v2 =	vld [tilespmem:s10+$0x5010]  }
0xf3: {  	_ =	sdelay $0x3  }
0xf4: {  	v3 =	vshll.u32 v2, $0x10  }
0xf5: {  	v2 =	vand.u32 $0xFFFF0000, v2;
	[tilespmem:s20+$0x0] =	vst v3  }
0xf6: {  	s7 =	simm.s32 $0xA00;
	[tilespmem:s20+$0x10] =	vst v2  }
0xf7: {  	[spmem:s2] =	stream.indirect.scatter.add.f32 [tilespmem:s22], [sflag:$0x5], $0x40, s7, s25, $0xb8;
	[tilespmem:$0x1B000] =	vst v63  }
0xf8: {  	_ =	swait.ge [sflag:s21], $0x2000  }
0xf9: {  	[sflag:s21] =	ssyncset.done $0x0  }
0xfa: {  	s20 =	simm.s32 $0x600;
	[sflag:s21] =	ssyncadd.s32 $0xFFFFE000  }
0xfb: {  	[tilespmem:s30], [sflag:$0x3] =	stream.indirect.gather [hbm4b:s1+s25], $0x20, s20, s25, $0xb8;
	[tilespmem:$0x1B000] =	vst v63  }
0xfc: {  	_ =	swait.ge [sflag:s8], $0x4000  }
0xfd: {  	[sflag:s8] =	ssyncset.done $0x0  }
0xfe: {  	s10 =	simm.s32 $0x0;
	[sflag:s8] =	ssyncadd.s32 $0xFFFFC000  }
0xff: {  	v2 =	vld [tilespmem:s10+$0x7000];
	_ =	sdelay $0x4  }
0x100: {  	s7 =	simm.s32 $0xD020;
	v3 =	vshll.u32 v2, $0x10  }
0x101: {  	v2 =	vand.u32 $0xFFFF0000, v2;
	[tilespmem:s7+$0xFFFFFFE0] =	vst v3  }
0x102: {  	[tilespmem:s7+$0xFFFFFFF0] =	vst v2  }
0x103: {  	s9 =	simm.s32 $0x80;
	s20 =	simm.s32 $0xD020;
	v2 =	vld [tilespmem:s10+$0x7010]  }
.LBB2_15:
0x104: {  	_ =	sdelay $0x2  }
0x105: {  	p0 =	sne.s32 s9, $0x7F80  }
0x106: {  	s7 =	sadd.s32 $0x40, s7;
	s10 =	smov.u32 s9;
	s9 =	sadd.s32 $0x80, s9;
	v3 =	vshll.u32 v2, $0x10;
	v2 =	vand.u32 $0xFFFF0000, v2  }
0x107: {  	[tilespmem:s20+$0x0] =	vst v3  }
0x108: {  	s10 =	sshra.s32 s10, $0x2;
	[tilespmem:s20+$0x10] =	vst v2;
	s20 =	smov.u32 s7  }
0x109: {  	v2 =	vld [tilespmem:s10+$0x7000];
	_ =	sdelay $0x3  }
.Ltmp6:
0x10a: {  	(pc) =	sbr.rel @p0 .LBB2_15-.Ltmp6, $4  }
0x10b: {  	v3 =	vshll.u32 v2, $0x10;
	v2 =	vand.u32 $0xFFFF0000, v2  }
0x10c: {  	[tilespmem:s7+$0xFFFFFFE0] =	vst v3  }
0x10d: {  	[tilespmem:s7+$0xFFFFFFF0] =	vst v2  }
0x10e: {  	v2 =	vld [tilespmem:s10+$0x7010]  }
0x10f: {  	_ =	sdelay $0x3  }
0x110: {  	v3 =	vshll.u32 v2, $0x10  }
0x111: {  	v2 =	vand.u32 $0xFFFF0000, v2;
	[tilespmem:s20+$0x0] =	vst v3  }
0x112: {  	s7 =	simm.s32 $0xB00;
	[tilespmem:s20+$0x10] =	vst v2  }
0x113: {  	[spmem:s2] =	stream.indirect.scatter.add.f32 [tilespmem:s16], [sflag:$0x6], $0x40, s7, s25, $0xb8;
	[tilespmem:$0x1B000] =	vst v63  }
0x114: {  	_ =	swait.ge [sflag:s31], $0x2000  }
0x115: {  	[sflag:s31] =	ssyncset.done $0x0  }
0x116: {  	s20 =	simm.s32 $0x700;
	[sflag:s31] =	ssyncadd.s32 $0xFFFFE000  }
0x117: {  	[tilespmem:s29], [sflag:$0x4] =	stream.indirect.gather [hbm4b:s1+s25], $0x20, s20, s25, $0xb8;
	[tilespmem:$0x1B000] =	vst v63  }
0x118: {  	_ =	swait.ge [sflag:s19], $0x4000  }
0x119: {  	[sflag:s19] =	ssyncset.done $0x0  }
0x11a: {  	s10 =	simm.s32 $0x0;
	[sflag:s19] =	ssyncadd.s32 $0xFFFFC000  }
0x11b: {  	v2 =	vld [tilespmem:s10+$0x1000];
	_ =	sdelay $0x4  }
0x11c: {  	s7 =	simm.s32 $0x9020;
	v3 =	vshll.u32 v2, $0x10  }
0x11d: {  	v2 =	vand.u32 $0xFFFF0000, v2;
	[tilespmem:s7+$0xFFFFFFE0] =	vst v3  }
0x11e: {  	[tilespmem:s7+$0xFFFFFFF0] =	vst v2  }
0x11f: {  	s9 =	simm.s32 $0x80;
	s20 =	simm.s32 $0x9020;
	v2 =	vld [tilespmem:s10+$0x1010]  }
.LBB2_17:
0x120: {  	_ =	sdelay $0x2  }
0x121: {  	p0 =	sne.s32 s9, $0x7F80  }
0x122: {  	s7 =	sadd.s32 $0x40, s7;
	s10 =	smov.u32 s9;
	s9 =	sadd.s32 $0x80, s9;
	v3 =	vshll.u32 v2, $0x10;
	v2 =	vand.u32 $0xFFFF0000, v2  }
0x123: {  	[tilespmem:s20+$0x0] =	vst v3  }
0x124: {  	s10 =	sshra.s32 s10, $0x2;
	[tilespmem:s20+$0x10] =	vst v2;
	s20 =	smov.u32 s7  }
0x125: {  	v2 =	vld [tilespmem:s10+$0x1000];
	_ =	sdelay $0x3  }
.Ltmp7:
0x126: {  	(pc) =	sbr.rel @p0 .LBB2_17-.Ltmp7, $4  }
0x127: {  	v3 =	vshll.u32 v2, $0x10;
	v2 =	vand.u32 $0xFFFF0000, v2  }
0x128: {  	[tilespmem:s7+$0xFFFFFFE0] =	vst v3  }
0x129: {  	[tilespmem:s7+$0xFFFFFFF0] =	vst v2  }
0x12a: {  	v2 =	vld [tilespmem:s10+$0x1010]  }
0x12b: {  	_ =	sdelay $0x1  }
0x12c: {  	p0 =	seq.s32 s14, $0x9  }
.Ltmp8:
0x12d: {  	_ = 	snop;
	(pc) =	sbr.rel @p0 .LBB2_22-.Ltmp8, $4  }
0x12e: {  	v3 =	vshll.u32 v2, $0x10  }
0x12f: {  	v2 =	vand.u32 $0xFFFF0000, v2;
	[tilespmem:s20+$0x0] =	vst v3  }
0x130: {  	[tilespmem:s20+$0x10] =	vst v2  }
0x131: {  	[spmem:s2] =	stream.indirect.scatter.add.f32 [tilespmem:s22], [sflag:$0x5], $0x40, s3, s25, $0xb8;
	[tilespmem:$0x1B000] =	vst v63  }
0x132: {  	s7 =	sshll.u32 s14, $0xB;
	s9 =	rddreg [dreg:$0xb]  }
0x133: {  	s7 =	sadd.s32 s7, s9  }
0x134: {  	s7 =	sshrl.u32 s7, $0x3  }
0x135: {  	s10 =	simm.s32 $0x0;
	s20 =	sadd.s32 s5, s7  }
0x136: {  	[tilespmem:s10], [sflag:$0x7] =	stream.linear.gather [hbm4b:s20+s10], $0x400, $0x38;
	[tilespmem:$0x1B000] =	vst v63  }
0x137: {  	_ =	swait.ge [sflag:s23], $0x400  }
0x138: {  	[sflag:s23] =	ssyncset.done $0x0  }
0x139: {  	s7 =	sadd.s32 s6, s7;
	[sflag:s23] =	ssyncadd.s32 $0xFFFFFC00  }
0x13a: {  	[tilespmem:s24], [sflag:$0x7] =	stream.linear.gather [hbm4b:s7+s10], $0x400, $0x38;
	[tilespmem:$0x1B000] =	vst v63  }
0x13b: {  	_ =	swait.ge [sflag:s23], $0x400  }
0x13c: {  	[sflag:s23] =	ssyncset.done $0x0  }
0x13d: {  	s20 =	simm.s32 $0x0;
	[sflag:s23] =	ssyncadd.s32 $0xFFFFFC00  }
0x13e: {  	v2 =	vld [tilespmem:s20+$0x0]  }
0x13f: {  	v3 =	vld [tilespmem:s20+$0x10]  }
0x140: {  	v4 =	vld [tilespmem:s20+$0x20]  }
0x141: {  	v5 =	vld [tilespmem:s20+$0x30]  }
0x142: {  	v6 =	vld [tilespmem:s20+$0x40]  }
0x143: {  	v7 =	vld [tilespmem:s20+$0x50];
	v2 =	vadd.s32 v0, v2  }
0x144: {  	v8 =	vld [tilespmem:s20+$0x60];
	[tilespmem:s20+$0x0] =	vst v2;
	v2 =	vadd.s32 v0, v3  }
0x145: {  	[tilespmem:s20+$0x10] =	vst v2;
	v2 =	vadd.s32 v0, v4;
	v4 =	vld [tilespmem:s20+$0x70]  }
0x146: {  	[tilespmem:s20+$0x20] =	vst v2;
	v2 =	vadd.s32 v0, v5;
	v5 =	vld [tilespmem:s20+$0x80]  }
0x147: {  	[tilespmem:s20+$0x30] =	vst v2;
	v2 =	vadd.s32 v0, v6;
	v6 =	vld [tilespmem:s20+$0x90]  }
0x148: {  	v3 =	vld [tilespmem:s20+$0xA0];
	[tilespmem:s20+$0x40] =	vst v2;
	v2 =	vadd.s32 v0, v7  }
0x149: {  	v7 =	vadd.s32 v0, v8;
	[tilespmem:s20+$0x50] =	vst v2;
	v2 =	vld [tilespmem:s20+$0xB0]  }
0x14a: {  	[tilespmem:s20+$0x60] =	vst v7;
	v7 =	vadd.s32 v0, v4;
	v4 =	vld [tilespmem:s20+$0xC0]  }
0x14b: {  	[tilespmem:s20+$0x70] =	vst v7;
	v7 =	vadd.s32 v0, v5;
	v5 =	vld [tilespmem:s20+$0xD0]  }
0x14c: {  	s7 =	simm.s32 $0x400;
	[tilespmem:s20+$0x80] =	vst v7;
	v7 =	vadd.s32 v0, v6;
	v6 =	vld [tilespmem:s20+$0xE0]  }
.LBB2_20:
0x14d: {  	s9 =	sshra.s32 s7, $0x2;
	p0 =	sne.s32 s7, $0xC00;
	[tilespmem:s20+$0x90] =	vst v7;
	v3 =	vadd.s32 v0, v3;
	v7 =	vld [tilespmem:s20+$0xF0]  }
0x14e: {  	v8 =	vld [tilespmem:s9+$0x0];
	[tilespmem:s20+$0xA0] =	vst v3;
	v2 =	vadd.s32 v0, v2  }
0x14f: {  	v3 =	vld [tilespmem:s9+$0x10];
	[tilespmem:s20+$0xB0] =	vst v2;
	v2 =	vadd.s32 v0, v4  }
0x150: {  	v4 =	vld [tilespmem:s9+$0x20];
	[tilespmem:s20+$0xC0] =	vst v2;
	v2 =	vadd.s32 v0, v5  }
0x151: {  	v5 =	vld [tilespmem:s9+$0x30];
	[tilespmem:s20+$0xD0] =	vst v2;
	v2 =	vadd.s32 v0, v6  }
0x152: {  	v6 =	vld [tilespmem:s9+$0x40];
	[tilespmem:s20+$0xE0] =	vst v2;
	v2 =	vadd.s32 v0, v7  }
0x153: {  	v7 =	vadd.s32 v0, v8;
	v8 =	vld [tilespmem:s9+$0x50];
	[tilespmem:s20+$0xF0] =	vst v2;
	s20 =	smov.u32 s9  }
0x154: {  	[tilespmem:s20+$0x0] =	vst v7;
	v2 =	vadd.s32 v0, v3;
	v7 =	vld [tilespmem:s20+$0x60]  }
0x155: {  	[tilespmem:s20+$0x10] =	vst v2;
	v2 =	vadd.s32 v0, v4;
	v4 =	vld [tilespmem:s20+$0x70]  }
0x156: {  	[tilespmem:s20+$0x20] =	vst v2;
	v2 =	vadd.s32 v0, v5;
	v5 =	vld [tilespmem:s20+$0x80]  }
0x157: {  	[tilespmem:s20+$0x30] =	vst v2;
	v2 =	vadd.s32 v0, v6;
	v6 =	vld [tilespmem:s20+$0x90]  }
.Ltmp9:
0x158: {  	[tilespmem:s20+$0x40] =	vst v2;
	v2 =	vadd.s32 v0, v8;
	v3 =	vld [tilespmem:s20+$0xA0];
	(pc) =	sbr.rel @p0 .LBB2_20-.Ltmp9, $4  }
0x159: {  	[tilespmem:s20+$0x50] =	vst v2;
	v7 =	vadd.s32 v0, v7;
	v2 =	vld [tilespmem:s20+$0xB0]  }
0x15a: {  	[tilespmem:s20+$0x60] =	vst v7;
	v7 =	vadd.s32 v0, v4;
	v4 =	vld [tilespmem:s20+$0xC0]  }
0x15b: {  	[tilespmem:s20+$0x70] =	vst v7;
	v7 =	vadd.s32 v0, v5;
	v5 =	vld [tilespmem:s20+$0xD0]  }
0x15c: {  	s7 =	sadd.s32 $0x400, s7;
	[tilespmem:s20+$0x80] =	vst v7;
	v7 =	vadd.s32 v0, v6;
	v6 =	vld [tilespmem:s20+$0xE0]  }
0x15d: {  	[tilespmem:s20+$0x90] =	vst v7;
	v3 =	vadd.s32 v0, v3;
	v63 =	vld [tilespmem:s20+$0xF0]  }
0x15e: {  	[tilespmem:s20+$0xA0] =	vst v3;
	v2 =	vadd.s32 v0, v2  }
0x15f: {  	[tilespmem:s20+$0xB0] =	vst v2;
	v2 =	vadd.s32 v0, v4  }
0x160: {  	[tilespmem:s20+$0xC0] =	vst v2;
	v2 =	vadd.s32 v0, v5  }
0x161: {  	[tilespmem:s20+$0xD0] =	vst v2;
	v2 =	vadd.s32 v0, v6  }
0x162: {  	[tilespmem:s20+$0xE0] =	vst v2;
	v2 =	vadd.s32 v0, v63  }
0x163: {  	[tilespmem:s20+$0xF0] =	vst v2  }
.LBB2_22:
0x164: {  	_ =	swait.ge [sflag:s12], $0x2000;
	p0 =	sgt.u32 s18, $0x12  }
0x165: {  	[sflag:s12] =	ssyncset.done $0x0;
	s7 =	simm.s32 @!p0 $0x100  }
0x166: {  	s9 =	simm.s32 @!p0 $0x0;
	s10 =	simm.s32 @!p0 $0x1000;
	[sflag:s12] =	ssyncadd.s32 $0xFFFFE000  }
0x167: {  	[tilespmem:s10], [sflag:$0x1] =	stream.indirect.gather @!p0 [hbm4b:s1+s7], $0x20, s9, s7, $0xb8;
	[tilespmem:$0x1B000] =	vst v63  }
0x168: {  	_ =	swait.ge [sflag:s8], $0x4000  }
0x169: {  	[sflag:s8] =	ssyncset.done $0x0  }
0x16a: {  	s20 =	simm.s32 $0x0;
	[sflag:s8] =	ssyncadd.s32 $0xFFFFC000  }
0x16b: {  	v2 =	vld [tilespmem:s20+$0x3000];
	_ =	sdelay $0x4  }
0x16c: {  	s7 =	simm.s32 $0xD020;
	v3 =	vshll.u32 v2, $0x10  }
0x16d: {  	v2 =	vand.u32 $0xFFFF0000, v2;
	[tilespmem:s7+$0xFFFFFFE0] =	vst v3  }
0x16e: {  	[tilespmem:s7+$0xFFFFFFF0] =	vst v2  }
0x16f: {  	s18 =	simm.s32 $0xD020;
	s9 =	simm.s32 $0x80;
	v2 =	vld [tilespmem:s20+$0x3010]  }
.LBB2_23:
0x170: {  	_ =	sdelay $0x2  }
0x171: {  	p1 =	sne.s32 s9, $0x7F80  }
0x172: {  	s7 =	sadd.s32 $0x40, s7;
	s10 =	smov.u32 s9;
	s9 =	sadd.s32 $0x80, s9;
	v3 =	vshll.u32 v2, $0x10;
	v2 =	vand.u32 $0xFFFF0000, v2  }
0x173: {  	[tilespmem:s18+$0x0] =	vst v3  }
0x174: {  	s10 =	sshra.s32 s10, $0x2;
	[tilespmem:s18+$0x10] =	vst v2;
	s18 =	smov.u32 s7  }
0x175: {  	v2 =	vld [tilespmem:s10+$0x3000];
	_ =	sdelay $0x3  }
.Ltmp10:
0x176: {  	(pc) =	sbr.rel @p1 .LBB2_23-.Ltmp10, $4  }
0x177: {  	v3 =	vshll.u32 v2, $0x10;
	v2 =	vand.u32 $0xFFFF0000, v2  }
0x178: {  	[tilespmem:s7+$0xFFFFFFE0] =	vst v3  }
0x179: {  	[tilespmem:s7+$0xFFFFFFF0] =	vst v2  }
0x17a: {  	v2 =	vld [tilespmem:s10+$0x3010]  }
0x17b: {  	_ =	sdelay $0x3  }
0x17c: {  	v3 =	vshll.u32 v2, $0x10  }
0x17d: {  	v2 =	vand.u32 $0xFFFF0000, v2;
	[tilespmem:s18+$0x0] =	vst v3  }
0x17e: {  	[tilespmem:s18+$0x10] =	vst v2  }
0x17f: {  	[spmem:s2] =	stream.indirect.scatter.add.f32 [tilespmem:s16], [sflag:$0x6], $0x40, s11, s25, $0xb8;
	[tilespmem:$0x1B000] =	vst v63  }
0x180: {  	_ =	swait.ge [sflag:s17], $0x2000  }
0x181: {  	[sflag:s17] =	ssyncset.done $0x0  }
0x182: {  	s7 =	simm.s32 @!p0 $0x100;
	s9 =	simm.s32 @!p0 $0x3000;
	[sflag:s17] =	ssyncadd.s32 $0xFFFFE000  }
0x183: {  	[tilespmem:s9], [sflag:$0x2] =	stream.indirect.gather @!p0 [hbm4b:s1+s7], $0x20, s7, s7, $0xb8;
	[tilespmem:$0x1B000] =	vst v63  }
0x184: {  	_ =	swait.ge [sflag:s19], $0x4000  }
0x185: {  	[sflag:s19] =	ssyncset.done $0x0  }
0x186: {  	s10 =	simm.s32 $0x0;
	[sflag:s19] =	ssyncadd.s32 $0xFFFFC000  }
0x187: {  	v2 =	vld [tilespmem:s10+$0x5000];
	_ =	sdelay $0x4  }
0x188: {  	s7 =	simm.s32 $0x9020;
	v3 =	vshll.u32 v2, $0x10  }
0x189: {  	v2 =	vand.u32 $0xFFFF0000, v2;
	[tilespmem:s7+$0xFFFFFFE0] =	vst v3  }
0x18a: {  	[tilespmem:s7+$0xFFFFFFF0] =	vst v2  }
0x18b: {  	s18 =	simm.s32 $0x9020;
	s9 =	simm.s32 $0x80;
	v2 =	vld [tilespmem:s10+$0x5010]  }
.LBB2_25:
0x18c: {  	_ =	sdelay $0x2  }
0x18d: {  	p1 =	sne.s32 s9, $0x7F80  }
0x18e: {  	s7 =	sadd.s32 $0x40, s7;
	s10 =	smov.u32 s9;
	s9 =	sadd.s32 $0x80, s9;
	v3 =	vshll.u32 v2, $0x10;
	v2 =	vand.u32 $0xFFFF0000, v2  }
0x18f: {  	[tilespmem:s18+$0x0] =	vst v3  }
0x190: {  	s10 =	sshra.s32 s10, $0x2;
	[tilespmem:s18+$0x10] =	vst v2;
	s18 =	smov.u32 s7  }
0x191: {  	v2 =	vld [tilespmem:s10+$0x5000];
	_ =	sdelay $0x3  }
.Ltmp11:
0x192: {  	(pc) =	sbr.rel @p1 .LBB2_25-.Ltmp11, $4  }
0x193: {  	v3 =	vshll.u32 v2, $0x10;
	v2 =	vand.u32 $0xFFFF0000, v2  }
0x194: {  	[tilespmem:s7+$0xFFFFFFE0] =	vst v3  }
0x195: {  	[tilespmem:s7+$0xFFFFFFF0] =	vst v2  }
0x196: {  	v2 =	vld [tilespmem:s10+$0x5010]  }
0x197: {  	_ =	sdelay $0x3  }
0x198: {  	v3 =	vshll.u32 v2, $0x10  }
0x199: {  	v2 =	vand.u32 $0xFFFF0000, v2;
	[tilespmem:s18+$0x0] =	vst v3  }
0x19a: {  	[tilespmem:s18+$0x10] =	vst v2  }
0x19b: {  	[spmem:s2] =	stream.indirect.scatter.add.f32 [tilespmem:s22], [sflag:$0x5], $0x40, s15, s25, $0xb8;
	[tilespmem:$0x1B000] =	vst v63  }
0x19c: {  	_ =	swait.ge [sflag:s21], $0x2000  }
0x19d: {  	s7 =	simm.s32 @!p0 $0x100;
	[sflag:s21] =	ssyncset.done $0x0  }
0x19e: {  	s9 =	simm.s32 @!p0 $0x200;
	s10 =	simm.s32 @!p0 $0x5000;
	[sflag:s21] =	ssyncadd.s32 $0xFFFFE000  }
0x19f: {  	[tilespmem:s10], [sflag:$0x3] =	stream.indirect.gather @!p0 [hbm4b:s1+s7], $0x20, s9, s7, $0xb8;
	[tilespmem:$0x1B000] =	vst v63  }
0x1a0: {  	_ =	swait.ge [sflag:s8], $0x4000  }
0x1a1: {  	[sflag:s8] =	ssyncset.done $0x0  }
0x1a2: {  	s20 =	simm.s32 $0x0;
	[sflag:s8] =	ssyncadd.s32 $0xFFFFC000  }
0x1a3: {  	v2 =	vld [tilespmem:s20+$0x7000];
	_ =	sdelay $0x4  }
0x1a4: {  	s7 =	simm.s32 $0xD020;
	v3 =	vshll.u32 v2, $0x10  }
0x1a5: {  	v2 =	vand.u32 $0xFFFF0000, v2;
	[tilespmem:s7+$0xFFFFFFE0] =	vst v3  }
0x1a6: {  	[tilespmem:s7+$0xFFFFFFF0] =	vst v2  }
0x1a7: {  	s18 =	simm.s32 $0xD020;
	s9 =	simm.s32 $0x80;
	v2 =	vld [tilespmem:s20+$0x7010]  }
.LBB2_27:
0x1a8: {  	_ =	sdelay $0x2  }
0x1a9: {  	p0 =	sne.s32 s9, $0x7F80  }
0x1aa: {  	s7 =	sadd.s32 $0x40, s7;
	s10 =	smov.u32 s9;
	s9 =	sadd.s32 $0x80, s9;
	v3 =	vshll.u32 v2, $0x10;
	v2 =	vand.u32 $0xFFFF0000, v2  }
0x1ab: {  	[tilespmem:s18+$0x0] =	vst v3  }
0x1ac: {  	s10 =	sshra.s32 s10, $0x2;
	[tilespmem:s18+$0x10] =	vst v2;
	s18 =	smov.u32 s7  }
0x1ad: {  	v2 =	vld [tilespmem:s10+$0x7000];
	_ =	sdelay $0x3  }
.Ltmp12:
0x1ae: {  	(pc) =	sbr.rel @p0 .LBB2_27-.Ltmp12, $4  }
0x1af: {  	v3 =	vshll.u32 v2, $0x10;
	v2 =	vand.u32 $0xFFFF0000, v2  }
0x1b0: {  	[tilespmem:s7+$0xFFFFFFE0] =	vst v3  }
0x1b1: {  	[tilespmem:s7+$0xFFFFFFF0] =	vst v2  }
0x1b2: {  	v2 =	vld [tilespmem:s10+$0x7010]  }
0x1b3: {  	_ = 	snop  }
0x1b4: {  	s14 =	sadd.s32 $0x1, s14  }
0x1b5: {  	p0 =	sne.s32 s14, $0xA  }
.Ltmp13:
0x1b6: {  	_ = 	snop;
	(pc) =	sbr.rel @p0 .LBB2_6-.Ltmp13, $4  }
0x1b7: {  	v3 =	vshll.u32 v2, $0x10  }
0x1b8: {  	v2 =	vand.u32 $0xFFFF0000, v2;
	[tilespmem:s18+$0x0] =	vst v3  }
0x1b9: {  	[tilespmem:s18+$0x10] =	vst v2  }
0x1ba: {  	[spmem:s2] =	stream.indirect.scatter.add.f32 [tilespmem:s16], [sflag:$0x6], $0x40, s0, s25, $0xb8;
	[tilespmem:$0x1B000] =	vst v63  }
0x1bb: {  	_ =	swait.ge [sflag:s19], $0x4000  }
0x1bc: {  	[sflag:s19] =	ssyncset.done $0x0  }
0x1bd: {  	[sflag:s19] =	ssyncadd.s32 $0xFFFFC000  }
0x1be: {  	_ =	swait.ge [sflag:s8], $0x4000  }
0x1bf: {  	[sflag:s8] =	ssyncset.done $0x0  }
0x1c0: {  	[sflag:s8] =	ssyncadd.s32 $0xFFFFC000  }
0x1c1: {  	s7 =	stileid.u32;
	[bflag:$0x0] =	sbarrier.arrive $0xFFFF  }
0x1c2: {  	s7 =	sshll.u32 s7, $0x6;
	s9 =	rddreg [dreg:$0x4]  }
0x1c3: {  	s7 =	sor.u32 $0x1C07, s7;
	s10 =	rddreg [dreg:$0xc];
	s9 =	sshrl.u32 s9, $0x3  }
0x1c4: {  	[hbm:s10], [sflag:s7] =	dma.local [spmem:s9], $0x400  }
0x1c5: {  	_ =	swait.ge [sflag:s23], $0x400  }
0x1c6: {  	[sflag:s23] =	ssyncset.done $0x0;
	s18 =	rddreg [dreg:$0x5]  }
0x1c7: {  	s20 =	rddreg [dreg:$0xd];
	[sflag:s23] =	ssyncadd.s32 $0xFFFFFC00;
	s9 =	sshrl.u32 s18, $0x3  }
0x1c8: {  	[hbm:s20], [sflag:s7] =	dma.local [spmem:s9], $0x400  }
0x1c9: {  	_ =	swait.ge [sflag:s23], $0x400  }
0x1ca: {  	[sflag:s23] =	ssyncset.done $0x0;
	s10 =	rddreg [dreg:$0x6]  }
0x1cb: {  	s14 =	rddreg [dreg:$0xe];
	[sflag:s23] =	ssyncadd.s32 $0xFFFFFC00;
	s9 =	sshrl.u32 s10, $0x3  }
0x1cc: {  	[hbm:s14], [sflag:s7] =	dma.local [spmem:s9], $0x400  }
0x1cd: {  	_ =	swait.ge [sflag:s23], $0x400  }
0x1ce: {  	[sflag:s23] =	ssyncset.done $0x0;
	s18 =	rddreg [dreg:$0x7]  }
0x1cf: {  	s20 =	rddreg [dreg:$0xf];
	[sflag:s23] =	ssyncadd.s32 $0xFFFFFC00;
	s9 =	sshrl.u32 s18, $0x3  }
0x1d0: {  	[hbm:s20], [sflag:s7] =	dma.local [spmem:s9], $0x400  }
0x1d1: {  	_ =	swait.ge [sflag:s23], $0x400  }
0x1d2: {  	[sflag:s23] =	ssyncset.done $0x0;
	s10 =	rddreg [dreg:$0x8]  }
0x1d3: {  	s14 =	rddreg [dreg:$0x10];
	[sflag:s23] =	ssyncadd.s32 $0xFFFFFC00;
	s9 =	sshrl.u32 s10, $0x3  }
0x1d4: {  	[hbm:s14], [sflag:s7] =	dma.local [spmem:s9], $0x400  }
0x1d5: {  	_ =	swait.ge [sflag:s23], $0x400  }
0x1d6: {  	s18 =	rddreg [dreg:$0x12]  }
0x1d7: {  	s20 =	rddreg [dreg:$0x11];
	s9 =	sadd.s32 $0x1, s18  }
0x1d8: {  	p0 =	sne.s32 s9, s20  }
.Ltmp14:
0x1d9: {  	_ = 	snop;
	(pc) =	sbr.rel @p0 .LBB2_1-.Ltmp14, $3  }
0x1da: {  	_ =	sdelay $0x1  }
0x1db: {  	[sflag:s23] =	ssyncset.done $0x0  }
0x1dc: {  	[sflag:s23] =	ssyncadd.s32 $0xFFFFFC00  }
0x1dd: {  	_ =	sfence.sel $0x180000  }
0x1de: {  	[bflag:$0x0] =	sbarrier.arrive $0xFFFF  }
0x1df: {  	_ =	strace $0x9000004A  }
0x1e0: {  	s0 =	stileid.u32;
	[bflag:$0x2] =	sbarrier.arrive $0xFFFF  }
0x1e1: {  	p0 =	sne.s32 s0, $0x0;
	s0 =	rddreg [dreg:$0x3]  }
0x1e2: {  	s0 =	sadd.s32 @!p0 $0x100000, s0  }
0x1e3: {  	[sflag:s0] =	ssyncadd.tile.s32 @!p0 $0x1;
	_ =	shalt  }
.Lfunc_end2:
_tile_overlayer_lowered:
.L_overlay_start_2:
0x1e4: {  	(tag) =	ssettag $0x2  }
0x1e5: {  	s0 =	rddreg [dreg:$0x0];
	s2 =	stileid.u32  }
0x1e6: {  	s1 =	rddreg [dreg:$0x1];
	p0 =	sne.s32 s2, $0x0  }
0x1e7: {  	s3 =	rddreg [dreg:$0x2];
	[bflag:$0x3] =	sbarrier.arrive $0xFFFF;
	s2 =	simm.s32 @!p0 $0x1C07  }
0x1e8: {  	[timem:s3], [sflag:s2] =	dma.local @!p0 [hbm:s0], s1  }
0x1e9: {  	s0 =	simm.s32 @!p0 $0x7  }
0x1ea: {  	_ =	swait.ge @!p0 [sflag:s0], s1  }
0x1eb: {  	s1 =	ssub.s32 @!p0 $0x0, s1;
	[sflag:s0] =	ssyncset.done @!p0 $0x0  }
0x1ec: {  	[sflag:s0] =	ssyncadd.s32 @!p0 s1  }
0x1ed: {  	[bflag:$0x3] =	sbarrier.arrive $0xFFFF  }
0x1ee: {  	_ =	shalt  }

</sc_bundles>
